<compile_context>
chip_gen: v7x
topology: tpu7x:2x2x1
jax: 0.10.2.dev20260603
libtpu: 0.0.44.dev20260713+nightly
codegen_flags: <defaults>
</compile_context>

<pallas_src>
import functools

import jax
import jax.numpy as jnp
from jax import lax
from jax.experimental import pallas as pl
from jax.experimental.pallas import tpu as pltpu
from jax.experimental.pallas import tpu_sc as plsc

N, K, C = 1024, 64, 512
V, P, M = 256, 256, 32768
NK = N * K
NC, NS = 2, 16
NW = NC * NS
CH = 128
BPW = M // NW
SCALE = float(C) ** -0.5
_mesh = functools.partial(plsc.VectorSubcoreMesh,
                          core_axis_name="c", subcore_axis_name="s")


def _gelu_exact(x):
    z = x * (2.0 ** -0.5)
    az = jnp.abs(z)
    t = 1.0 / (1.0 + 0.3275911 * az)
    poly = t * (0.254829592 + t * (-0.284496736 + t * (1.421413741
               + t * (-1.453152027 + t * 1.061405429))))
    erf_az = 1.0 - poly * jnp.exp(-az * az)
    erf_z = jnp.sign(z) * erf_az
    return x * 0.5 * (1.0 + erf_z)


def _ln(x, g, b):
    mu = jnp.mean(x, axis=-1, keepdims=True)
    var = jnp.mean((x - mu) ** 2, axis=-1, keepdims=True)
    return (x - mu) * lax.rsqrt(var + 1e-5) * g + b


def _point_body(x, WpP, bpP, gpP, bepP, Wpub, bpub, gpub, bepub,
                gca, bca, Wq, Wk, Wv, bctx,
                pub_o, pri_o, q_o, qbf_o, kv_o):
    xv = x[...]
    pri = jax.nn.relu(_ln(xv @ WpP[...] + bpP[...], gpP[...], bepP[...]))
    pub = jax.nn.relu(_ln(xv @ Wpub[...] + bpub[...], gpub[...], bepub[...]))
    xn = _ln(pub, gca[...], bca[...])
    q = xn @ Wq[...]
    q_o[...] = q
    qbf_o[...] = q.astype(jnp.bfloat16)
    pub_o[...] = pub
    pri_o[...] = pri
    kv_o[...] = jnp.concatenate([bctx[...] @ Wk[...], bctx[...] @ Wv[...]], 0)


def _point_call(x, p):
    r = lambda v: v.reshape(1, -1)
    return pl.pallas_call(
        _point_body,
        out_shape=[jax.ShapeDtypeStruct((N, C), jnp.float32),
                   jax.ShapeDtypeStruct((N, C), jnp.float32),
                   jax.ShapeDtypeStruct((N, C), jnp.float32),
                   jax.ShapeDtypeStruct((N, C), jnp.bfloat16),
                   jax.ShapeDtypeStruct((2, C), jnp.float32)],
    )(x, p['W_pP'], r(p['b_pP']), r(p['g_pP']), r(p['be_pP']),
      p['W_pub'], r(p['b_pub']), r(p['g_pub']), r(p['be_pub']),
      r(p['g_ca']), r(p['b_ca']), p['Wq'], p['Wk'], p['Wv'], r(p['b_ctx']))


def _sc_gather_rows2(table1, idx1, table2, idx2):
    B = idx1.shape[0]
    D = table1.shape[1]
    bpw = B // NW
    nch = bpw // CH

    @functools.partial(
        pl.kernel,
        out_type=[jax.ShapeDtypeStruct((B, D), jnp.float32),
                  jax.ShapeDtypeStruct((B, D), jnp.float32)],
        mesh=_mesh(),
        scratch_types=[pltpu.VMEM((CH,), jnp.int32),
                       pltpu.VMEM((CH, D), jnp.float32),
                       pltpu.SemaphoreType.DMA],
    )
    def k(t1_hbm, i1_hbm, t2_hbm, i2_hbm, o1_hbm, o2_hbm, idx_v, rows_v, sem):
        wid = lax.axis_index("s") * NC + lax.axis_index("c")
        base = wid * bpw

        def mk_body(t_hbm, i_hbm, o_hbm):
            def body(i, carry):
                off = pl.multiple_of(base + i * CH, CH)
                pltpu.sync_copy(i_hbm.at[pl.ds(off, CH)], idx_v)
                pltpu.async_copy(t_hbm.at[idx_v], rows_v, sem).wait()
                pltpu.sync_copy(rows_v, o_hbm.at[pl.ds(off, CH)])
                return carry
            return body

        lax.fori_loop(0, nch, mk_body(t1_hbm, i1_hbm, o1_hbm), 0)
        lax.fori_loop(0, nch, mk_body(t2_hbm, i2_hbm, o2_hbm), 0)

    return k(table1, idx1, table2, idx2)


def _sc_gather_flat(table, idx):
    B = idx.shape[0]
    bpw = B // NW
    nch = bpw // CH

    @functools.partial(
        pl.kernel,
        out_type=jax.ShapeDtypeStruct((B,), jnp.float32),
        mesh=_mesh(),
        scratch_types=[pltpu.VMEM((CH,), jnp.int32),
                       pltpu.VMEM((CH,), jnp.float32),
                       pltpu.SemaphoreType.DMA],
    )
    def k(table_hbm, idx_hbm, out_hbm, idx_v, val_v, sem):
        wid = lax.axis_index("s") * NC + lax.axis_index("c")
        base = wid * bpw

        def body(i, carry):
            off = pl.multiple_of(base + i * CH, CH)
            pltpu.sync_copy(idx_hbm.at[pl.ds(off, CH)], idx_v)
            pltpu.async_copy(table_hbm.at[idx_v], val_v, sem).wait()
            pltpu.sync_copy(val_v, out_hbm.at[pl.ds(off, CH)])
            return carry

        lax.fori_loop(0, nch, body, 0)

    return k(table, idx)


def _rows_body(X, QG, Wpub, bpub, gpub, bepub, WpI, bpI, gpI, bepI,
               gctx, bctx, Wk, Wv, pub_o, pri_o, vr_o, s_o):
    x = X[...]
    pub = jax.nn.relu(_ln(x @ Wpub[...] + bpub[...], gpub[...], bepub[...]))
    pri = jax.nn.relu(_ln(x @ WpI[...] + bpI[...], gpI[...], bepI[...]))
    kc = _ln(pub, gctx[...], bctx[...])
    vc = _ln(pri, gctx[...], bctx[...])
    kr = kc @ Wk[...]
    vr = vc @ Wv[...]
    s = jnp.sum(kr * QG[...].astype(jnp.float32), axis=1) * SCALE
    pub_o[...] = pub.astype(jnp.bfloat16)
    pri_o[...] = pri.astype(jnp.bfloat16)
    vr_o[...] = vr.astype(jnp.bfloat16)
    s_o[...] = (s + 1024.0)[None, None, :]


def _rows_call(X, QG, p):
    BR = 1024
    G = M // BR
    r = lambda v: v.reshape(1, -1)
    row = pl.BlockSpec((BR, C), lambda g: (g, 0))
    full = lambda a, b: pl.BlockSpec((a, b), lambda g: (0, 0))
    return pl.pallas_call(
        _rows_body,
        grid=(G,),
        in_specs=[row, row,
                  full(C, C), full(1, C), full(1, C), full(1, C),
                  full(C, C), full(1, C), full(1, C), full(1, C),
                  full(1, C), full(1, C), full(C, C), full(C, C)],
        out_specs=[row, row, row, pl.BlockSpec((1, 1, BR), lambda g: (g, 0, 0))],
        out_shape=[jax.ShapeDtypeStruct((M, C), jnp.bfloat16),
                   jax.ShapeDtypeStruct((M, C), jnp.bfloat16),
                   jax.ShapeDtypeStruct((M, C), jnp.bfloat16),
                   jax.ShapeDtypeStruct((G, 1, BR), jnp.float32)],
    )(X, QG, p['W_pub'], r(p['b_pub']), r(p['g_pub']), r(p['be_pub']),
      p['W_pI'], r(p['b_pI']), r(p['g_pI']), r(p['be_pI']),
      r(p['g_ctx']), r(p['b_ctx']), p['Wk'], p['Wv'])


def _sc_scatter_scores(s_flat, idx_adj):
    nch = BPW // CH
    zch = NK // NS // CH

    @functools.partial(
        pl.kernel,
        out_type=jax.ShapeDtypeStruct((NC * NK,), jnp.float32),
        mesh=_mesh(),
        scratch_types=[pltpu.VMEM((CH,), jnp.int32),
                       pltpu.VMEM((CH,), jnp.float32),
                       pltpu.VMEM((CH,), jnp.float32)],
    )
    def k(s_hbm, idx_hbm, sd_hbm, idx_v, val_v, zero_v):
        cid = lax.axis_index("c")
        sid = lax.axis_index("s")
        wid = sid * NC + cid
        for i in range(CH // 16):
            zero_v[pl.ds(i * 16, 16)] = jnp.zeros((16,), jnp.float32)
        zbase = cid * NK + sid * (NK // NS)
        for j in range(zch):
            dst = pl.ds(pl.multiple_of(zbase + j * CH, CH), CH)
            pltpu.sync_copy(zero_v, sd_hbm.at[dst])
        plsc.subcore_barrier()
        base = wid * BPW

        def body(i, carry):
            off = pl.multiple_of(base + i * CH, CH)
            pltpu.sync_copy(idx_hbm.at[pl.ds(off, CH)], idx_v)
            pltpu.sync_copy(s_hbm.at[pl.ds(off, CH)], val_v)
            pltpu.sync_copy(val_v, sd_hbm.at[idx_v])
            return carry

        lax.fori_loop(0, nch, body, 0)

    return k(s_flat, idx_adj)


def _softmax_body(sd, q, kv, attn_o, aux_o):
    k_const = kv[0, :]
    s0 = jnp.sum(q[...] * k_const[None, :], axis=1) * SCALE
    sv = sd[0] + sd[1]
    mk = (sv > 512.0).astype(jnp.float32)
    S = jnp.where(mk > 0, sv - 1024.0, s0[:, None])
    mx = jnp.max(S, axis=1, keepdims=True)
    e = jnp.exp(S - mx)
    Z = jnp.sum(e, axis=1, keepdims=True)
    attn_o[...] = e / Z
    w0 = jnp.sum(e * (1.0 - mk), axis=1) / Z[:, 0]
    cnt = jnp.sum(mk, axis=1)
    aux_o[...] = jnp.concatenate(
        [w0[:, None], cnt[:, None], jnp.zeros((w0.shape[0], 6), jnp.float32)], 1)


def _softmax_call(sd, q, kv):
    BN = 256
    G = N // BN
    return pl.pallas_call(
        _softmax_body,
        grid=(G,),
        in_specs=[pl.BlockSpec((NC, BN, K), lambda g: (0, g, 0)),
                  pl.BlockSpec((BN, C), lambda g: (g, 0)),
                  pl.BlockSpec((2, C), lambda g: (0, 0))],
        out_specs=[pl.BlockSpec((BN, K), lambda g: (g, 0)),
                   pl.BlockSpec((BN, 8), lambda g: (g, 0))],
        out_shape=[jax.ShapeDtypeStruct((N, K), jnp.float32),
                   jax.ShapeDtypeStruct((N, 8), jnp.float32)],
    )(sd, q, kv)


def _seg_body(pub, pri, vr, a3, nid3, out_ref):
    g = pl.program_id(0)

    @pl.when(g == 0)
    def _():
        out_ref[...] = jnp.zeros_like(out_ref)

    nid = nid3[0, 0, :]
    BR = nid.shape[0]
    onehot = (nid[:, None] ==
              lax.broadcasted_iota(jnp.int32, (BR, N), 1)).astype(jnp.bfloat16)
    a = a3[0, 0, :]
    avr = (vr[...].astype(jnp.float32) * a[:, None]).astype(jnp.bfloat16)
    dn = (((0,), (0,)), ((), ()))
    out_ref[0] += lax.dot_general(onehot, pub[...], dn,
                                  preferred_element_type=jnp.float32)
    out_ref[1] += lax.dot_general(onehot, pri[...], dn,
                                  preferred_element_type=jnp.float32)
    out_ref[2] += lax.dot_general(onehot, avr, dn,
                                  preferred_element_type=jnp.float32)


def _seg_call(pub, pri, vr, a3, nid3):
    BR = 1024
    G = M // BR
    row = pl.BlockSpec((BR, C), lambda g: (g, 0))
    e3 = pl.BlockSpec((1, 1, BR), lambda g: (g, 0, 0))
    return pl.pallas_call(
        _seg_body,
        grid=(G,),
        in_specs=[row, row, row, e3, e3],
        out_specs=pl.BlockSpec((3, N, C), lambda g: (0, 0, 0)),
        out_shape=jax.ShapeDtypeStruct((3, N, C), jnp.float32),
    )(pub, pri, vr, a3, nid3)


def _final_body(parts, pubp, prip, aux, kv,
                Wo, bo, gff, bff, W1, b1, W2, b2,
                Wfp_a, Wfp_b, bfp, Wfpr_a, Wfpr_b, bfpr,
                feat_o, poolpub_o, poolpri_o):
    pubsum = parts[0]
    prisum = parts[1]
    attnsum = parts[2]
    w0 = aux[:, 0]
    cnt = aux[:, 1]
    v_const = kv[1, :]
    pq = pubp[...]
    attn_out = attnsum + w0[:, None] * v_const[None, :]
    out = attn_out @ Wo[...] + bo[...]
    pp1 = out + pq
    h = _ln(pp1, gff[...], bff[...]) @ W1[...] + b1[...]
    a = h[:, :4 * C]
    gch = h[:, 4 * C:]
    h2 = (a * _gelu_exact(gch)) @ W2[...] + b2[...]
    pfused = h2 + pp1
    fpub = jax.nn.sigmoid(pq @ Wfp_a[...] + pfused @ Wfp_b[...] + bfp[...])
    feat_o[...] = jax.nn.sigmoid(
        prip[...] @ Wfpr_a[...] + fpub @ Wfpr_b[...] + bfpr[...])
    inv_k = 1.0 / K
    poolpub_o[...] = (pubsum + (K - cnt)[:, None]) * inv_k
    poolpri_o[...] = (prisum + (K - cnt)[:, None]) * inv_k


def _final_call(parts, pubp, prip, aux, kv, p):
    BN = 256
    G = N // BN
    r = lambda v: v.reshape(1, -1)
    row = pl.BlockSpec((BN, C), lambda g: (g, 0))
    full = lambda a, b: pl.BlockSpec((a, b), lambda g: (0, 0))
    return pl.pallas_call(
        _final_body,
        grid=(G,),
        in_specs=[pl.BlockSpec((3, BN, C), lambda g: (0, g, 0)),
                  row, row, pl.BlockSpec((BN, 8), lambda g: (g, 0)),
                  full(2, C),
                  full(C, C), full(1, C), full(1, C), full(1, C),
                  full(C, 8 * C), full(1, 8 * C),
                  full(4 * C, C), full(1, C),
                  full(C, C), full(C, C), full(1, C),
                  full(C, C), full(C, C), full(1, C)],
        out_specs=[row, row, row],
        out_shape=[jax.ShapeDtypeStruct((N, C), jnp.float32),
                   jax.ShapeDtypeStruct((N, C), jnp.float32),
                   jax.ShapeDtypeStruct((N, C), jnp.float32)],
    )(parts, pubp, prip, aux, kv,
      p['Wo'], r(p['bo']), r(p['g_ff']), r(p['b_ff']),
      p['W1'], r(p['b1']), p['W2'], r(p['b2']),
      p['W_fp'][:C], p['W_fp'][C:], r(p['b_fp']),
      p['W_fpr'][:C], p['W_fpr'][C:], r(p['b_fpr']))


def kernel(image_feats, point_feats, mask, inds2d, inds3d, params):
    p = params
    flat2d = inds2d[:, 0] * P + inds2d[:, 1]
    n_ids = inds3d[:, 0]
    flat3d = n_ids * K + inds3d[:, 1]
    core_of = (jnp.arange(M, dtype=jnp.int32) // BPW) % NC
    flat3d_adj = flat3d + core_of * NK

    pub_p, pri_p, q, q_bf, kv = _point_call(point_feats[0], p)
    X, QG = _sc_gather_rows2(image_feats.reshape(V * P, C), flat2d, q, n_ids)
    pub, pri, vr, s3 = _rows_call(X, QG, p)
    sd = _sc_scatter_scores(s3.reshape(M), flat3d_adj)
    attn, aux = _softmax_call(sd.reshape(NC, N, K), q, kv)
    a_elem = _sc_gather_flat(attn.reshape(NK), flat3d)
    parts = _seg_call(pub, pri, vr, a_elem.reshape(M // 1024, 1, 1024),
                      n_ids.reshape(M // 1024, 1, 1024))
    feat, poolpub, poolpri = _final_call(parts, pub_p, pri_p, aux, kv, p)
    return feat, pub_p, pri_p, poolpub, poolpri

# --- scband reference (transcript-rebuilt; emitter-appended) ---
"""Pipeline reference for scband-attention-fusion-23390391894729 (READ-ONLY COPY).

The authoritative reference and input builder live on the scoring server;
editing this copy changes nothing except your own understanding.
"""

import jax, jax.numpy as jnp
import numpy as np

N, K, C = 1024, 64, 512
V, P, M = 256, 256, 32768


def _ln(x, g, b):
    mu = jnp.mean(x, axis=-1, keepdims=True)
    var = jnp.mean((x - mu) ** 2, axis=-1, keepdims=True)
    return (x - mu) / jnp.sqrt(var + 1e-5) * g + b


def _lin_ln_relu(x, W, b, g, be):
    return jax.nn.relu(_ln(x @ W + b, g, be))


def _make_params(key):
    ks = jax.random.split(key, 16)
    def w(k, i, o):
        return jax.random.normal(k, (i, o), jnp.float32) * 0.02
    z = lambda d: jnp.zeros((d,), jnp.float32)
    o = lambda d: jnp.ones((d,), jnp.float32)
    p = {}
    p['W_pP'], p['b_pP'], p['g_pP'], p['be_pP'] = w(ks[0], C, C), z(C), o(C), z(C)
    p['W_pub'], p['b_pub'], p['g_pub'], p['be_pub'] = w(ks[1], C, C), z(C), o(C), z(C)
    p['W_pI'], p['b_pI'], p['g_pI'], p['be_pI'] = w(ks[2], C, C), z(C), o(C), z(C)
    p['g_ca'], p['b_ca'] = o(C), z(C)
    p['g_ctx'], p['b_ctx'] = o(C), z(C)
    p['Wq'] = w(ks[3], C, C)
    p['Wk'] = w(ks[4], C, C)
    p['Wv'] = w(ks[5], C, C)
    p['Wo'], p['bo'] = w(ks[6], C, C), z(C)
    p['g_ff'], p['b_ff'] = o(C), z(C)
    p['W1'], p['b1'] = w(ks[7], C, C * 8), z(C * 8)
    p['W2'], p['b2'] = w(ks[8], C * 4, C), z(C)
    p['W_fp'], p['b_fp'] = w(ks[9], C * 2, C), z(C)
    p['W_fpr'], p['b_fpr'] = w(ks[10], C * 2, C), z(C)
    return p


def setup_inputs(seed: int = 0):
    key = jax.random.key(seed)
    k1, k2, k3, k4, k5 = jax.random.split(key, 5)
    image_feats = jax.random.normal(k1, (V, P, C), jnp.float32)
    point_feats = jax.random.normal(k2, (1, N, C), jnp.float32)
    mask = jnp.ones((N, K), jnp.float32)
    perm = jax.random.permutation(k3, N * K)[:M]
    inds3d = jnp.stack([perm // K, perm % K], axis=1).astype(jnp.int32)
    inds2d = jax.random.randint(k4, (M, 2), 0, V, dtype=jnp.int32)
    params = _make_params(k5)
    return {'image_feats': image_feats, 'point_feats': point_feats, 'mask': mask,
            'inds2d': inds2d, 'inds3d': inds3d, 'params': params}


def _forward(image_feats, point_feats, params, inds2d, inds3d):
    p = params
    point_private = _lin_ln_relu(point_feats, p['W_pP'], p['b_pP'], p['g_pP'], p['be_pP'])[0]
    point_public = _lin_ln_relu(point_feats, p['W_pub'], p['b_pub'], p['g_pub'], p['be_pub'])[0]
    image_public = _lin_ln_relu(image_feats, p['W_pub'], p['b_pub'], p['g_pub'], p['be_pub'])
    image_private = _lin_ln_relu(image_feats, p['W_pI'], p['b_pI'], p['g_pI'], p['be_pI'])
    # scatter-overwrite: point_2dfeature[inds3d[:,0], inds3d[:,1], :] = image_x[inds2d[:,0], inds2d[:,1]]
    vals_pub = image_public[inds2d[:, 0], inds2d[:, 1]]
    vals_pri = image_private[inds2d[:, 0], inds2d[:, 1]]
    p2f_pub = jnp.ones((N, K, C), jnp.float32).at[inds3d[:, 0], inds3d[:, 1]].set(vals_pub)
    p2f_pri = jnp.ones((N, K, C), jnp.float32).at[inds3d[:, 0], inds3d[:, 1]].set(vals_pri)
    # AvgPool2d((64,1)) over (H=K, W=C) then squeeze -> mean over axis 1
    img_pub_pool = jnp.mean(p2f_pub, axis=1)
    img_pri_pool = jnp.mean(p2f_pri, axis=1)
    pq = point_public[:, None, :]
    xn = _ln(pq, p['g_ca'], p['b_ca'])
    kc = _ln(p2f_pub, p['g_ctx'], p['b_ctx'])
    vc = _ln(p2f_pri, p['g_ctx'], p['b_ctx'])
    q = xn @ p['Wq']
    k = kc @ p['Wk']
    v = vc @ p['Wv']
    scores = jnp.einsum('bnc,bmc->bnm', q, k) * (float(C) ** -0.5)
    attn = jax.nn.softmax(scores, axis=-1)
    out = jnp.einsum('bnm,bmc->bnc', attn, v) @ p['Wo'] + p['bo']
    pp1 = out + pq
    h = _ln(pp1, p['g_ff'], p['b_ff']) @ p['W1'] + p['b1']
    a, gch = jnp.split(h, 2, axis=-1)
    h = (a * jax.nn.gelu(gch, approximate=False)) @ p['W2'] + p['b2']
    pfused = h + pp1
    fpub = jax.nn.sigmoid(jnp.concatenate([point_public, pfused[:, 0, :]], axis=-1) @ p['W_fp'] + p['b_fp'])
    feat = jax.nn.sigmoid(jnp.concatenate([point_private, fpub], axis=-1) @ p['W_fpr'] + p['b_fpr'])
    return feat, point_public, point_private, img_pub_pool, img_pri_pool


def reference(image_feats, point_feats, mask, inds2d, inds3d, params):
    return _forward(image_feats, point_feats, params, inds2d, inds3d)

if __name__ == "__main__":
    import jax
    _d = setup_inputs()
    print(jax.jit(kernel)(*tuple(_d.values())))

</pallas_src>

<mosaic_0001>
#map = affine_map<(d0, d1) -> (0)>
module attributes {stable_mosaic.version = 14 : i64} {
  func.func @k(%arg0: i32, %arg1: i32, %arg2: memref<65536xf32, #tpu.memory_space<hbm>>, %arg3: memref<32768xi32, #tpu.memory_space<hbm>>, %arg4: memref<32768xf32, #tpu.memory_space<hbm>>, %arg5: memref<128xi32, #tpu.memory_space<vmem>>, %arg6: memref<128xf32, #tpu.memory_space<vmem>>, %arg7: memref<!tpu.dma_semaphore, #tpu.memory_space<semaphore_mem>>) attributes {dimension_semantics = [#tpu.dimension_semantics<core_parallel>, #tpu.dimension_semantics<subcore_parallel>], iteration_bounds = array<i64: 2, 16>, scalar_prefetch = 0 : i64, scratch_operands = 3 : i64, tpu.core_type = #tpu.core_type<sc_vector_subcore>, window_params = [{transform_indices = #map}, {transform_indices = #map}, {transform_indices = #map}]} {
    %mul3A = arith.constant 2 : i32
    %mul3A_0 = arith.muli %arg1, %mul3A : i32
    %add3A = arith.addi %mul3A_0, %arg0 : i32
    %mul3A_1 = arith.constant 1024 : i32
    %mul3A_2 = arith.muli %add3A, %mul3A_1 : i32
    %scan3A = arith.constant 0 : i32
    %scan3A_3 = arith.constant 0 : i32
    %scan3A_4 = arith.constant 8 : i32
    %scan3A_5 = arith.addi %scan3A_3, %scan3A_4 : i32
    %scan3A_6 = arith.constant 1 : i32
    scf.for %scan3A_8 = %scan3A_3 to %scan3A_5 step %scan3A_6  : i32 {
      %mul3A_9 = arith.constant 128 : i32
      %mul3A_10 = arith.muli %scan3A_8, %mul3A_9 : i32
      %add3A_11 = arith.addi %mul3A_2, %mul3A_10 : i32
      %multiple_of3A = tpu.assume_multiple %add3A_11, 128 : i32
      "tpu.region"() ({
        %run_scoped3A = tpu.sem_alloc : memref<!tpu.dma_semaphore, #tpu.memory_space<semaphore_mem>>
        %dma_start3A_14 = tpu.memref_slice %arg3[%multiple_of3A] : memref<32768xi32, #tpu.memory_space<hbm>> -> memref<128xi32, #tpu.memory_space<hbm>>
        %dma_start3A_15 = tpu.memref_slice %arg3[%multiple_of3A] : memref<32768xi32, #tpu.memory_space<hbm>> -> memref<128xi32, #tpu.memory_space<hbm>>
        tpu.enqueue_dma source(%dma_start3A_15 : memref<128xi32, #tpu.memory_space<hbm>>) target(%arg5 : memref<128xi32, #tpu.memory_space<vmem>>) target_semaphore(%run_scoped3A : memref<!tpu.dma_semaphore, #tpu.memory_space<semaphore_mem>>)
        %dma_wait3A_16 = tpu.memref_slice %arg3[%multiple_of3A] : memref<32768xi32, #tpu.memory_space<hbm>> -> memref<128xi32, #tpu.memory_space<hbm>>
        %dma_wait3A_17 = tpu.memref_slice %arg3[%multiple_of3A] : memref<32768xi32, #tpu.memory_space<hbm>> -> memref<128xi32, #tpu.memory_space<hbm>>
        tpu.wait_dma2 semaphore(%run_scoped3A : memref<!tpu.dma_semaphore, #tpu.memory_space<semaphore_mem>>) src(%dma_wait3A_17 : memref<128xi32, #tpu.memory_space<hbm>>) dst(%arg5 : memref<128xi32, #tpu.memory_space<vmem>>)
        tpu.yield
      }) : () -> ()
      %dma_start3A = arith.constant 0 : i32
      %dma_start3A_12 = tpu.memref_slice %arg2[%dma_start3A] : memref<65536xf32, #tpu.memory_space<hbm>> -> memref<65536xf32, #tpu.memory_space<hbm>>
      tpu.enqueue_indirect_dma source(%dma_start3A_12 : memref<65536xf32, #tpu.memory_space<hbm>>) target(%arg6 : memref<128xf32, #tpu.memory_space<vmem>>) offsets(%arg5 : memref<128xi32, #tpu.memory_space<vmem>>) semaphore(%arg7 : memref<!tpu.dma_semaphore, #tpu.memory_space<semaphore_mem>>)
      %dma_wait3A = arith.constant 0 : i32
      %dma_wait3A_13 = tpu.memref_slice %arg2[%dma_wait3A] : memref<65536xf32, #tpu.memory_space<hbm>> -> memref<65536xf32, #tpu.memory_space<hbm>>
      tpu.wait_indirect_dma semaphore(%arg7 : memref<!tpu.dma_semaphore, #tpu.memory_space<semaphore_mem>>) src(%dma_wait3A_13 : memref<65536xf32, #tpu.memory_space<hbm>>) dst(%arg6 : memref<128xf32, #tpu.memory_space<vmem>>)
      "tpu.region"() ({
        %run_scoped3A = tpu.sem_alloc : memref<!tpu.dma_semaphore, #tpu.memory_space<semaphore_mem>>
        %dma_start3A_14 = tpu.memref_slice %arg4[%multiple_of3A] : memref<32768xf32, #tpu.memory_space<hbm>> -> memref<128xf32, #tpu.memory_space<hbm>>
        %dma_start3A_15 = tpu.memref_slice %arg4[%multiple_of3A] : memref<32768xf32, #tpu.memory_space<hbm>> -> memref<128xf32, #tpu.memory_space<hbm>>
        tpu.enqueue_dma source(%arg6 : memref<128xf32, #tpu.memory_space<vmem>>) target(%dma_start3A_15 : memref<128xf32, #tpu.memory_space<hbm>>) target_semaphore(%run_scoped3A : memref<!tpu.dma_semaphore, #tpu.memory_space<semaphore_mem>>)
        %dma_wait3A_16 = tpu.memref_slice %arg4[%multiple_of3A] : memref<32768xf32, #tpu.memory_space<hbm>> -> memref<128xf32, #tpu.memory_space<hbm>>
        %dma_wait3A_17 = tpu.memref_slice %arg4[%multiple_of3A] : memref<32768xf32, #tpu.memory_space<hbm>> -> memref<128xf32, #tpu.memory_space<hbm>>
        tpu.wait_dma2 semaphore(%run_scoped3A : memref<!tpu.dma_semaphore, #tpu.memory_space<semaphore_mem>>) src(%arg6 : memref<128xf32, #tpu.memory_space<vmem>>) dst(%dma_wait3A_17 : memref<128xf32, #tpu.memory_space<hbm>>)
        tpu.yield
      }) : () -> ()
    }
    %scan3A_7 = arith.constant 8 : i32
    return
  }
}

#map = affine_map<(d0, d1) -> (0)>
module attributes {stable_mosaic.version = 14 : i64} {
  func.func @k(%arg0: i32, %arg1: i32, %arg2: memref<32768xf32, #tpu.memory_space<hbm>>, %arg3: memref<32768xi32, #tpu.memory_space<hbm>>, %arg4: memref<131072xf32, #tpu.memory_space<hbm>>, %arg5: memref<128xi32, #tpu.memory_space<vmem>>, %arg6: memref<128xf32, #tpu.memory_space<vmem>>, %arg7: memref<128xf32, #tpu.memory_space<vmem>>) attributes {dimension_semantics = [#tpu.dimension_semantics<core_parallel>, #tpu.dimension_semantics<subcore_parallel>], iteration_bounds = array<i64: 2, 16>, scalar_prefetch = 0 : i64, scratch_operands = 3 : i64, tpu.core_type = #tpu.core_type<sc_vector_subcore>, window_params = [{transform_indices = #map}, {transform_indices = #map}, {transform_indices = #map}]} {
    %mul3A = arith.constant 2 : i32
    %mul3A_0 = arith.muli %arg1, %mul3A : i32
    %add3A = arith.addi %mul3A_0, %arg0 : i32
    %broadcast_in_dim3A = arith.constant 0.000000e+00 : f32
    %broadcast_in_dim3A_1 = vector.broadcast %broadcast_in_dim3A : f32 to vector<16xf32>
    %swap3A = arith.constant 0 : index
    %swap3A_2 = tpu.vector_load %arg7[%swap3A] {strides = array<i32>} : memref<128xf32, #tpu.memory_space<vmem>>, vector<16xf32>,
    %swap3A_3 = vector.shape_cast %swap3A_2 : vector<16xf32> to vector<16xf32>
    %swap3A_4 = vector.shape_cast %broadcast_in_dim3A_1 : vector<16xf32> to vector<16xf32>
    tpu.vector_store %arg7[%swap3A], %swap3A_4 {strides = array<i32>} : memref<128xf32, #tpu.memory_space<vmem>>, vector<16xf32>,
    %broadcast_in_dim3A_5 = arith.constant 0.000000e+00 : f32
    %broadcast_in_dim3A_6 = vector.broadcast %broadcast_in_dim3A_5 : f32 to vector<16xf32>
    %swap3A_7 = arith.constant 16 : index
    %swap3A_8 = tpu.vector_load %arg7[%swap3A_7] {strides = array<i32>} : memref<128xf32, #tpu.memory_space<vmem>>, vector<16xf32>,
    %swap3A_9 = vector.shape_cast %swap3A_8 : vector<16xf32> to vector<16xf32>
    %swap3A_10 = vector.shape_cast %broadcast_in_dim3A_6 : vector<16xf32> to vector<16xf32>
    tpu.vector_store %arg7[%swap3A_7], %swap3A_10 {strides = array<i32>} : memref<128xf32, #tpu.memory_space<vmem>>, vector<16xf32>,
    %broadcast_in_dim3A_11 = arith.constant 0.000000e+00 : f32
    %broadcast_in_dim3A_12 = vector.broadcast %broadcast_in_dim3A_11 : f32 to vector<16xf32>
    %swap3A_13 = arith.constant 32 : index
    %swap3A_14 = tpu.vector_load %arg7[%swap3A_13] {strides = array<i32>} : memref<128xf32, #tpu.memory_space<vmem>>, vector<16xf32>,
    %swap3A_15 = vector.shape_cast %swap3A_14 : vector<16xf32> to vector<16xf32>
    %swap3A_16 = vector.shape_cast %broadcast_in_dim3A_12 : vector<16xf32> to vector<16xf32>
    tpu.vector_store %arg7[%swap3A_13], %swap3A_16 {strides = array<i32>} : memref<128xf32, #tpu.memory_space<vmem>>, vector<16xf32>,
    %broadcast_in_dim3A_17 = arith.constant 0.000000e+00 : f32
    %broadcast_in_dim3A_18 = vector.broadcast %broadcast_in_dim3A_17 : f32 to vector<16xf32>
    %swap3A_19 = arith.constant 48 : index
    %swap3A_20 = tpu.vector_load %arg7[%swap3A_19] {strides = array<i32>} : memref<128xf32, #tpu.memory_space<vmem>>, vector<16xf32>,
    %swap3A_21 = vector.shape_cast %swap3A_20 : vector<16xf32> to vector<16xf32>
    %swap3A_22 = vector.shape_cast %broadcast_in_dim3A_18 : vector<16xf32> to vector<16xf32>
    tpu.vector_store %arg7[%swap3A_19], %swap3A_22 {strides = array<i32>} : memref<128xf32, #tpu.memory_space<vmem>>, vector<16xf32>,
    %broadcast_in_dim3A_23 = arith.constant 0.000000e+00 : f32
    %broadcast_in_dim3A_24 = vector.broadcast %broadcast_in_dim3A_23 : f32 to vector<16xf32>
    %swap3A_25 = arith.constant 64 : index
    %swap3A_26 = tpu.vector_load %arg7[%swap3A_25] {strides = array<i32>} : memref<128xf32, #tpu.memory_space<vmem>>, vector<16xf32>,
    %swap3A_27 = vector.shape_cast %swap3A_26 : vector<16xf32> to vector<16xf32>
    %swap3A_28 = vector.shape_cast %broadcast_in_dim3A_24 : vector<16xf32> to vector<16xf32>
    tpu.vector_store %arg7[%swap3A_25], %swap3A_28 {strides = array<i32>} : memref<128xf32, #tpu.memory_space<vmem>>, vector<16xf32>,
    %broadcast_in_dim3A_29 = arith.constant 0.000000e+00 : f32
    %broadcast_in_dim3A_30 = vector.broadcast %broadcast_in_dim3A_29 : f32 to vector<16xf32>
    %swap3A_31 = arith.constant 80 : index
    %swap3A_32 = tpu.vector_load %arg7[%swap3A_31] {strides = array<i32>} : memref<128xf32, #tpu.memory_space<vmem>>, vector<16xf32>,
    %swap3A_33 = vector.shape_cast %swap3A_32 : vector<16xf32> to vector<16xf32>
    %swap3A_34 = vector.shape_cast %broadcast_in_dim3A_30 : vector<16xf32> to vector<16xf32>
    tpu.vector_store %arg7[%swap3A_31], %swap3A_34 {strides = array<i32>} : memref<128xf32, #tpu.memory_space<vmem>>, vector<16xf32>,
    %broadcast_in_dim3A_35 = arith.constant 0.000000e+00 : f32
    %broadcast_in_dim3A_36 = vector.broadcast %broadcast_in_dim3A_35 : f32 to vector<16xf32>
    %swap3A_37 = arith.constant 96 : index
    %swap3A_38 = tpu.vector_load %arg7[%swap3A_37] {strides = array<i32>} : memref<128xf32, #tpu.memory_space<vmem>>, vector<16xf32>,
    %swap3A_39 = vector.shape_cast %swap3A_38 : vector<16xf32> to vector<16xf32>
    %swap3A_40 = vector.shape_cast %broadcast_in_dim3A_36 : vector<16xf32> to vector<16xf32>
    tpu.vector_store %arg7[%swap3A_37], %swap3A_40 {strides = array<i32>} : memref<128xf32, #tpu.memory_space<vmem>>, vector<16xf32>,
    %broadcast_in_dim3A_41 = arith.constant 0.000000e+00 : f32
    %broadcast_in_dim3A_42 = vector.broadcast %broadcast_in_dim3A_41 : f32 to vector<16xf32>
    %swap3A_43 = arith.constant 112 : index
    %swap3A_44 = tpu.vector_load %arg7[%swap3A_43] {strides = array<i32>} : memref<128xf32, #tpu.memory_space<vmem>>, vector<16xf32>,
    %swap3A_45 = vector.shape_cast %swap3A_44 : vector<16xf32> to vector<16xf32>
    %swap3A_46 = vector.shape_cast %broadcast_in_dim3A_42 : vector<16xf32> to vector<16xf32>
    tpu.vector_store %arg7[%swap3A_43], %swap3A_46 {strides = array<i32>} : memref<128xf32, #tpu.memory_space<vmem>>, vector<16xf32>,
    %mul3A_47 = arith.constant 65536 : i32
    %mul3A_48 = arith.muli %arg0, %mul3A_47 : i32
    %mul3A_49 = arith.constant 4096 : i32
    %mul3A_50 = arith.muli %arg1, %mul3A_49 : i32
    %add3A_51 = arith.addi %mul3A_48, %mul3A_50 : i32
    %add3A_52 = arith.constant 0 : i32
    %add3A_53 = arith.addi %add3A_51, %add3A_52 : i32
    %multiple_of3A = tpu.assume_multiple %add3A_53, 128 : i32
    "tpu.region"() ({
      %run_scoped3A = tpu.sem_alloc : memref<!tpu.dma_semaphore, #tpu.memory_space<semaphore_mem>>
      %dma_start3A = tpu.memref_slice %arg4[%multiple_of3A] : memref<131072xf32, #tpu.memory_space<hbm>> -> memref<128xf32, #tpu.memory_space<hbm>>
      %dma_start3A_154 = tpu.memref_slice %arg4[%multiple_of3A] : memref<131072xf32, #tpu.memory_space<hbm>> -> memref<128xf32, #tpu.memory_space<hbm>>
      tpu.enqueue_dma source(%arg7 : memref<128xf32, #tpu.memory_space<vmem>>) target(%dma_start3A_154 : memref<128xf32, #tpu.memory_space<hbm>>) target_semaphore(%run_scoped3A : memref<!tpu.dma_semaphore, #tpu.memory_space<semaphore_mem>>)
      %dma_wait3A = tpu.memref_slice %arg4[%multiple_of3A] : memref<131072xf32, #tpu.memory_space<hbm>> -> memref<128xf32, #tpu.memory_space<hbm>>
      %dma_wait3A_155 = tpu.memref_slice %arg4[%multiple_of3A] : memref<131072xf32, #tpu.memory_space<hbm>> -> memref<128xf32, #tpu.memory_space<hbm>>
      tpu.wait_dma2 semaphore(%run_scoped3A : memref<!tpu.dma_semaphore, #tpu.memory_space<semaphore_mem>>) src(%arg7 : memref<128xf32, #tpu.memory_space<vmem>>) dst(%dma_wait3A_155 : memref<128xf32, #tpu.memory_space<hbm>>)
      tpu.yield
    }) : () -> ()
    %add3A_54 = arith.constant 128 : i32
    %add3A_55 = arith.addi %add3A_51, %add3A_54 : i32
    %multiple_of3A_56 = tpu.assume_multiple %add3A_55, 128 : i32
    "tpu.region"() ({
      %run_scoped3A = tpu.sem_alloc : memref<!tpu.dma_semaphore, #tpu.memory_space<semaphore_mem>>
      %dma_start3A = tpu.memref_slice %arg4[%multiple_of3A_56] : memref<131072xf32, #tpu.memory_space<hbm>> -> memref<128xf32, #tpu.memory_space<hbm>>
      %dma_start3A_154 = tpu.memref_slice %arg4[%multiple_of3A_56] : memref<131072xf32, #tpu.memory_space<hbm>> -> memref<128xf32, #tpu.memory_space<hbm>>
      tpu.enqueue_dma source(%arg7 : memref<128xf32, #tpu.memory_space<vmem>>) target(%dma_start3A_154 : memref<128xf32, #tpu.memory_space<hbm>>) target_semaphore(%run_scoped3A : memref<!tpu.dma_semaphore, #tpu.memory_space<semaphore_mem>>)
      %dma_wait3A = tpu.memref_slice %arg4[%multiple_of3A_56] : memref<131072xf32, #tpu.memory_space<hbm>> -> memref<128xf32, #tpu.memory_space<hbm>>
      %dma_wait3A_155 = tpu.memref_slice %arg4[%multiple_of3A_56] : memref<131072xf32, #tpu.memory_space<hbm>> -> memref<128xf32, #tpu.memory_space<hbm>>
      tpu.wait_dma2 semaphore(%run_scoped3A : memref<!tpu.dma_semaphore, #tpu.memory_space<semaphore_mem>>) src(%arg7 : memref<128xf32, #tpu.memory_space<vmem>>) dst(%dma_wait3A_155 : memref<128xf32, #tpu.memory_space<hbm>>)
      tpu.yield
    }) : () -> ()
    %add3A_57 = arith.constant 256 : i32
    %add3A_58 = arith.addi %add3A_51, %add3A_57 : i32
    %multiple_of3A_59 = tpu.assume_multiple %add3A_58, 128 : i32
    "tpu.region"() ({
      %run_scoped3A = tpu.sem_alloc : memref<!tpu.dma_semaphore, #tpu.memory_space<semaphore_mem>>
      %dma_start3A = tpu.memref_slice %arg4[%multiple_of3A_59] : memref<131072xf32, #tpu.memory_space<hbm>> -> memref<128xf32, #tpu.memory_space<hbm>>
      %dma_start3A_154 = tpu.memref_slice %arg4[%multiple_of3A_59] : memref<131072xf32, #tpu.memory_space<hbm>> -> memref<128xf32, #tpu.memory_space<hbm>>
      tpu.enqueue_dma source(%arg7 : memref<128xf32, #tpu.memory_space<vmem>>) target(%dma_start3A_154 : memref<128xf32, #tpu.memory_space<hbm>>) target_semaphore(%run_scoped3A : memref<!tpu.dma_semaphore, #tpu.memory_space<semaphore_mem>>)
      %dma_wait3A = tpu.memref_slice %arg4[%multiple_of3A_59] : memref<131072xf32, #tpu.memory_space<hbm>> -> memref<128xf32, #tpu.memory_space<hbm>>
      %dma_wait3A_155 = tpu.memref_slice %arg4[%multiple_of3A_59] : memref<131072xf32, #tpu.memory_space<hbm>> -> memref<128xf32, #tpu.memory_space<hbm>>
      tpu.wait_dma2 semaphore(%run_scoped3A : memref<!tpu.dma_semaphore, #tpu.memory_space<semaphore_mem>>) src(%arg7 : memref<128xf32, #tpu.memory_space<vmem>>) dst(%dma_wait3A_155 : memref<128xf32, #tpu.memory_space<hbm>>)
      tpu.yield
    }) : () -> ()
    %add3A_60 = arith.constant 384 : i32
    %add3A_61 = arith.addi %add3A_51, %add3A_60 : i32
    %multiple_of3A_62 = tpu.assume_multiple %add3A_61, 128 : i32
    "tpu.region"() ({
      %run_scoped3A = tpu.sem_alloc : memref<!tpu.dma_semaphore, #tpu.memory_space<semaphore_mem>>
      %dma_start3A = tpu.memref_slice %arg4[%multiple_of3A_62] : memref<131072xf32, #tpu.memory_space<hbm>> -> memref<128xf32, #tpu.memory_space<hbm>>
      %dma_start3A_154 = tpu.memref_slice %arg4[%multiple_of3A_62] : memref<131072xf32, #tpu.memory_space<hbm>> -> memref<128xf32, #tpu.memory_space<hbm>>
      tpu.enqueue_dma source(%arg7 : memref<128xf32, #tpu.memory_space<vmem>>) target(%dma_start3A_154 : memref<128xf32, #tpu.memory_space<hbm>>) target_semaphore(%run_scoped3A : memref<!tpu.dma_semaphore, #tpu.memory_space<semaphore_mem>>)
      %dma_wait3A = tpu.memref_slice %arg4[%multiple_of3A_62] : memref<131072xf32, #tpu.memory_space<hbm>> -> memref<128xf32, #tpu.memory_space<hbm>>
      %dma_wait3A_155 = tpu.memref_slice %arg4[%multiple_of3A_62] : memref<131072xf32, #tpu.memory_space<hbm>> -> memref<128xf32, #tpu.memory_space<hbm>>
      tpu.wait_dma2 semaphore(%run_scoped3A : memref<!tpu.dma_semaphore, #tpu.memory_space<semaphore_mem>>) src(%arg7 : memref<128xf32, #tpu.memory_space<vmem>>) dst(%dma_wait3A_155 : memref<128xf32, #tpu.memory_space<hbm>>)
      tpu.yield
    }) : () -> ()
    %add3A_63 = arith.constant 512 : i32
    %add3A_64 = arith.addi %add3A_51, %add3A_63 : i32
    %multiple_of3A_65 = tpu.assume_multiple %add3A_64, 128 : i32
    "tpu.region"() ({
      %run_scoped3A = tpu.sem_alloc : memref<!tpu.dma_semaphore, #tpu.memory_space<semaphore_mem>>
      %dma_start3A = tpu.memref_slice %arg4[%multiple_of3A_65] : memref<131072xf32, #tpu.memory_space<hbm>> -> memref<128xf32, #tpu.memory_space<hbm>>
      %dma_start3A_154 = tpu.memref_slice %arg4[%multiple_of3A_65] : memref<131072xf32, #tpu.memory_space<hbm>> -> memref<128xf32, #tpu.memory_space<hbm>>
      tpu.enqueue_dma source(%arg7 : memref<128xf32, #tpu.memory_space<vmem>>) target(%dma_start3A_154 : memref<128xf32, #tpu.memory_space<hbm>>) target_semaphore(%run_scoped3A : memref<!tpu.dma_semaphore, #tpu.memory_space<semaphore_mem>>)
      %dma_wait3A = tpu.memref_slice %arg4[%multiple_of3A_65] : memref<131072xf32, #tpu.memory_space<hbm>> -> memref<128xf32, #tpu.memory_space<hbm>>
      %dma_wait3A_155 = tpu.memref_slice %arg4[%multiple_of3A_65] : memref<131072xf32, #tpu.memory_space<hbm>> -> memref<128xf32, #tpu.memory_space<hbm>>
      tpu.wait_dma2 semaphore(%run_scoped3A : memref<!tpu.dma_semaphore, #tpu.memory_space<semaphore_mem>>) src(%arg7 : memref<128xf32, #tpu.memory_space<vmem>>) dst(%dma_wait3A_155 : memref<128xf32, #tpu.memory_space<hbm>>)
      tpu.yield
    }) : () -> ()
    %add3A_66 = arith.constant 640 : i32
    %add3A_67 = arith.addi %add3A_51, %add3A_66 : i32
    %multiple_of3A_68 = tpu.assume_multiple %add3A_67, 128 : i32
    "tpu.region"() ({
      %run_scoped3A = tpu.sem_alloc : memref<!tpu.dma_semaphore, #tpu.memory_space<semaphore_mem>>
      %dma_start3A = tpu.memref_slice %arg4[%multiple_of3A_68] : memref<131072xf32, #tpu.memory_space<hbm>> -> memref<128xf32, #tpu.memory_space<hbm>>
      %dma_start3A_154 = tpu.memref_slice %arg4[%multiple_of3A_68] : memref<131072xf32, #tpu.memory_space<hbm>> -> memref<128xf32, #tpu.memory_space<hbm>>
      tpu.enqueue_dma source(%arg7 : memref<128xf32, #tpu.memory_space<vmem>>) target(%dma_start3A_154 : memref<128xf32, #tpu.memory_space<hbm>>) target_semaphore(%run_scoped3A : memref<!tpu.dma_semaphore, #tpu.memory_space<semaphore_mem>>)
      %dma_wait3A = tpu.memref_slice %arg4[%multiple_of3A_68] : memref<131072xf32, #tpu.memory_space<hbm>> -> memref<128xf32, #tpu.memory_space<hbm>>
      %dma_wait3A_155 = tpu.memref_slice %arg4[%multiple_of3A_68] : memref<131072xf32, #tpu.memory_space<hbm>> -> memref<128xf32, #tpu.memory_space<hbm>>
      tpu.wait_dma2 semaphore(%run_scoped3A : memref<!tpu.dma_semaphore, #tpu.memory_space<semaphore_mem>>) src(%arg7 : memref<128xf32, #tpu.memory_space<vmem>>) dst(%dma_wait3A_155 : memref<128xf32, #tpu.memory_space<hbm>>)
      tpu.yield
    }) : () -> ()
    %add3A_69 = arith.constant 768 : i32
    %add3A_70 = arith.addi %add3A_51, %add3A_69 : i32
    %multiple_of3A_71 = tpu.assume_multiple %add3A_70, 128 : i32
    "tpu.region"() ({
      %run_scoped3A = tpu.sem_alloc : memref<!tpu.dma_semaphore, #tpu.memory_space<semaphore_mem>>
      %dma_start3A = tpu.memref_slice %arg4[%multiple_of3A_71] : memref<131072xf32, #tpu.memory_space<hbm>> -> memref<128xf32, #tpu.memory_space<hbm>>
      %dma_start3A_154 = tpu.memref_slice %arg4[%multiple_of3A_71] : memref<131072xf32, #tpu.memory_space<hbm>> -> memref<128xf32, #tpu.memory_space<hbm>>
      tpu.enqueue_dma source(%arg7 : memref<128xf32, #tpu.memory_space<vmem>>) target(%dma_start3A_154 : memref<128xf32, #tpu.memory_space<hbm>>) target_semaphore(%run_scoped3A : memref<!tpu.dma_semaphore, #tpu.memory_space<semaphore_mem>>)
      %dma_wait3A = tpu.memref_slice %arg4[%multiple_of3A_71] : memref<131072xf32, #tpu.memory_space<hbm>> -> memref<128xf32, #tpu.memory_space<hbm>>
      %dma_wait3A_155 = tpu.memref_slice %arg4[%multiple_of3A_71] : memref<131072xf32, #tpu.memory_space<hbm>> -> memref<128xf32, #tpu.memory_space<hbm>>
      tpu.wait_dma2 semaphore(%run_scoped3A : memref<!tpu.dma_semaphore, #tpu.memory_space<semaphore_mem>>) src(%arg7 : memref<128xf32, #tpu.memory_space<vmem>>) dst(%dma_wait3A_155 : memref<128xf32, #tpu.memory_space<hbm>>)
      tpu.yield
    }) : () -> ()
    %add3A_72 = arith.constant 896 : i32
    %add3A_73 = arith.addi %add3A_51, %add3A_72 : i32
    %multiple_of3A_74 = tpu.assume_multiple %add3A_73, 128 : i32
    "tpu.region"() ({
      %run_scoped3A = tpu.sem_alloc : memref<!tpu.dma_semaphore, #tpu.memory_space<semaphore_mem>>
      %dma_start3A = tpu.memref_slice %arg4[%multiple_of3A_74] : memref<131072xf32, #tpu.memory_space<hbm>> -> memref<128xf32, #tpu.memory_space<hbm>>
      %dma_start3A_154 = tpu.memref_slice %arg4[%multiple_of3A_74] : memref<131072xf32, #tpu.memory_space<hbm>> -> memref<128xf32, #tpu.memory_space<hbm>>
      tpu.enqueue_dma source(%arg7 : memref<128xf32, #tpu.memory_space<vmem>>) target(%dma_start3A_154 : memref<128xf32, #tpu.memory_space<hbm>>) target_semaphore(%run_scoped3A : memref<!tpu.dma_semaphore, #tpu.memory_space<semaphore_mem>>)
      %dma_wait3A = tpu.memref_slice %arg4[%multiple_of3A_74] : memref<131072xf32, #tpu.memory_space<hbm>> -> memref<128xf32, #tpu.memory_space<hbm>>
      %dma_wait3A_155 = tpu.memref_slice %arg4[%multiple_of3A_74] : memref<131072xf32, #tpu.memory_space<hbm>> -> memref<128xf32, #tpu.memory_space<hbm>>
      tpu.wait_dma2 semaphore(%run_scoped3A : memref<!tpu.dma_semaphore, #tpu.memory_space<semaphore_mem>>) src(%arg7 : memref<128xf32, #tpu.memory_space<vmem>>) dst(%dma_wait3A_155 : memref<128xf32, #tpu.memory_space<hbm>>)
      tpu.yield
    }) : () -> ()
    %add3A_75 = arith.constant 1024 : i32
    %add3A_76 = arith.addi %add3A_51, %add3A_75 : i32
    %multiple_of3A_77 = tpu.assume_multiple %add3A_76, 128 : i32
    "tpu.region"() ({
      %run_scoped3A = tpu.sem_alloc : memref<!tpu.dma_semaphore, #tpu.memory_space<semaphore_mem>>
      %dma_start3A = tpu.memref_slice %arg4[%multiple_of3A_77] : memref<131072xf32, #tpu.memory_space<hbm>> -> memref<128xf32, #tpu.memory_space<hbm>>
      %dma_start3A_154 = tpu.memref_slice %arg4[%multiple_of3A_77] : memref<131072xf32, #tpu.memory_space<hbm>> -> memref<128xf32, #tpu.memory_space<hbm>>
      tpu.enqueue_dma source(%arg7 : memref<128xf32, #tpu.memory_space<vmem>>) target(%dma_start3A_154 : memref<128xf32, #tpu.memory_space<hbm>>) target_semaphore(%run_scoped3A : memref<!tpu.dma_semaphore, #tpu.memory_space<semaphore_mem>>)
      %dma_wait3A = tpu.memref_slice %arg4[%multiple_of3A_77] : memref<131072xf32, #tpu.memory_space<hbm>> -> memref<128xf32, #tpu.memory_space<hbm>>
      %dma_wait3A_155 = tpu.memref_slice %arg4[%multiple_of3A_77] : memref<131072xf32, #tpu.memory_space<hbm>> -> memref<128xf32, #tpu.memory_space<hbm>>
      tpu.wait_dma2 semaphore(%run_scoped3A : memref<!tpu.dma_semaphore, #tpu.memory_space<semaphore_mem>>) src(%arg7 : memref<128xf32, #tpu.memory_space<vmem>>) dst(%dma_wait3A_155 : memref<128xf32, #tpu.memory_space<hbm>>)
      tpu.yield
    }) : () -> ()
    %add3A_78 = arith.constant 1152 : i32
    %add3A_79 = arith.addi %add3A_51, %add3A_78 : i32
    %multiple_of3A_80 = tpu.assume_multiple %add3A_79, 128 : i32
    "tpu.region"() ({
      %run_scoped3A = tpu.sem_alloc : memref<!tpu.dma_semaphore, #tpu.memory_space<semaphore_mem>>
      %dma_start3A = tpu.memref_slice %arg4[%multiple_of3A_80] : memref<131072xf32, #tpu.memory_space<hbm>> -> memref<128xf32, #tpu.memory_space<hbm>>
      %dma_start3A_154 = tpu.memref_slice %arg4[%multiple_of3A_80] : memref<131072xf32, #tpu.memory_space<hbm>> -> memref<128xf32, #tpu.memory_space<hbm>>
      tpu.enqueue_dma source(%arg7 : memref<128xf32, #tpu.memory_space<vmem>>) target(%dma_start3A_154 : memref<128xf32, #tpu.memory_space<hbm>>) target_semaphore(%run_scoped3A : memref<!tpu.dma_semaphore, #tpu.memory_space<semaphore_mem>>)
      %dma_wait3A = tpu.memref_slice %arg4[%multiple_of3A_80] : memref<131072xf32, #tpu.memory_space<hbm>> -> memref<128xf32, #tpu.memory_space<hbm>>
      %dma_wait3A_155 = tpu.memref_slice %arg4[%multiple_of3A_80] : memref<131072xf32, #tpu.memory_space<hbm>> -> memref<128xf32, #tpu.memory_space<hbm>>
      tpu.wait_dma2 semaphore(%run_scoped3A : memref<!tpu.dma_semaphore, #tpu.memory_space<semaphore_mem>>) src(%arg7 : memref<128xf32, #tpu.memory_space<vmem>>) dst(%dma_wait3A_155 : memref<128xf32, #tpu.memory_space<hbm>>)
      tpu.yield
    }) : () -> ()
    %add3A_81 = arith.constant 1280 : i32
    %add3A_82 = arith.addi %add3A_51, %add3A_81 : i32
    %multiple_of3A_83 = tpu.assume_multiple %add3A_82, 128 : i32
    "tpu.region"() ({
      %run_scoped3A = tpu.sem_alloc : memref<!tpu.dma_semaphore, #tpu.memory_space<semaphore_mem>>
      %dma_start3A = tpu.memref_slice %arg4[%multiple_of3A_83] : memref<131072xf32, #tpu.memory_space<hbm>> -> memref<128xf32, #tpu.memory_space<hbm>>
      %dma_start3A_154 = tpu.memref_slice %arg4[%multiple_of3A_83] : memref<131072xf32, #tpu.memory_space<hbm>> -> memref<128xf32, #tpu.memory_space<hbm>>
      tpu.enqueue_dma source(%arg7 : memref<128xf32, #tpu.memory_space<vmem>>) target(%dma_start3A_154 : memref<128xf32, #tpu.memory_space<hbm>>) target_semaphore(%run_scoped3A : memref<!tpu.dma_semaphore, #tpu.memory_space<semaphore_mem>>)
      %dma_wait3A = tpu.memref_slice %arg4[%multiple_of3A_83] : memref<131072xf32, #tpu.memory_space<hbm>> -> memref<128xf32, #tpu.memory_space<hbm>>
      %dma_wait3A_155 = tpu.memref_slice %arg4[%multiple_of3A_83] : memref<131072xf32, #tpu.memory_space<hbm>> -> memref<128xf32, #tpu.memory_space<hbm>>
      tpu.wait_dma2 semaphore(%run_scoped3A : memref<!tpu.dma_semaphore, #tpu.memory_space<semaphore_mem>>) src(%arg7 : memref<128xf32, #tpu.memory_space<vmem>>) dst(%dma_wait3A_155 : memref<128xf32, #tpu.memory_space<hbm>>)
      tpu.yield
    }) : () -> ()
    %add3A_84 = arith.constant 1408 : i32
    %add3A_85 = arith.addi %add3A_51, %add3A_84 : i32
    %multiple_of3A_86 = tpu.assume_multiple %add3A_85, 128 : i32
    "tpu.region"() ({
      %run_scoped3A = tpu.sem_alloc : memref<!tpu.dma_semaphore, #tpu.memory_space<semaphore_mem>>
      %dma_start3A = tpu.memref_slice %arg4[%multiple_of3A_86] : memref<131072xf32, #tpu.memory_space<hbm>> -> memref<128xf32, #tpu.memory_space<hbm>>
      %dma_start3A_154 = tpu.memref_slice %arg4[%multiple_of3A_86] : memref<131072xf32, #tpu.memory_space<hbm>> -> memref<128xf32, #tpu.memory_space<hbm>>
      tpu.enqueue_dma source(%arg7 : memref<128xf32, #tpu.memory_space<vmem>>) target(%dma_start3A_154 : memref<128xf32, #tpu.memory_space<hbm>>) target_semaphore(%run_scoped3A : memref<!tpu.dma_semaphore, #tpu.memory_space<semaphore_mem>>)
      %dma_wait3A = tpu.memref_slice %arg4[%multiple_of3A_86] : memref<131072xf32, #tpu.memory_space<hbm>> -> memref<128xf32, #tpu.memory_space<hbm>>
      %dma_wait3A_155 = tpu.memref_slice %arg4[%multiple_of3A_86] : memref<131072xf32, #tpu.memory_space<hbm>> -> memref<128xf32, #tpu.memory_space<hbm>>
      tpu.wait_dma2 semaphore(%run_scoped3A : memref<!tpu.dma_semaphore, #tpu.memory_space<semaphore_mem>>) src(%arg7 : memref<128xf32, #tpu.memory_space<vmem>>) dst(%dma_wait3A_155 : memref<128xf32, #tpu.memory_space<hbm>>)
      tpu.yield
    }) : () -> ()
    %add3A_87 = arith.constant 1536 : i32
    %add3A_88 = arith.addi %add3A_51, %add3A_87 : i32
    %multiple_of3A_89 = tpu.assume_multiple %add3A_88, 128 : i32
    "tpu.region"() ({
      %run_scoped3A = tpu.sem_alloc : memref<!tpu.dma_semaphore, #tpu.memory_space<semaphore_mem>>
      %dma_start3A = tpu.memref_slice %arg4[%multiple_of3A_89] : memref<131072xf32, #tpu.memory_space<hbm>> -> memref<128xf32, #tpu.memory_space<hbm>>
      %dma_start3A_154 = tpu.memref_slice %arg4[%multiple_of3A_89] : memref<131072xf32, #tpu.memory_space<hbm>> -> memref<128xf32, #tpu.memory_space<hbm>>
      tpu.enqueue_dma source(%arg7 : memref<128xf32, #tpu.memory_space<vmem>>) target(%dma_start3A_154 : memref<128xf32, #tpu.memory_space<hbm>>) target_semaphore(%run_scoped3A : memref<!tpu.dma_semaphore, #tpu.memory_space<semaphore_mem>>)
      %dma_wait3A = tpu.memref_slice %arg4[%multiple_of3A_89] : memref<131072xf32, #tpu.memory_space<hbm>> -> memref<128xf32, #tpu.memory_space<hbm>>
      %dma_wait3A_155 = tpu.memref_slice %arg4[%multiple_of3A_89] : memref<131072xf32, #tpu.memory_space<hbm>> -> memref<128xf32, #tpu.memory_space<hbm>>
      tpu.wait_dma2 semaphore(%run_scoped3A : memref<!tpu.dma_semaphore, #tpu.memory_space<semaphore_mem>>) src(%arg7 : memref<128xf32, #tpu.memory_space<vmem>>) dst(%dma_wait3A_155 : memref<128xf32, #tpu.memory_space<hbm>>)
      tpu.yield
    }) : () -> ()
    %add3A_90 = arith.constant 1664 : i32
    %add3A_91 = arith.addi %add3A_51, %add3A_90 : i32
    %multiple_of3A_92 = tpu.assume_multiple %add3A_91, 128 : i32
    "tpu.region"() ({
      %run_scoped3A = tpu.sem_alloc : memref<!tpu.dma_semaphore, #tpu.memory_space<semaphore_mem>>
      %dma_start3A = tpu.memref_slice %arg4[%multiple_of3A_92] : memref<131072xf32, #tpu.memory_space<hbm>> -> memref<128xf32, #tpu.memory_space<hbm>>
      %dma_start3A_154 = tpu.memref_slice %arg4[%multiple_of3A_92] : memref<131072xf32, #tpu.memory_space<hbm>> -> memref<128xf32, #tpu.memory_space<hbm>>
      tpu.enqueue_dma source(%arg7 : memref<128xf32, #tpu.memory_space<vmem>>) target(%dma_start3A_154 : memref<128xf32, #tpu.memory_space<hbm>>) target_semaphore(%run_scoped3A : memref<!tpu.dma_semaphore, #tpu.memory_space<semaphore_mem>>)
      %dma_wait3A = tpu.memref_slice %arg4[%multiple_of3A_92] : memref<131072xf32, #tpu.memory_space<hbm>> -> memref<128xf32, #tpu.memory_space<hbm>>
      %dma_wait3A_155 = tpu.memref_slice %arg4[%multiple_of3A_92] : memref<131072xf32, #tpu.memory_space<hbm>> -> memref<128xf32, #tpu.memory_space<hbm>>
      tpu.wait_dma2 semaphore(%run_scoped3A : memref<!tpu.dma_semaphore, #tpu.memory_space<semaphore_mem>>) src(%arg7 : memref<128xf32, #tpu.memory_space<vmem>>) dst(%dma_wait3A_155 : memref<128xf32, #tpu.memory_space<hbm>>)
      tpu.yield
    }) : () -> ()
    %add3A_93 = arith.constant 1792 : i32
    %add3A_94 = arith.addi %add3A_51, %add3A_93 : i32
    %multiple_of3A_95 = tpu.assume_multiple %add3A_94, 128 : i32
    "tpu.region"() ({
      %run_scoped3A = tpu.sem_alloc : memref<!tpu.dma_semaphore, #tpu.memory_space<semaphore_mem>>
      %dma_start3A = tpu.memref_slice %arg4[%multiple_of3A_95] : memref<131072xf32, #tpu.memory_space<hbm>> -> memref<128xf32, #tpu.memory_space<hbm>>
      %dma_start3A_154 = tpu.memref_slice %arg4[%multiple_of3A_95] : memref<131072xf32, #tpu.memory_space<hbm>> -> memref<128xf32, #tpu.memory_space<hbm>>
      tpu.enqueue_dma source(%arg7 : memref<128xf32, #tpu.memory_space<vmem>>) target(%dma_start3A_154 : memref<128xf32, #tpu.memory_space<hbm>>) target_semaphore(%run_scoped3A : memref<!tpu.dma_semaphore, #tpu.memory_space<semaphore_mem>>)
      %dma_wait3A = tpu.memref_slice %arg4[%multiple_of3A_95] : memref<131072xf32, #tpu.memory_space<hbm>> -> memref<128xf32, #tpu.memory_space<hbm>>
      %dma_wait3A_155 = tpu.memref_slice %arg4[%multiple_of3A_95] : memref<131072xf32, #tpu.memory_space<hbm>> -> memref<128xf32, #tpu.memory_space<hbm>>
      tpu.wait_dma2 semaphore(%run_scoped3A : memref<!tpu.dma_semaphore, #tpu.memory_space<semaphore_mem>>) src(%arg7 : memref<128xf32, #tpu.memory_space<vmem>>) dst(%dma_wait3A_155 : memref<128xf32, #tpu.memory_space<hbm>>)
      tpu.yield
    }) : () -> ()
    %add3A_96 = arith.constant 1920 : i32
    %add3A_97 = arith.addi %add3A_51, %add3A_96 : i32
    %multiple_of3A_98 = tpu.assume_multiple %add3A_97, 128 : i32
    "tpu.region"() ({
      %run_scoped3A = tpu.sem_alloc : memref<!tpu.dma_semaphore, #tpu.memory_space<semaphore_mem>>
      %dma_start3A = tpu.memref_slice %arg4[%multiple_of3A_98] : memref<131072xf32, #tpu.memory_space<hbm>> -> memref<128xf32, #tpu.memory_space<hbm>>
      %dma_start3A_154 = tpu.memref_slice %arg4[%multiple_of3A_98] : memref<131072xf32, #tpu.memory_space<hbm>> -> memref<128xf32, #tpu.memory_space<hbm>>
      tpu.enqueue_dma source(%arg7 : memref<128xf32, #tpu.memory_space<vmem>>) target(%dma_start3A_154 : memref<128xf32, #tpu.memory_space<hbm>>) target_semaphore(%run_scoped3A : memref<!tpu.dma_semaphore, #tpu.memory_space<semaphore_mem>>)
      %dma_wait3A = tpu.memref_slice %arg4[%multiple_of3A_98] : memref<131072xf32, #tpu.memory_space<hbm>> -> memref<128xf32, #tpu.memory_space<hbm>>
      %dma_wait3A_155 = tpu.memref_slice %arg4[%multiple_of3A_98] : memref<131072xf32, #tpu.memory_space<hbm>> -> memref<128xf32, #tpu.memory_space<hbm>>
      tpu.wait_dma2 semaphore(%run_scoped3A : memref<!tpu.dma_semaphore, #tpu.memory_space<semaphore_mem>>) src(%arg7 : memref<128xf32, #tpu.memory_space<vmem>>) dst(%dma_wait3A_155 : memref<128xf32, #tpu.memory_space<hbm>>)
      tpu.yield
    }) : () -> ()
    %add3A_99 = arith.constant 2048 : i32
    %add3A_100 = arith.addi %add3A_51, %add3A_99 : i32
    %multiple_of3A_101 = tpu.assume_multiple %add3A_100, 128 : i32
    "tpu.region"() ({
      %run_scoped3A = tpu.sem_alloc : memref<!tpu.dma_semaphore, #tpu.memory_space<semaphore_mem>>
      %dma_start3A = tpu.memref_slice %arg4[%multiple_of3A_101] : memref<131072xf32, #tpu.memory_space<hbm>> -> memref<128xf32, #tpu.memory_space<hbm>>
      %dma_start3A_154 = tpu.memref_slice %arg4[%multiple_of3A_101] : memref<131072xf32, #tpu.memory_space<hbm>> -> memref<128xf32, #tpu.memory_space<hbm>>
      tpu.enqueue_dma source(%arg7 : memref<128xf32, #tpu.memory_space<vmem>>) target(%dma_start3A_154 : memref<128xf32, #tpu.memory_space<hbm>>) target_semaphore(%run_scoped3A : memref<!tpu.dma_semaphore, #tpu.memory_space<semaphore_mem>>)
      %dma_wait3A = tpu.memref_slice %arg4[%multiple_of3A_101] : memref<131072xf32, #tpu.memory_space<hbm>> -> memref<128xf32, #tpu.memory_space<hbm>>
      %dma_wait3A_155 = tpu.memref_slice %arg4[%multiple_of3A_101] : memref<131072xf32, #tpu.memory_space<hbm>> -> memref<128xf32, #tpu.memory_space<hbm>>
      tpu.wait_dma2 semaphore(%run_scoped3A : memref<!tpu.dma_semaphore, #tpu.memory_space<semaphore_mem>>) src(%arg7 : memref<128xf32, #tpu.memory_space<vmem>>) dst(%dma_wait3A_155 : memref<128xf32, #tpu.memory_space<hbm>>)
      tpu.yield
    }) : () -> ()
    %add3A_102 = arith.constant 2176 : i32
    %add3A_103 = arith.addi %add3A_51, %add3A_102 : i32
    %multiple_of3A_104 = tpu.assume_multiple %add3A_103, 128 : i32
    "tpu.region"() ({
      %run_scoped3A = tpu.sem_alloc : memref<!tpu.dma_semaphore, #tpu.memory_space<semaphore_mem>>
      %dma_start3A = tpu.memref_slice %arg4[%multiple_of3A_104] : memref<131072xf32, #tpu.memory_space<hbm>> -> memref<128xf32, #tpu.memory_space<hbm>>
      %dma_start3A_154 = tpu.memref_slice %arg4[%multiple_of3A_104] : memref<131072xf32, #tpu.memory_space<hbm>> -> memref<128xf32, #tpu.memory_space<hbm>>
      tpu.enqueue_dma source(%arg7 : memref<128xf32, #tpu.memory_space<vmem>>) target(%dma_start3A_154 : memref<128xf32, #tpu.memory_space<hbm>>) target_semaphore(%run_scoped3A : memref<!tpu.dma_semaphore, #tpu.memory_space<semaphore_mem>>)
      %dma_wait3A = tpu.memref_slice %arg4[%multiple_of3A_104] : memref<131072xf32, #tpu.memory_space<hbm>> -> memref<128xf32, #tpu.memory_space<hbm>>
      %dma_wait3A_155 = tpu.memref_slice %arg4[%multiple_of3A_104] : memref<131072xf32, #tpu.memory_space<hbm>> -> memref<128xf32, #tpu.memory_space<hbm>>
      tpu.wait_dma2 semaphore(%run_scoped3A : memref<!tpu.dma_semaphore, #tpu.memory_space<semaphore_mem>>) src(%arg7 : memref<128xf32, #tpu.memory_space<vmem>>) dst(%dma_wait3A_155 : memref<128xf32, #tpu.memory_space<hbm>>)
      tpu.yield
    }) : () -> ()
    %add3A_105 = arith.constant 2304 : i32
    %add3A_106 = arith.addi %add3A_51, %add3A_105 : i32
    %multiple_of3A_107 = tpu.assume_multiple %add3A_106, 128 : i32
    "tpu.region"() ({
      %run_scoped3A = tpu.sem_alloc : memref<!tpu.dma_semaphore, #tpu.memory_space<semaphore_mem>>
      %dma_start3A = tpu.memref_slice %arg4[%multiple_of3A_107] : memref<131072xf32, #tpu.memory_space<hbm>> -> memref<128xf32, #tpu.memory_space<hbm>>
      %dma_start3A_154 = tpu.memref_slice %arg4[%multiple_of3A_107] : memref<131072xf32, #tpu.memory_space<hbm>> -> memref<128xf32, #tpu.memory_space<hbm>>
      tpu.enqueue_dma source(%arg7 : memref<128xf32, #tpu.memory_space<vmem>>) target(%dma_start3A_154 : memref<128xf32, #tpu.memory_space<hbm>>) target_semaphore(%run_scoped3A : memref<!tpu.dma_semaphore, #tpu.memory_space<semaphore_mem>>)
      %dma_wait3A = tpu.memref_slice %arg4[%multiple_of3A_107] : memref<131072xf32, #tpu.memory_space<hbm>> -> memref<128xf32, #tpu.memory_space<hbm>>
      %dma_wait3A_155 = tpu.memref_slice %arg4[%multiple_of3A_107] : memref<131072xf32, #tpu.memory_space<hbm>> -> memref<128xf32, #tpu.memory_space<hbm>>
      tpu.wait_dma2 semaphore(%run_scoped3A : memref<!tpu.dma_semaphore, #tpu.memory_space<semaphore_mem>>) src(%arg7 : memref<128xf32, #tpu.memory_space<vmem>>) dst(%dma_wait3A_155 : memref<128xf32, #tpu.memory_space<hbm>>)
      tpu.yield
    }) : () -> ()
    %add3A_108 = arith.constant 2432 : i32
    %add3A_109 = arith.addi %add3A_51, %add3A_108 : i32
    %multiple_of3A_110 = tpu.assume_multiple %add3A_109, 128 : i32
    "tpu.region"() ({
      %run_scoped3A = tpu.sem_alloc : memref<!tpu.dma_semaphore, #tpu.memory_space<semaphore_mem>>
      %dma_start3A = tpu.memref_slice %arg4[%multiple_of3A_110] : memref<131072xf32, #tpu.memory_space<hbm>> -> memref<128xf32, #tpu.memory_space<hbm>>
      %dma_start3A_154 = tpu.memref_slice %arg4[%multiple_of3A_110] : memref<131072xf32, #tpu.memory_space<hbm>> -> memref<128xf32, #tpu.memory_space<hbm>>
      tpu.enqueue_dma source(%arg7 : memref<128xf32, #tpu.memory_space<vmem>>) target(%dma_start3A_154 : memref<128xf32, #tpu.memory_space<hbm>>) target_semaphore(%run_scoped3A : memref<!tpu.dma_semaphore, #tpu.memory_space<semaphore_mem>>)
      %dma_wait3A = tpu.memref_slice %arg4[%multiple_of3A_110] : memref<131072xf32, #tpu.memory_space<hbm>> -> memref<128xf32, #tpu.memory_space<hbm>>
      %dma_wait3A_155 = tpu.memref_slice %arg4[%multiple_of3A_110] : memref<131072xf32, #tpu.memory_space<hbm>> -> memref<128xf32, #tpu.memory_space<hbm>>
      tpu.wait_dma2 semaphore(%run_scoped3A : memref<!tpu.dma_semaphore, #tpu.memory_space<semaphore_mem>>) src(%arg7 : memref<128xf32, #tpu.memory_space<vmem>>) dst(%dma_wait3A_155 : memref<128xf32, #tpu.memory_space<hbm>>)
      tpu.yield
    }) : () -> ()
    %add3A_111 = arith.constant 2560 : i32
    %add3A_112 = arith.addi %add3A_51, %add3A_111 : i32
    %multiple_of3A_113 = tpu.assume_multiple %add3A_112, 128 : i32
    "tpu.region"() ({
      %run_scoped3A = tpu.sem_alloc : memref<!tpu.dma_semaphore, #tpu.memory_space<semaphore_mem>>
      %dma_start3A = tpu.memref_slice %arg4[%multiple_of3A_113] : memref<131072xf32, #tpu.memory_space<hbm>> -> memref<128xf32, #tpu.memory_space<hbm>>
      %dma_start3A_154 = tpu.memref_slice %arg4[%multiple_of3A_113] : memref<131072xf32, #tpu.memory_space<hbm>> -> memref<128xf32, #tpu.memory_space<hbm>>
      tpu.enqueue_dma source(%arg7 : memref<128xf32, #tpu.memory_space<vmem>>) target(%dma_start3A_154 : memref<128xf32, #tpu.memory_space<hbm>>) target_semaphore(%run_scoped3A : memref<!tpu.dma_semaphore, #tpu.memory_space<semaphore_mem>>)
      %dma_wait3A = tpu.memref_slice %arg4[%multiple_of3A_113] : memref<131072xf32, #tpu.memory_space<hbm>> -> memref<128xf32, #tpu.memory_space<hbm>>
      %dma_wait3A_155 = tpu.memref_slice %arg4[%multiple_of3A_113] : memref<131072xf32, #tpu.memory_space<hbm>> -> memref<128xf32, #tpu.memory_space<hbm>>
      tpu.wait_dma2 semaphore(%run_scoped3A : memref<!tpu.dma_semaphore, #tpu.memory_space<semaphore_mem>>) src(%arg7 : memref<128xf32, #tpu.memory_space<vmem>>) dst(%dma_wait3A_155 : memref<128xf32, #tpu.memory_space<hbm>>)
      tpu.yield
    }) : () -> ()
    %add3A_114 = arith.constant 2688 : i32
    %add3A_115 = arith.addi %add3A_51, %add3A_114 : i32
    %multiple_of3A_116 = tpu.assume_multiple %add3A_115, 128 : i32
    "tpu.region"() ({
      %run_scoped3A = tpu.sem_alloc : memref<!tpu.dma_semaphore, #tpu.memory_space<semaphore_mem>>
      %dma_start3A = tpu.memref_slice %arg4[%multiple_of3A_116] : memref<131072xf32, #tpu.memory_space<hbm>> -> memref<128xf32, #tpu.memory_space<hbm>>
      %dma_start3A_154 = tpu.memref_slice %arg4[%multiple_of3A_116] : memref<131072xf32, #tpu.memory_space<hbm>> -> memref<128xf32, #tpu.memory_space<hbm>>
      tpu.enqueue_dma source(%arg7 : memref<128xf32, #tpu.memory_space<vmem>>) target(%dma_start3A_154 : memref<128xf32, #tpu.memory_space<hbm>>) target_semaphore(%run_scoped3A : memref<!tpu.dma_semaphore, #tpu.memory_space<semaphore_mem>>)
      %dma_wait3A = tpu.memref_slice %arg4[%multiple_of3A_116] : memref<131072xf32, #tpu.memory_space<hbm>> -> memref<128xf32, #tpu.memory_space<hbm>>
      %dma_wait3A_155 = tpu.memref_slice %arg4[%multiple_of3A_116] : memref<131072xf32, #tpu.memory_space<hbm>> -> memref<128xf32, #tpu.memory_space<hbm>>
      tpu.wait_dma2 semaphore(%run_scoped3A : memref<!tpu.dma_semaphore, #tpu.memory_space<semaphore_mem>>) src(%arg7 : memref<128xf32, #tpu.memory_space<vmem>>) dst(%dma_wait3A_155 : memref<128xf32, #tpu.memory_space<hbm>>)
      tpu.yield
    }) : () -> ()
    %add3A_117 = arith.constant 2816 : i32
    %add3A_118 = arith.addi %add3A_51, %add3A_117 : i32
    %multiple_of3A_119 = tpu.assume_multiple %add3A_118, 128 : i32
    "tpu.region"() ({
      %run_scoped3A = tpu.sem_alloc : memref<!tpu.dma_semaphore, #tpu.memory_space<semaphore_mem>>
      %dma_start3A = tpu.memref_slice %arg4[%multiple_of3A_119] : memref<131072xf32, #tpu.memory_space<hbm>> -> memref<128xf32, #tpu.memory_space<hbm>>
      %dma_start3A_154 = tpu.memref_slice %arg4[%multiple_of3A_119] : memref<131072xf32, #tpu.memory_space<hbm>> -> memref<128xf32, #tpu.memory_space<hbm>>
      tpu.enqueue_dma source(%arg7 : memref<128xf32, #tpu.memory_space<vmem>>) target(%dma_start3A_154 : memref<128xf32, #tpu.memory_space<hbm>>) target_semaphore(%run_scoped3A : memref<!tpu.dma_semaphore, #tpu.memory_space<semaphore_mem>>)
      %dma_wait3A = tpu.memref_slice %arg4[%multiple_of3A_119] : memref<131072xf32, #tpu.memory_space<hbm>> -> memref<128xf32, #tpu.memory_space<hbm>>
      %dma_wait3A_155 = tpu.memref_slice %arg4[%multiple_of3A_119] : memref<131072xf32, #tpu.memory_space<hbm>> -> memref<128xf32, #tpu.memory_space<hbm>>
      tpu.wait_dma2 semaphore(%run_scoped3A : memref<!tpu.dma_semaphore, #tpu.memory_space<semaphore_mem>>) src(%arg7 : memref<128xf32, #tpu.memory_space<vmem>>) dst(%dma_wait3A_155 : memref<128xf32, #tpu.memory_space<hbm>>)
      tpu.yield
    }) : () -> ()
    %add3A_120 = arith.constant 2944 : i32
    %add3A_121 = arith.addi %add3A_51, %add3A_120 : i32
    %multiple_of3A_122 = tpu.assume_multiple %add3A_121, 128 : i32
    "tpu.region"() ({
      %run_scoped3A = tpu.sem_alloc : memref<!tpu.dma_semaphore, #tpu.memory_space<semaphore_mem>>
      %dma_start3A = tpu.memref_slice %arg4[%multiple_of3A_122] : memref<131072xf32, #tpu.memory_space<hbm>> -> memref<128xf32, #tpu.memory_space<hbm>>
      %dma_start3A_154 = tpu.memref_slice %arg4[%multiple_of3A_122] : memref<131072xf32, #tpu.memory_space<hbm>> -> memref<128xf32, #tpu.memory_space<hbm>>
      tpu.enqueue_dma source(%arg7 : memref<128xf32, #tpu.memory_space<vmem>>) target(%dma_start3A_154 : memref<128xf32, #tpu.memory_space<hbm>>) target_semaphore(%run_scoped3A : memref<!tpu.dma_semaphore, #tpu.memory_space<semaphore_mem>>)
      %dma_wait3A = tpu.memref_slice %arg4[%multiple_of3A_122] : memref<131072xf32, #tpu.memory_space<hbm>> -> memref<128xf32, #tpu.memory_space<hbm>>
      %dma_wait3A_155 = tpu.memref_slice %arg4[%multiple_of3A_122] : memref<131072xf32, #tpu.memory_space<hbm>> -> memref<128xf32, #tpu.memory_space<hbm>>
      tpu.wait_dma2 semaphore(%run_scoped3A : memref<!tpu.dma_semaphore, #tpu.memory_space<semaphore_mem>>) src(%arg7 : memref<128xf32, #tpu.memory_space<vmem>>) dst(%dma_wait3A_155 : memref<128xf32, #tpu.memory_space<hbm>>)
      tpu.yield
    }) : () -> ()
    %add3A_123 = arith.constant 3072 : i32
    %add3A_124 = arith.addi %add3A_51, %add3A_123 : i32
    %multiple_of3A_125 = tpu.assume_multiple %add3A_124, 128 : i32
    "tpu.region"() ({
      %run_scoped3A = tpu.sem_alloc : memref<!tpu.dma_semaphore, #tpu.memory_space<semaphore_mem>>
      %dma_start3A = tpu.memref_slice %arg4[%multiple_of3A_125] : memref<131072xf32, #tpu.memory_space<hbm>> -> memref<128xf32, #tpu.memory_space<hbm>>
      %dma_start3A_154 = tpu.memref_slice %arg4[%multiple_of3A_125] : memref<131072xf32, #tpu.memory_space<hbm>> -> memref<128xf32, #tpu.memory_space<hbm>>
      tpu.enqueue_dma source(%arg7 : memref<128xf32, #tpu.memory_space<vmem>>) target(%dma_start3A_154 : memref<128xf32, #tpu.memory_space<hbm>>) target_semaphore(%run_scoped3A : memref<!tpu.dma_semaphore, #tpu.memory_space<semaphore_mem>>)
      %dma_wait3A = tpu.memref_slice %arg4[%multiple_of3A_125] : memref<131072xf32, #tpu.memory_space<hbm>> -> memref<128xf32, #tpu.memory_space<hbm>>
      %dma_wait3A_155 = tpu.memref_slice %arg4[%multiple_of3A_125] : memref<131072xf32, #tpu.memory_space<hbm>> -> memref<128xf32, #tpu.memory_space<hbm>>
      tpu.wait_dma2 semaphore(%run_scoped3A : memref<!tpu.dma_semaphore, #tpu.memory_space<semaphore_mem>>) src(%arg7 : memref<128xf32, #tpu.memory_space<vmem>>) dst(%dma_wait3A_155 : memref<128xf32, #tpu.memory_space<hbm>>)
      tpu.yield
    }) : () -> ()
    %add3A_126 = arith.constant 3200 : i32
    %add3A_127 = arith.addi %add3A_51, %add3A_126 : i32
    %multiple_of3A_128 = tpu.assume_multiple %add3A_127, 128 : i32
    "tpu.region"() ({
      %run_scoped3A = tpu.sem_alloc : memref<!tpu.dma_semaphore, #tpu.memory_space<semaphore_mem>>
      %dma_start3A = tpu.memref_slice %arg4[%multiple_of3A_128] : memref<131072xf32, #tpu.memory_space<hbm>> -> memref<128xf32, #tpu.memory_space<hbm>>
      %dma_start3A_154 = tpu.memref_slice %arg4[%multiple_of3A_128] : memref<131072xf32, #tpu.memory_space<hbm>> -> memref<128xf32, #tpu.memory_space<hbm>>
      tpu.enqueue_dma source(%arg7 : memref<128xf32, #tpu.memory_space<vmem>>) target(%dma_start3A_154 : memref<128xf32, #tpu.memory_space<hbm>>) target_semaphore(%run_scoped3A : memref<!tpu.dma_semaphore, #tpu.memory_space<semaphore_mem>>)
      %dma_wait3A = tpu.memref_slice %arg4[%multiple_of3A_128] : memref<131072xf32, #tpu.memory_space<hbm>> -> memref<128xf32, #tpu.memory_space<hbm>>
      %dma_wait3A_155 = tpu.memref_slice %arg4[%multiple_of3A_128] : memref<131072xf32, #tpu.memory_space<hbm>> -> memref<128xf32, #tpu.memory_space<hbm>>
      tpu.wait_dma2 semaphore(%run_scoped3A : memref<!tpu.dma_semaphore, #tpu.memory_space<semaphore_mem>>) src(%arg7 : memref<128xf32, #tpu.memory_space<vmem>>) dst(%dma_wait3A_155 : memref<128xf32, #tpu.memory_space<hbm>>)
      tpu.yield
    }) : () -> ()
    %add3A_129 = arith.constant 3328 : i32
    %add3A_130 = arith.addi %add3A_51, %add3A_129 : i32
    %multiple_of3A_131 = tpu.assume_multiple %add3A_130, 128 : i32
    "tpu.region"() ({
      %run_scoped3A = tpu.sem_alloc : memref<!tpu.dma_semaphore, #tpu.memory_space<semaphore_mem>>
      %dma_start3A = tpu.memref_slice %arg4[%multiple_of3A_131] : memref<131072xf32, #tpu.memory_space<hbm>> -> memref<128xf32, #tpu.memory_space<hbm>>
      %dma_start3A_154 = tpu.memref_slice %arg4[%multiple_of3A_131] : memref<131072xf32, #tpu.memory_space<hbm>> -> memref<128xf32, #tpu.memory_space<hbm>>
      tpu.enqueue_dma source(%arg7 : memref<128xf32, #tpu.memory_space<vmem>>) target(%dma_start3A_154 : memref<128xf32, #tpu.memory_space<hbm>>) target_semaphore(%run_scoped3A : memref<!tpu.dma_semaphore, #tpu.memory_space<semaphore_mem>>)
      %dma_wait3A = tpu.memref_slice %arg4[%multiple_of3A_131] : memref<131072xf32, #tpu.memory_space<hbm>> -> memref<128xf32, #tpu.memory_space<hbm>>
      %dma_wait3A_155 = tpu.memref_slice %arg4[%multiple_of3A_131] : memref<131072xf32, #tpu.memory_space<hbm>> -> memref<128xf32, #tpu.memory_space<hbm>>
      tpu.wait_dma2 semaphore(%run_scoped3A : memref<!tpu.dma_semaphore, #tpu.memory_space<semaphore_mem>>) src(%arg7 : memref<128xf32, #tpu.memory_space<vmem>>) dst(%dma_wait3A_155 : memref<128xf32, #tpu.memory_space<hbm>>)
      tpu.yield
    }) : () -> ()
    %add3A_132 = arith.constant 3456 : i32
    %add3A_133 = arith.addi %add3A_51, %add3A_132 : i32
    %multiple_of3A_134 = tpu.assume_multiple %add3A_133, 128 : i32
    "tpu.region"() ({
      %run_scoped3A = tpu.sem_alloc : memref<!tpu.dma_semaphore, #tpu.memory_space<semaphore_mem>>
      %dma_start3A = tpu.memref_slice %arg4[%multiple_of3A_134] : memref<131072xf32, #tpu.memory_space<hbm>> -> memref<128xf32, #tpu.memory_space<hbm>>
      %dma_start3A_154 = tpu.memref_slice %arg4[%multiple_of3A_134] : memref<131072xf32, #tpu.memory_space<hbm>> -> memref<128xf32, #tpu.memory_space<hbm>>
      tpu.enqueue_dma source(%arg7 : memref<128xf32, #tpu.memory_space<vmem>>) target(%dma_start3A_154 : memref<128xf32, #tpu.memory_space<hbm>>) target_semaphore(%run_scoped3A : memref<!tpu.dma_semaphore, #tpu.memory_space<semaphore_mem>>)
      %dma_wait3A = tpu.memref_slice %arg4[%multiple_of3A_134] : memref<131072xf32, #tpu.memory_space<hbm>> -> memref<128xf32, #tpu.memory_space<hbm>>
      %dma_wait3A_155 = tpu.memref_slice %arg4[%multiple_of3A_134] : memref<131072xf32, #tpu.memory_space<hbm>> -> memref<128xf32, #tpu.memory_space<hbm>>
      tpu.wait_dma2 semaphore(%run_scoped3A : memref<!tpu.dma_semaphore, #tpu.memory_space<semaphore_mem>>) src(%arg7 : memref<128xf32, #tpu.memory_space<vmem>>) dst(%dma_wait3A_155 : memref<128xf32, #tpu.memory_space<hbm>>)
      tpu.yield
    }) : () -> ()
    %add3A_135 = arith.constant 3584 : i32
    %add3A_136 = arith.addi %add3A_51, %add3A_135 : i32
    %multiple_of3A_137 = tpu.assume_multiple %add3A_136, 128 : i32
    "tpu.region"() ({
      %run_scoped3A = tpu.sem_alloc : memref<!tpu.dma_semaphore, #tpu.memory_space<semaphore_mem>>
      %dma_start3A = tpu.memref_slice %arg4[%multiple_of3A_137] : memref<131072xf32, #tpu.memory_space<hbm>> -> memref<128xf32, #tpu.memory_space<hbm>>
      %dma_start3A_154 = tpu.memref_slice %arg4[%multiple_of3A_137] : memref<131072xf32, #tpu.memory_space<hbm>> -> memref<128xf32, #tpu.memory_space<hbm>>
      tpu.enqueue_dma source(%arg7 : memref<128xf32, #tpu.memory_space<vmem>>) target(%dma_start3A_154 : memref<128xf32, #tpu.memory_space<hbm>>) target_semaphore(%run_scoped3A : memref<!tpu.dma_semaphore, #tpu.memory_space<semaphore_mem>>)
      %dma_wait3A = tpu.memref_slice %arg4[%multiple_of3A_137] : memref<131072xf32, #tpu.memory_space<hbm>> -> memref<128xf32, #tpu.memory_space<hbm>>
      %dma_wait3A_155 = tpu.memref_slice %arg4[%multiple_of3A_137] : memref<131072xf32, #tpu.memory_space<hbm>> -> memref<128xf32, #tpu.memory_space<hbm>>
      tpu.wait_dma2 semaphore(%run_scoped3A : memref<!tpu.dma_semaphore, #tpu.memory_space<semaphore_mem>>) src(%arg7 : memref<128xf32, #tpu.memory_space<vmem>>) dst(%dma_wait3A_155 : memref<128xf32, #tpu.memory_space<hbm>>)
      tpu.yield
    }) : () -> ()
    %add3A_138 = arith.constant 3712 : i32
    %add3A_139 = arith.addi %add3A_51, %add3A_138 : i32
    %multiple_of3A_140 = tpu.assume_multiple %add3A_139, 128 : i32
    "tpu.region"() ({
      %run_scoped3A = tpu.sem_alloc : memref<!tpu.dma_semaphore, #tpu.memory_space<semaphore_mem>>
      %dma_start3A = tpu.memref_slice %arg4[%multiple_of3A_140] : memref<131072xf32, #tpu.memory_space<hbm>> -> memref<128xf32, #tpu.memory_space<hbm>>
      %dma_start3A_154 = tpu.memref_slice %arg4[%multiple_of3A_140] : memref<131072xf32, #tpu.memory_space<hbm>> -> memref<128xf32, #tpu.memory_space<hbm>>
      tpu.enqueue_dma source(%arg7 : memref<128xf32, #tpu.memory_space<vmem>>) target(%dma_start3A_154 : memref<128xf32, #tpu.memory_space<hbm>>) target_semaphore(%run_scoped3A : memref<!tpu.dma_semaphore, #tpu.memory_space<semaphore_mem>>)
      %dma_wait3A = tpu.memref_slice %arg4[%multiple_of3A_140] : memref<131072xf32, #tpu.memory_space<hbm>> -> memref<128xf32, #tpu.memory_space<hbm>>
      %dma_wait3A_155 = tpu.memref_slice %arg4[%multiple_of3A_140] : memref<131072xf32, #tpu.memory_space<hbm>> -> memref<128xf32, #tpu.memory_space<hbm>>
      tpu.wait_dma2 semaphore(%run_scoped3A : memref<!tpu.dma_semaphore, #tpu.memory_space<semaphore_mem>>) src(%arg7 : memref<128xf32, #tpu.memory_space<vmem>>) dst(%dma_wait3A_155 : memref<128xf32, #tpu.memory_space<hbm>>)
      tpu.yield
    }) : () -> ()
    %add3A_141 = arith.constant 3840 : i32
    %add3A_142 = arith.addi %add3A_51, %add3A_141 : i32
    %multiple_of3A_143 = tpu.assume_multiple %add3A_142, 128 : i32
    "tpu.region"() ({
      %run_scoped3A = tpu.sem_alloc : memref<!tpu.dma_semaphore, #tpu.memory_space<semaphore_mem>>
      %dma_start3A = tpu.memref_slice %arg4[%multiple_of3A_143] : memref<131072xf32, #tpu.memory_space<hbm>> -> memref<128xf32, #tpu.memory_space<hbm>>
      %dma_start3A_154 = tpu.memref_slice %arg4[%multiple_of3A_143] : memref<131072xf32, #tpu.memory_space<hbm>> -> memref<128xf32, #tpu.memory_space<hbm>>
      tpu.enqueue_dma source(%arg7 : memref<128xf32, #tpu.memory_space<vmem>>) target(%dma_start3A_154 : memref<128xf32, #tpu.memory_space<hbm>>) target_semaphore(%run_scoped3A : memref<!tpu.dma_semaphore, #tpu.memory_space<semaphore_mem>>)
      %dma_wait3A = tpu.memref_slice %arg4[%multiple_of3A_143] : memref<131072xf32, #tpu.memory_space<hbm>> -> memref<128xf32, #tpu.memory_space<hbm>>
      %dma_wait3A_155 = tpu.memref_slice %arg4[%multiple_of3A_143] : memref<131072xf32, #tpu.memory_space<hbm>> -> memref<128xf32, #tpu.memory_space<hbm>>
      tpu.wait_dma2 semaphore(%run_scoped3A : memref<!tpu.dma_semaphore, #tpu.memory_space<semaphore_mem>>) src(%arg7 : memref<128xf32, #tpu.memory_space<vmem>>) dst(%dma_wait3A_155 : memref<128xf32, #tpu.memory_space<hbm>>)
      tpu.yield
    }) : () -> ()
    %add3A_144 = arith.constant 3968 : i32
    %add3A_145 = arith.addi %add3A_51, %add3A_144 : i32
    %multiple_of3A_146 = tpu.assume_multiple %add3A_145, 128 : i32
    "tpu.region"() ({
      %run_scoped3A = tpu.sem_alloc : memref<!tpu.dma_semaphore, #tpu.memory_space<semaphore_mem>>
      %dma_start3A = tpu.memref_slice %arg4[%multiple_of3A_146] : memref<131072xf32, #tpu.memory_space<hbm>> -> memref<128xf32, #tpu.memory_space<hbm>>
      %dma_start3A_154 = tpu.memref_slice %arg4[%multiple_of3A_146] : memref<131072xf32, #tpu.memory_space<hbm>> -> memref<128xf32, #tpu.memory_space<hbm>>
      tpu.enqueue_dma source(%arg7 : memref<128xf32, #tpu.memory_space<vmem>>) target(%dma_start3A_154 : memref<128xf32, #tpu.memory_space<hbm>>) target_semaphore(%run_scoped3A : memref<!tpu.dma_semaphore, #tpu.memory_space<semaphore_mem>>)
      %dma_wait3A = tpu.memref_slice %arg4[%multiple_of3A_146] : memref<131072xf32, #tpu.memory_space<hbm>> -> memref<128xf32, #tpu.memory_space<hbm>>
      %dma_wait3A_155 = tpu.memref_slice %arg4[%multiple_of3A_146] : memref<131072xf32, #tpu.memory_space<hbm>> -> memref<128xf32, #tpu.memory_space<hbm>>
      tpu.wait_dma2 semaphore(%run_scoped3A : memref<!tpu.dma_semaphore, #tpu.memory_space<semaphore_mem>>) src(%arg7 : memref<128xf32, #tpu.memory_space<vmem>>) dst(%dma_wait3A_155 : memref<128xf32, #tpu.memory_space<hbm>>)
      tpu.yield
    }) : () -> ()
    %barrier3A = arith.constant 0 : index
    tpu.barrier barrier_id(%barrier3A)
    %mul3A_147 = arith.constant 1024 : i32
    %mul3A_148 = arith.muli %add3A, %mul3A_147 : i32
    %scan3A = arith.constant 0 : i32
    %scan3A_149 = arith.constant 0 : i32
    %scan3A_150 = arith.constant 8 : i32
    %scan3A_151 = arith.addi %scan3A_149, %scan3A_150 : i32
    %scan3A_152 = arith.constant 1 : i32
    scf.for %scan3A_154 = %scan3A_149 to %scan3A_151 step %scan3A_152  : i32 {
      %mul3A_155 = arith.constant 128 : i32
      %mul3A_156 = arith.muli %scan3A_154, %mul3A_155 : i32
      %add3A_157 = arith.addi %mul3A_148, %mul3A_156 : i32
      %multiple_of3A_158 = tpu.assume_multiple %add3A_157, 128 : i32
      "tpu.region"() ({
        %run_scoped3A = tpu.sem_alloc : memref<!tpu.dma_semaphore, #tpu.memory_space<semaphore_mem>>
        %dma_start3A = tpu.memref_slice %arg3[%multiple_of3A_158] : memref<32768xi32, #tpu.memory_space<hbm>> -> memref<128xi32, #tpu.memory_space<hbm>>
        %dma_start3A_159 = tpu.memref_slice %arg3[%multiple_of3A_158] : memref<32768xi32, #tpu.memory_space<hbm>> -> memref<128xi32, #tpu.memory_space<hbm>>
        tpu.enqueue_dma source(%dma_start3A_159 : memref<128xi32, #tpu.memory_space<hbm>>) target(%arg5 : memref<128xi32, #tpu.memory_space<vmem>>) target_semaphore(%run_scoped3A : memref<!tpu.dma_semaphore, #tpu.memory_space<semaphore_mem>>)
        %dma_wait3A = tpu.memref_slice %arg3[%multiple_of3A_158] : memref<32768xi32, #tpu.memory_space<hbm>> -> memref<128xi32, #tpu.memory_space<hbm>>
        %dma_wait3A_160 = tpu.memref_slice %arg3[%multiple_of3A_158] : memref<32768xi32, #tpu.memory_space<hbm>> -> memref<128xi32, #tpu.memory_space<hbm>>
        tpu.wait_dma2 semaphore(%run_scoped3A : memref<!tpu.dma_semaphore, #tpu.memory_space<semaphore_mem>>) src(%dma_wait3A_160 : memref<128xi32, #tpu.memory_space<hbm>>) dst(%arg5 : memref<128xi32, #tpu.memory_space<vmem>>)
        tpu.yield
      }) : () -> ()
      "tpu.region"() ({
        %run_scoped3A = tpu.sem_alloc : memref<!tpu.dma_semaphore, #tpu.memory_space<semaphore_mem>>
        %dma_start3A = tpu.memref_slice %arg2[%multiple_of3A_158] : memref<32768xf32, #tpu.memory_space<hbm>> -> memref<128xf32, #tpu.memory_space<hbm>>
        %dma_start3A_159 = tpu.memref_slice %arg2[%multiple_of3A_158] : memref<32768xf32, #tpu.memory_space<hbm>> -> memref<128xf32, #tpu.memory_space<hbm>>
        tpu.enqueue_dma source(%dma_start3A_159 : memref<128xf32, #tpu.memory_space<hbm>>) target(%arg6 : memref<128xf32, #tpu.memory_space<vmem>>) target_semaphore(%run_scoped3A : memref<!tpu.dma_semaphore, #tpu.memory_space<semaphore_mem>>)
        %dma_wait3A = tpu.memref_slice %arg2[%multiple_of3A_158] : memref<32768xf32, #tpu.memory_space<hbm>> -> memref<128xf32, #tpu.memory_space<hbm>>
        %dma_wait3A_160 = tpu.memref_slice %arg2[%multiple_of3A_158] : memref<32768xf32, #tpu.memory_space<hbm>> -> memref<128xf32, #tpu.memory_space<hbm>>
        tpu.wait_dma2 semaphore(%run_scoped3A : memref<!tpu.dma_semaphore, #tpu.memory_space<semaphore_mem>>) src(%dma_wait3A_160 : memref<128xf32, #tpu.memory_space<hbm>>) dst(%arg6 : memref<128xf32, #tpu.memory_space<vmem>>)
        tpu.yield
      }) : () -> ()
      "tpu.region"() ({
        %run_scoped3A = tpu.sem_alloc : memref<!tpu.dma_semaphore, #tpu.memory_space<semaphore_mem>>
        %dma_start3A = arith.constant 0 : i32
        %dma_start3A_159 = tpu.memref_slice %arg4[%dma_start3A] : memref<131072xf32, #tpu.memory_space<hbm>> -> memref<131072xf32, #tpu.memory_space<hbm>>
        tpu.enqueue_indirect_dma source(%arg6 : memref<128xf32, #tpu.memory_space<vmem>>) target(%dma_start3A_159 : memref<131072xf32, #tpu.memory_space<hbm>>) offsets(%arg5 : memref<128xi32, #tpu.memory_space<vmem>>) semaphore(%run_scoped3A : memref<!tpu.dma_semaphore, #tpu.memory_space<semaphore_mem>>)
        %dma_wait3A = arith.constant 0 : i32
        %dma_wait3A_160 = tpu.memref_slice %arg4[%dma_wait3A] : memref<131072xf32, #tpu.memory_space<hbm>> -> memref<131072xf32, #tpu.memory_space<hbm>>
        tpu.wait_indirect_dma semaphore(%run_scoped3A : memref<!tpu.dma_semaphore, #tpu.memory_space<semaphore_mem>>) src(%arg6 : memref<128xf32, #tpu.memory_space<vmem>>) dst(%dma_wait3A_160 : memref<131072xf32, #tpu.memory_space<hbm>>)
        tpu.yield
      }) : () -> ()
    }
    %scan3A_153 = arith.constant 8 : i32
    return
  }
}

#map = affine_map<(d0, d1) -> (0, 0)>
#map1 = affine_map<(d0, d1) -> (0)>
module attributes {stable_mosaic.version = 14 : i64} {
  func.func @k(%arg0: i32, %arg1: i32, %arg2: memref<65536x512xf32, #tpu.memory_space<hbm>>, %arg3: memref<32768xi32, #tpu.memory_space<hbm>>, %arg4: memref<1024x512xf32, #tpu.memory_space<hbm>>, %arg5: memref<32768xi32, #tpu.memory_space<hbm>>, %arg6: memref<32768x512xf32, #tpu.memory_space<hbm>>, %arg7: memref<32768x512xf32, #tpu.memory_space<hbm>>, %arg8: memref<128xi32, #tpu.memory_space<vmem>>, %arg9: memref<128x512xf32, #tpu.memory_space<vmem>>, %arg10: memref<!tpu.dma_semaphore, #tpu.memory_space<semaphore_mem>>) attributes {dimension_semantics = [#tpu.dimension_semantics<core_parallel>, #tpu.dimension_semantics<subcore_parallel>], iteration_bounds = array<i64: 2, 16>, scalar_prefetch = 0 : i64, scratch_operands = 3 : i64, tpu.core_type = #tpu.core_type<sc_vector_subcore>, window_params = [{transform_indices = #map}, {transform_indices = #map1}, {transform_indices = #map}, {transform_indices = #map1}, {transform_indices = #map}, {transform_indices = #map}]} {
    %mul3A = arith.constant 2 : i32
    %mul3A_0 = arith.muli %arg1, %mul3A : i32
    %add3A = arith.addi %mul3A_0, %arg0 : i32
    %mul3A_1 = arith.constant 1024 : i32
    %mul3A_2 = arith.muli %add3A, %mul3A_1 : i32
    %scan3A = arith.constant 0 : i32
    %scan3A_3 = arith.constant 0 : i32
    %scan3A_4 = arith.constant 8 : i32
    %scan3A_5 = arith.addi %scan3A_3, %scan3A_4 : i32
    %scan3A_6 = arith.constant 1 : i32
    scf.for %scan3A_14 = %scan3A_3 to %scan3A_5 step %scan3A_6  : i32 {
      %mul3A_15 = arith.constant 128 : i32
      %mul3A_16 = arith.muli %scan3A_14, %mul3A_15 : i32
      %add3A_17 = arith.addi %mul3A_2, %mul3A_16 : i32
      %multiple_of3A = tpu.assume_multiple %add3A_17, 128 : i32
      "tpu.region"() ({
        %run_scoped3A = tpu.sem_alloc : memref<!tpu.dma_semaphore, #tpu.memory_space<semaphore_mem>>
        %dma_start3A_22 = tpu.memref_slice %arg3[%multiple_of3A] : memref<32768xi32, #tpu.memory_space<hbm>> -> memref<128xi32, #tpu.memory_space<hbm>>
        %dma_start3A_23 = tpu.memref_slice %arg3[%multiple_of3A] : memref<32768xi32, #tpu.memory_space<hbm>> -> memref<128xi32, #tpu.memory_space<hbm>>
        tpu.enqueue_dma source(%dma_start3A_23 : memref<128xi32, #tpu.memory_space<hbm>>) target(%arg8 : memref<128xi32, #tpu.memory_space<vmem>>) target_semaphore(%run_scoped3A : memref<!tpu.dma_semaphore, #tpu.memory_space<semaphore_mem>>)
        %dma_wait3A_24 = tpu.memref_slice %arg3[%multiple_of3A] : memref<32768xi32, #tpu.memory_space<hbm>> -> memref<128xi32, #tpu.memory_space<hbm>>
        %dma_wait3A_25 = tpu.memref_slice %arg3[%multiple_of3A] : memref<32768xi32, #tpu.memory_space<hbm>> -> memref<128xi32, #tpu.memory_space<hbm>>
        tpu.wait_dma2 semaphore(%run_scoped3A : memref<!tpu.dma_semaphore, #tpu.memory_space<semaphore_mem>>) src(%dma_wait3A_25 : memref<128xi32, #tpu.memory_space<hbm>>) dst(%arg8 : memref<128xi32, #tpu.memory_space<vmem>>)
        tpu.yield
      }) : () -> ()
      %dma_start3A = arith.constant 0 : i32
      %dma_start3A_18 = arith.constant 0 : i32
      %dma_start3A_19 = tpu.memref_slice %arg2[%dma_start3A, %dma_start3A_18] : memref<65536x512xf32, #tpu.memory_space<hbm>> -> memref<65536x512xf32, #tpu.memory_space<hbm>>
      tpu.enqueue_indirect_dma source(%dma_start3A_19 : memref<65536x512xf32, #tpu.memory_space<hbm>>) target(%arg9 : memref<128x512xf32, #tpu.memory_space<vmem>>) offsets(%arg8 : memref<128xi32, #tpu.memory_space<vmem>>) semaphore(%arg10 : memref<!tpu.dma_semaphore, #tpu.memory_space<semaphore_mem>>)
      %dma_wait3A = arith.constant 0 : i32
      %dma_wait3A_20 = arith.constant 0 : i32
      %dma_wait3A_21 = tpu.memref_slice %arg2[%dma_wait3A, %dma_wait3A_20] : memref<65536x512xf32, #tpu.memory_space<hbm>> -> memref<65536x512xf32, #tpu.memory_space<hbm>>
      tpu.wait_indirect_dma semaphore(%arg10 : memref<!tpu.dma_semaphore, #tpu.memory_space<semaphore_mem>>) src(%dma_wait3A_21 : memref<65536x512xf32, #tpu.memory_space<hbm>>) dst(%arg9 : memref<128x512xf32, #tpu.memory_space<vmem>>)
      "tpu.region"() ({
        %run_scoped3A = tpu.sem_alloc : memref<!tpu.dma_semaphore, #tpu.memory_space<semaphore_mem>>
        %dma_start3A_22 = arith.constant 0 : i32
        %dma_start3A_23 = tpu.memref_slice %arg6[%multiple_of3A, %dma_start3A_22] : memref<32768x512xf32, #tpu.memory_space<hbm>> -> memref<128x512xf32, #tpu.memory_space<hbm>>
        %dma_start3A_24 = arith.constant 0 : i32
        %dma_start3A_25 = tpu.memref_slice %arg6[%multiple_of3A, %dma_start3A_24] : memref<32768x512xf32, #tpu.memory_space<hbm>> -> memref<128x512xf32, #tpu.memory_space<hbm>>
        tpu.enqueue_dma source(%arg9 : memref<128x512xf32, #tpu.memory_space<vmem>>) target(%dma_start3A_25 : memref<128x512xf32, #tpu.memory_space<hbm>>) target_semaphore(%run_scoped3A : memref<!tpu.dma_semaphore, #tpu.memory_space<semaphore_mem>>)
        %dma_wait3A_26 = arith.constant 0 : i32
        %dma_wait3A_27 = tpu.memref_slice %arg6[%multiple_of3A, %dma_wait3A_26] : memref<32768x512xf32, #tpu.memory_space<hbm>> -> memref<128x512xf32, #tpu.memory_space<hbm>>
        %dma_wait3A_28 = arith.constant 0 : i32
        %dma_wait3A_29 = tpu.memref_slice %arg6[%multiple_of3A, %dma_wait3A_28] : memref<32768x512xf32, #tpu.memory_space<hbm>> -> memref<128x512xf32, #tpu.memory_space<hbm>>
        tpu.wait_dma2 semaphore(%run_scoped3A : memref<!tpu.dma_semaphore, #tpu.memory_space<semaphore_mem>>) src(%arg9 : memref<128x512xf32, #tpu.memory_space<vmem>>) dst(%dma_wait3A_29 : memref<128x512xf32, #tpu.memory_space<hbm>>)
        tpu.yield
      }) : () -> ()
    }
    %scan3A_7 = arith.constant 8 : i32
    %scan3A_8 = arith.constant 0 : i32
    %scan3A_9 = arith.constant 0 : i32
    %scan3A_10 = arith.constant 8 : i32
    %scan3A_11 = arith.addi %scan3A_9, %scan3A_10 : i32
    %scan3A_12 = arith.constant 1 : i32
    scf.for %scan3A_14 = %scan3A_9 to %scan3A_11 step %scan3A_12  : i32 {
      %mul3A_15 = arith.constant 128 : i32
      %mul3A_16 = arith.muli %scan3A_14, %mul3A_15 : i32
      %add3A_17 = arith.addi %mul3A_2, %mul3A_16 : i32
      %multiple_of3A = tpu.assume_multiple %add3A_17, 128 : i32
      "tpu.region"() ({
        %run_scoped3A = tpu.sem_alloc : memref<!tpu.dma_semaphore, #tpu.memory_space<semaphore_mem>>
        %dma_start3A_22 = tpu.memref_slice %arg5[%multiple_of3A] : memref<32768xi32, #tpu.memory_space<hbm>> -> memref<128xi32, #tpu.memory_space<hbm>>
        %dma_start3A_23 = tpu.memref_slice %arg5[%multiple_of3A] : memref<32768xi32, #tpu.memory_space<hbm>> -> memref<128xi32, #tpu.memory_space<hbm>>
        tpu.enqueue_dma source(%dma_start3A_23 : memref<128xi32, #tpu.memory_space<hbm>>) target(%arg8 : memref<128xi32, #tpu.memory_space<vmem>>) target_semaphore(%run_scoped3A : memref<!tpu.dma_semaphore, #tpu.memory_space<semaphore_mem>>)
        %dma_wait3A_24 = tpu.memref_slice %arg5[%multiple_of3A] : memref<32768xi32, #tpu.memory_space<hbm>> -> memref<128xi32, #tpu.memory_space<hbm>>
        %dma_wait3A_25 = tpu.memref_slice %arg5[%multiple_of3A] : memref<32768xi32, #tpu.memory_space<hbm>> -> memref<128xi32, #tpu.memory_space<hbm>>
        tpu.wait_dma2 semaphore(%run_scoped3A : memref<!tpu.dma_semaphore, #tpu.memory_space<semaphore_mem>>) src(%dma_wait3A_25 : memref<128xi32, #tpu.memory_space<hbm>>) dst(%arg8 : memref<128xi32, #tpu.memory_space<vmem>>)
        tpu.yield
      }) : () -> ()
      %dma_start3A = arith.constant 0 : i32
      %dma_start3A_18 = arith.constant 0 : i32
      %dma_start3A_19 = tpu.memref_slice %arg4[%dma_start3A, %dma_start3A_18] : memref<1024x512xf32, #tpu.memory_space<hbm>> -> memref<1024x512xf32, #tpu.memory_space<hbm>>
      tpu.enqueue_indirect_dma source(%dma_start3A_19 : memref<1024x512xf32, #tpu.memory_space<hbm>>) target(%arg9 : memref<128x512xf32, #tpu.memory_space<vmem>>) offsets(%arg8 : memref<128xi32, #tpu.memory_space<vmem>>) semaphore(%arg10 : memref<!tpu.dma_semaphore, #tpu.memory_space<semaphore_mem>>)
      %dma_wait3A = arith.constant 0 : i32
      %dma_wait3A_20 = arith.constant 0 : i32
      %dma_wait3A_21 = tpu.memref_slice %arg4[%dma_wait3A, %dma_wait3A_20] : memref<1024x512xf32, #tpu.memory_space<hbm>> -> memref<1024x512xf32, #tpu.memory_space<hbm>>
      tpu.wait_indirect_dma semaphore(%arg10 : memref<!tpu.dma_semaphore, #tpu.memory_space<semaphore_mem>>) src(%dma_wait3A_21 : memref<1024x512xf32, #tpu.memory_space<hbm>>) dst(%arg9 : memref<128x512xf32, #tpu.memory_space<vmem>>)
      "tpu.region"() ({
        %run_scoped3A = tpu.sem_alloc : memref<!tpu.dma_semaphore, #tpu.memory_space<semaphore_mem>>
        %dma_start3A_22 = arith.constant 0 : i32
        %dma_start3A_23 = tpu.memref_slice %arg7[%multiple_of3A, %dma_start3A_22] : memref<32768x512xf32, #tpu.memory_space<hbm>> -> memref<128x512xf32, #tpu.memory_space<hbm>>
        %dma_start3A_24 = arith.constant 0 : i32
        %dma_start3A_25 = tpu.memref_slice %arg7[%multiple_of3A, %dma_start3A_24] : memref<32768x512xf32, #tpu.memory_space<hbm>> -> memref<128x512xf32, #tpu.memory_space<hbm>>
        tpu.enqueue_dma source(%arg9 : memref<128x512xf32, #tpu.memory_space<vmem>>) target(%dma_start3A_25 : memref<128x512xf32, #tpu.memory_space<hbm>>) target_semaphore(%run_scoped3A : memref<!tpu.dma_semaphore, #tpu.memory_space<semaphore_mem>>)
        %dma_wait3A_26 = arith.constant 0 : i32
        %dma_wait3A_27 = tpu.memref_slice %arg7[%multiple_of3A, %dma_wait3A_26] : memref<32768x512xf32, #tpu.memory_space<hbm>> -> memref<128x512xf32, #tpu.memory_space<hbm>>
        %dma_wait3A_28 = arith.constant 0 : i32
        %dma_wait3A_29 = tpu.memref_slice %arg7[%multiple_of3A, %dma_wait3A_28] : memref<32768x512xf32, #tpu.memory_space<hbm>> -> memref<128x512xf32, #tpu.memory_space<hbm>>
        tpu.wait_dma2 semaphore(%run_scoped3A : memref<!tpu.dma_semaphore, #tpu.memory_space<semaphore_mem>>) src(%arg9 : memref<128x512xf32, #tpu.memory_space<vmem>>) dst(%dma_wait3A_29 : memref<128x512xf32, #tpu.memory_space<hbm>>)
        tpu.yield
      }) : () -> ()
    }
    %scan3A_13 = arith.constant 8 : i32
    return
  }
}

module attributes {stable_mosaic.version = 14 : i64} {
  func.func @_point_body(%arg0: memref<1024x512xf32, #tpu.memory_space<vmem>>, %arg1: memref<512x512xf32, #tpu.memory_space<vmem>>, %arg2: memref<1x512xf32, #tpu.memory_space<vmem>>, %arg3: memref<1x512xf32, #tpu.memory_space<vmem>>, %arg4: memref<1x512xf32, #tpu.memory_space<vmem>>, %arg5: memref<512x512xf32, #tpu.memory_space<vmem>>, %arg6: memref<1x512xf32, #tpu.memory_space<vmem>>, %arg7: memref<1x512xf32, #tpu.memory_space<vmem>>, %arg8: memref<1x512xf32, #tpu.memory_space<vmem>>, %arg9: memref<1x512xf32, #tpu.memory_space<vmem>>, %arg10: memref<1x512xf32, #tpu.memory_space<vmem>>, %arg11: memref<512x512xf32, #tpu.memory_space<vmem>>, %arg12: memref<512x512xf32, #tpu.memory_space<vmem>>, %arg13: memref<512x512xf32, #tpu.memory_space<vmem>>, %arg14: memref<1x512xf32, #tpu.memory_space<vmem>>, %arg15: memref<1024x512xf32, #tpu.memory_space<vmem>>, %arg16: memref<1024x512xf32, #tpu.memory_space<vmem>>, %arg17: memref<1024x512xf32, #tpu.memory_space<vmem>>, %arg18: memref<1024x512xbf16, #tpu.memory_space<vmem>>, %arg19: memref<2x512xf32, #tpu.memory_space<vmem>>) attributes {dimension_semantics = [], scalar_prefetch = 0 : i64, scratch_operands = 0 : i64, tpu.core_type = #tpu.core_type<tc>} {
    %get3A = arith.constant 0 : index
    %get3A_0 = arith.constant 0 : index
    %get3A_1 = vector.load %arg0[%get3A, %get3A_0] : memref<1024x512xf32, #tpu.memory_space<vmem>>, vector<1024x512xf32>
    %get3A_2 = arith.constant 0 : index
    %get3A_3 = arith.constant 0 : index
    %get3A_4 = vector.load %arg1[%get3A_2, %get3A_3] : memref<512x512xf32, #tpu.memory_space<vmem>>, vector<512x512xf32>
    %dot_general3A = arith.constant dense<0.000000e+00> : vector<1024x512xf32>
    %dot_general3A_5 = tpu.matmul %get3A_1, %get3A_4, %dot_general3A {dimension_numbers = #tpu.dot_dimension_numbers<[1], [0], [0], [1], [0, 0, 1, 1], [], []>, transpose_lhs_hint = false} : vector<1024x512xf32>, vector<512x512xf32>, vector<1024x512xf32> -> vector<1024x512xf32>
    %get3A_6 = arith.constant 0 : index
    %get3A_7 = arith.constant 0 : index
    %get3A_8 = vector.load %arg2[%get3A_6, %get3A_7] : memref<1x512xf32, #tpu.memory_space<vmem>>, vector<1x512xf32>
    %add3A = vector.broadcast %get3A_8 : vector<1x512xf32> to vector<1024x512xf32>
    %add3A_9 = arith.addf %dot_general3A_5, %add3A : vector<1024x512xf32>
    %get3A_10 = arith.constant 0 : index
    %get3A_11 = arith.constant 0 : index
    %get3A_12 = vector.load %arg3[%get3A_10, %get3A_11] : memref<1x512xf32, #tpu.memory_space<vmem>>, vector<1x512xf32>
    %get3A_13 = arith.constant 0 : index
    %get3A_14 = arith.constant 0 : index
    %get3A_15 = vector.load %arg4[%get3A_13, %get3A_14] : memref<1x512xf32, #tpu.memory_space<vmem>>, vector<1x512xf32>
    %reduce_sum3A = arith.constant dense<0.000000e+00> : vector<1024xf32>
    %reduce_sum3A_16 = vector.multi_reduction <add>, %add3A_9, %reduce_sum3A [1] : vector<1024x512xf32> to vector<1024xf32>
    %broadcast_in_dim3A = vector.shape_cast %reduce_sum3A_16 : vector<1024xf32> to vector<1024x1xf32>
    %div3A = arith.constant 5.120000e+02 : f32
    %div3A_17 = vector.broadcast %div3A : f32 to vector<1024x1xf32>
    %div3A_18 = arith.divf %broadcast_in_dim3A, %div3A_17 : vector<1024x1xf32>
    %sub3A = vector.broadcast %div3A_18 : vector<1024x1xf32> to vector<1024x512xf32>
    %sub3A_19 = arith.subf %add3A_9, %sub3A : vector<1024x512xf32>
    %integer_pow3A = arith.mulf %sub3A_19, %sub3A_19 : vector<1024x512xf32>
    %reduce_sum3A_20 = arith.constant dense<0.000000e+00> : vector<1024xf32>
    %reduce_sum3A_21 = vector.multi_reduction <add>, %integer_pow3A, %reduce_sum3A_20 [1] : vector<1024x512xf32> to vector<1024xf32>
    %broadcast_in_dim3A_22 = vector.shape_cast %reduce_sum3A_21 : vector<1024xf32> to vector<1024x1xf32>
    %div3A_23 = arith.constant 5.120000e+02 : f32
    %div3A_24 = vector.broadcast %div3A_23 : f32 to vector<1024x1xf32>
    %div3A_25 = arith.divf %broadcast_in_dim3A_22, %div3A_24 : vector<1024x1xf32>
    %sub3A_26 = vector.broadcast %div3A_18 : vector<1024x1xf32> to vector<1024x512xf32>
    %sub3A_27 = arith.subf %add3A_9, %sub3A_26 : vector<1024x512xf32>
    %add3A_28 = arith.constant 9.99999974E-6 : f32
    %add3A_29 = vector.broadcast %add3A_28 : f32 to vector<1024x1xf32>
    %add3A_30 = arith.addf %div3A_25, %add3A_29 : vector<1024x1xf32>
    %sqrt3A = math.sqrt %add3A_30 : vector<1024x1xf32>
    %div3A_31 = vector.broadcast %sqrt3A : vector<1024x1xf32> to vector<1024x512xf32>
    %div3A_32 = arith.divf %sub3A_27, %div3A_31 : vector<1024x512xf32>
    %mul3A = vector.broadcast %get3A_12 : vector<1x512xf32> to vector<1024x512xf32>
    %mul3A_33 = arith.mulf %div3A_32, %mul3A : vector<1024x512xf32>
    %add3A_34 = vector.broadcast %get3A_15 : vector<1x512xf32> to vector<1024x512xf32>
    %add3A_35 = arith.addf %mul3A_33, %add3A_34 : vector<1024x512xf32>
    %max3A = arith.constant 0.000000e+00 : f32
    %max3A_36 = vector.broadcast %max3A : f32 to vector<1024x512xf32>
    %max3A_37 = arith.maximumf %add3A_35, %max3A_36 : vector<1024x512xf32>
    %get3A_38 = arith.constant 0 : index
    %get3A_39 = arith.constant 0 : index
    %get3A_40 = vector.load %arg5[%get3A_38, %get3A_39] : memref<512x512xf32, #tpu.memory_space<vmem>>, vector<512x512xf32>
    %dot_general3A_41 = arith.constant dense<0.000000e+00> : vector<1024x512xf32>
    %dot_general3A_42 = tpu.matmul %get3A_1, %get3A_40, %dot_general3A_41 {dimension_numbers = #tpu.dot_dimension_numbers<[1], [0], [0], [1], [0, 0, 1, 1], [], []>, transpose_lhs_hint = false} : vector<1024x512xf32>, vector<512x512xf32>, vector<1024x512xf32> -> vector<1024x512xf32>
    %get3A_43 = arith.constant 0 : index
    %get3A_44 = arith.constant 0 : index
    %get3A_45 = vector.load %arg6[%get3A_43, %get3A_44] : memref<1x512xf32, #tpu.memory_space<vmem>>, vector<1x512xf32>
    %add3A_46 = vector.broadcast %get3A_45 : vector<1x512xf32> to vector<1024x512xf32>
    %add3A_47 = arith.addf %dot_general3A_42, %add3A_46 : vector<1024x512xf32>
    %get3A_48 = arith.constant 0 : index
    %get3A_49 = arith.constant 0 : index
    %get3A_50 = vector.load %arg7[%get3A_48, %get3A_49] : memref<1x512xf32, #tpu.memory_space<vmem>>, vector<1x512xf32>
    %get3A_51 = arith.constant 0 : index
    %get3A_52 = arith.constant 0 : index
    %get3A_53 = vector.load %arg8[%get3A_51, %get3A_52] : memref<1x512xf32, #tpu.memory_space<vmem>>, vector<1x512xf32>
    %reduce_sum3A_54 = arith.constant dense<0.000000e+00> : vector<1024xf32>
    %reduce_sum3A_55 = vector.multi_reduction <add>, %add3A_47, %reduce_sum3A_54 [1] : vector<1024x512xf32> to vector<1024xf32>
    %broadcast_in_dim3A_56 = vector.shape_cast %reduce_sum3A_55 : vector<1024xf32> to vector<1024x1xf32>
    %div3A_57 = arith.constant 5.120000e+02 : f32
    %div3A_58 = vector.broadcast %div3A_57 : f32 to vector<1024x1xf32>
    %div3A_59 = arith.divf %broadcast_in_dim3A_56, %div3A_58 : vector<1024x1xf32>
    %sub3A_60 = vector.broadcast %div3A_59 : vector<1024x1xf32> to vector<1024x512xf32>
    %sub3A_61 = arith.subf %add3A_47, %sub3A_60 : vector<1024x512xf32>
    %integer_pow3A_62 = arith.mulf %sub3A_61, %sub3A_61 : vector<1024x512xf32>
    %reduce_sum3A_63 = arith.constant dense<0.000000e+00> : vector<1024xf32>
    %reduce_sum3A_64 = vector.multi_reduction <add>, %integer_pow3A_62, %reduce_sum3A_63 [1] : vector<1024x512xf32> to vector<1024xf32>
    %broadcast_in_dim3A_65 = vector.shape_cast %reduce_sum3A_64 : vector<1024xf32> to vector<1024x1xf32>
    %div3A_66 = arith.constant 5.120000e+02 : f32
    %div3A_67 = vector.broadcast %div3A_66 : f32 to vector<1024x1xf32>
    %div3A_68 = arith.divf %broadcast_in_dim3A_65, %div3A_67 : vector<1024x1xf32>
    %sub3A_69 = vector.broadcast %div3A_59 : vector<1024x1xf32> to vector<1024x512xf32>
    %sub3A_70 = arith.subf %add3A_47, %sub3A_69 : vector<1024x512xf32>
    %add3A_71 = arith.constant 9.99999974E-6 : f32
    %add3A_72 = vector.broadcast %add3A_71 : f32 to vector<1024x1xf32>
    %add3A_73 = arith.addf %div3A_68, %add3A_72 : vector<1024x1xf32>
    %sqrt3A_74 = math.sqrt %add3A_73 : vector<1024x1xf32>
    %div3A_75 = vector.broadcast %sqrt3A_74 : vector<1024x1xf32> to vector<1024x512xf32>
    %div3A_76 = arith.divf %sub3A_70, %div3A_75 : vector<1024x512xf32>
    %mul3A_77 = vector.broadcast %get3A_50 : vector<1x512xf32> to vector<1024x512xf32>
    %mul3A_78 = arith.mulf %div3A_76, %mul3A_77 : vector<1024x512xf32>
    %add3A_79 = vector.broadcast %get3A_53 : vector<1x512xf32> to vector<1024x512xf32>
    %add3A_80 = arith.addf %mul3A_78, %add3A_79 : vector<1024x512xf32>
    %max3A_81 = arith.constant 0.000000e+00 : f32
    %max3A_82 = vector.broadcast %max3A_81 : f32 to vector<1024x512xf32>
    %max3A_83 = arith.maximumf %add3A_80, %max3A_82 : vector<1024x512xf32>
    %get3A_84 = arith.constant 0 : index
    %get3A_85 = arith.constant 0 : index
    %get3A_86 = vector.load %arg9[%get3A_84, %get3A_85] : memref<1x512xf32, #tpu.memory_space<vmem>>, vector<1x512xf32>
    %get3A_87 = arith.constant 0 : index
    %get3A_88 = arith.constant 0 : index
    %get3A_89 = vector.load %arg10[%get3A_87, %get3A_88] : memref<1x512xf32, #tpu.memory_space<vmem>>, vector<1x512xf32>
    %reduce_sum3A_90 = arith.constant dense<0.000000e+00> : vector<1024xf32>
    %reduce_sum3A_91 = vector.multi_reduction <add>, %max3A_83, %reduce_sum3A_90 [1] : vector<1024x512xf32> to vector<1024xf32>
    %broadcast_in_dim3A_92 = vector.shape_cast %reduce_sum3A_91 : vector<1024xf32> to vector<1024x1xf32>
    %div3A_93 = arith.constant 5.120000e+02 : f32
    %div3A_94 = vector.broadcast %div3A_93 : f32 to vector<1024x1xf32>
    %div3A_95 = arith.divf %broadcast_in_dim3A_92, %div3A_94 : vector<1024x1xf32>
    %sub3A_96 = vector.broadcast %div3A_95 : vector<1024x1xf32> to vector<1024x512xf32>
    %sub3A_97 = arith.subf %max3A_83, %sub3A_96 : vector<1024x512xf32>
    %integer_pow3A_98 = arith.mulf %sub3A_97, %sub3A_97 : vector<1024x512xf32>
    %reduce_sum3A_99 = arith.constant dense<0.000000e+00> : vector<1024xf32>
    %reduce_sum3A_100 = vector.multi_reduction <add>, %integer_pow3A_98, %reduce_sum3A_99 [1] : vector<1024x512xf32> to vector<1024xf32>
    %broadcast_in_dim3A_101 = vector.shape_cast %reduce_sum3A_100 : vector<1024xf32> to vector<1024x1xf32>
    %div3A_102 = arith.constant 5.120000e+02 : f32
    %div3A_103 = vector.broadcast %div3A_102 : f32 to vector<1024x1xf32>
    %div3A_104 = arith.divf %broadcast_in_dim3A_101, %div3A_103 : vector<1024x1xf32>
    %sub3A_105 = vector.broadcast %div3A_95 : vector<1024x1xf32> to vector<1024x512xf32>
    %sub3A_106 = arith.subf %max3A_83, %sub3A_105 : vector<1024x512xf32>
    %add3A_107 = arith.constant 9.99999974E-6 : f32
    %add3A_108 = vector.broadcast %add3A_107 : f32 to vector<1024x1xf32>
    %add3A_109 = arith.addf %div3A_104, %add3A_108 : vector<1024x1xf32>
    %sqrt3A_110 = math.sqrt %add3A_109 : vector<1024x1xf32>
    %div3A_111 = vector.broadcast %sqrt3A_110 : vector<1024x1xf32> to vector<1024x512xf32>
    %div3A_112 = arith.divf %sub3A_106, %div3A_111 : vector<1024x512xf32>
    %mul3A_113 = vector.broadcast %get3A_86 : vector<1x512xf32> to vector<1024x512xf32>
    %mul3A_114 = arith.mulf %div3A_112, %mul3A_113 : vector<1024x512xf32>
    %add3A_115 = vector.broadcast %get3A_89 : vector<1x512xf32> to vector<1024x512xf32>
    %add3A_116 = arith.addf %mul3A_114, %add3A_115 : vector<1024x512xf32>
    %get3A_117 = arith.constant 0 : index
    %get3A_118 = arith.constant 0 : index
    %get3A_119 = vector.load %arg11[%get3A_117, %get3A_118] : memref<512x512xf32, #tpu.memory_space<vmem>>, vector<512x512xf32>
    %dot_general3A_120 = arith.constant dense<0.000000e+00> : vector<1024x512xf32>
    %dot_general3A_121 = tpu.matmul %add3A_116, %get3A_119, %dot_general3A_120 {dimension_numbers = #tpu.dot_dimension_numbers<[1], [0], [0], [1], [0, 0, 1, 1], [], []>, transpose_lhs_hint = false} : vector<1024x512xf32>, vector<512x512xf32>, vector<1024x512xf32> -> vector<1024x512xf32>
    %swap3A = arith.constant 0 : index
    %swap3A_122 = arith.constant 0 : index
    %swap3A_123 = vector.load %arg17[%swap3A, %swap3A_122] : memref<1024x512xf32, #tpu.memory_space<vmem>>, vector<1024x512xf32>
    tpu.vector_store %arg17[%swap3A, %swap3A_122], %dot_general3A_121 {strides = array<i32>} : memref<1024x512xf32, #tpu.memory_space<vmem>>, vector<1024x512xf32>,
    %convert_element_type3A = arith.truncf %dot_general3A_121 : vector<1024x512xf32> to vector<1024x512xbf16>
    %swap3A_124 = arith.constant 0 : index
    %swap3A_125 = arith.constant 0 : index
    %swap3A_126 = vector.load %arg18[%swap3A_124, %swap3A_125] : memref<1024x512xbf16, #tpu.memory_space<vmem>>, vector<1024x512xbf16>
    tpu.vector_store %arg18[%swap3A_124, %swap3A_125], %convert_element_type3A {strides = array<i32>} : memref<1024x512xbf16, #tpu.memory_space<vmem>>, vector<1024x512xbf16>,
    %swap3A_127 = arith.constant 0 : index
    %swap3A_128 = arith.constant 0 : index
    %swap3A_129 = vector.load %arg15[%swap3A_127, %swap3A_128] : memref<1024x512xf32, #tpu.memory_space<vmem>>, vector<1024x512xf32>
    tpu.vector_store %arg15[%swap3A_127, %swap3A_128], %max3A_83 {strides = array<i32>} : memref<1024x512xf32, #tpu.memory_space<vmem>>, vector<1024x512xf32>,
    %swap3A_130 = arith.constant 0 : index
    %swap3A_131 = arith.constant 0 : index
    %swap3A_132 = vector.load %arg16[%swap3A_130, %swap3A_131] : memref<1024x512xf32, #tpu.memory_space<vmem>>, vector<1024x512xf32>
    tpu.vector_store %arg16[%swap3A_130, %swap3A_131], %max3A_37 {strides = array<i32>} : memref<1024x512xf32, #tpu.memory_space<vmem>>, vector<1024x512xf32>,
    %get3A_133 = arith.constant 0 : index
    %get3A_134 = arith.constant 0 : index
    %get3A_135 = vector.load %arg14[%get3A_133, %get3A_134] : memref<1x512xf32, #tpu.memory_space<vmem>>, vector<1x512xf32>
    %get3A_136 = arith.constant 0 : index
    %get3A_137 = arith.constant 0 : index
    %get3A_138 = vector.load %arg12[%get3A_136, %get3A_137] : memref<512x512xf32, #tpu.memory_space<vmem>>, vector<512x512xf32>
    %dot_general3A_139 = arith.constant dense<0.000000e+00> : vector<1x512xf32>
    %dot_general3A_140 = tpu.matmul %get3A_135, %get3A_138, %dot_general3A_139 {dimension_numbers = #tpu.dot_dimension_numbers<[1], [0], [0], [1], [0, 0, 1, 1], [], []>, transpose_lhs_hint = false} : vector<1x512xf32>, vector<512x512xf32>, vector<1x512xf32> -> vector<1x512xf32>
    %get3A_141 = arith.constant 0 : index
    %get3A_142 = arith.constant 0 : index
    %get3A_143 = vector.load %arg14[%get3A_141, %get3A_142] : memref<1x512xf32, #tpu.memory_space<vmem>>, vector<1x512xf32>
    %get3A_144 = arith.constant 0 : index
    %get3A_145 = arith.constant 0 : index
    %get3A_146 = vector.load %arg13[%get3A_144, %get3A_145] : memref<512x512xf32, #tpu.memory_space<vmem>>, vector<512x512xf32>
    %dot_general3A_147 = arith.constant dense<0.000000e+00> : vector<1x512xf32>
    %dot_general3A_148 = tpu.matmul %get3A_143, %get3A_146, %dot_general3A_147 {dimension_numbers = #tpu.dot_dimension_numbers<[1], [0], [0], [1], [0, 0, 1, 1], [], []>, transpose_lhs_hint = false} : vector<1x512xf32>, vector<512x512xf32>, vector<1x512xf32> -> vector<1x512xf32>
    %concatenate3A = tpu.concatenate %dot_general3A_140, %dot_general3A_148 in 0 : vector<1x512xf32>, vector<1x512xf32> -> vector<2x512xf32>
    %swap3A_149 = arith.constant 0 : index
    %swap3A_150 = arith.constant 0 : index
    %swap3A_151 = vector.load %arg19[%swap3A_149, %swap3A_150] : memref<2x512xf32, #tpu.memory_space<vmem>>, vector<2x512xf32>
    tpu.vector_store %arg19[%swap3A_149, %swap3A_150], %concatenate3A {strides = array<i32>} : memref<2x512xf32, #tpu.memory_space<vmem>>, vector<2x512xf32>,
    return
  }
}

module attributes {stable_mosaic.version = 14 : i64} {
  func.func @_rows_body(%arg0: i32, %arg1: memref<1024x512xf32, #tpu.memory_space<vmem>>, %arg2: memref<1024x512xf32, #tpu.memory_space<vmem>>, %arg3: memref<512x512xf32, #tpu.memory_space<vmem>>, %arg4: memref<1x512xf32, #tpu.memory_space<vmem>>, %arg5: memref<1x512xf32, #tpu.memory_space<vmem>>, %arg6: memref<1x512xf32, #tpu.memory_space<vmem>>, %arg7: memref<512x512xf32, #tpu.memory_space<vmem>>, %arg8: memref<1x512xf32, #tpu.memory_space<vmem>>, %arg9: memref<1x512xf32, #tpu.memory_space<vmem>>, %arg10: memref<1x512xf32, #tpu.memory_space<vmem>>, %arg11: memref<1x512xf32, #tpu.memory_space<vmem>>, %arg12: memref<1x512xf32, #tpu.memory_space<vmem>>, %arg13: memref<512x512xf32, #tpu.memory_space<vmem>>, %arg14: memref<512x512xf32, #tpu.memory_space<vmem>>, %arg15: memref<1024x512xbf16, #tpu.memory_space<vmem>>, %arg16: memref<1024x512xbf16, #tpu.memory_space<vmem>>, %arg17: memref<1024x512xbf16, #tpu.memory_space<vmem>>, %arg18: memref<1x1x1024xf32, #tpu.memory_space<vmem>>) attributes {dimension_semantics = [#tpu.dimension_semantics<arbitrary>], iteration_bounds = array<i64: 32>, scalar_prefetch = 0 : i64, scratch_operands = 0 : i64, tpu.core_type = #tpu.core_type<tc>, window_params = [{transform_indices = @transform_0, window_bounds = array<i64: 1024, 512>}, {transform_indices = @transform_1, window_bounds = array<i64: 1024, 512>}, {pipeline_mode = #tpu.pipeline_mode<synchronous>, transform_indices = @transform_2, window_bounds = array<i64: 512, 512>}, {pipeline_mode = #tpu.pipeline_mode<synchronous>, transform_indices = @transform_3, window_bounds = array<i64: 1, 512>}, {pipeline_mode = #tpu.pipeline_mode<synchronous>, transform_indices = @transform_4, window_bounds = array<i64: 1, 512>}, {pipeline_mode = #tpu.pipeline_mode<synchronous>, transform_indices = @transform_5, window_bounds = array<i64: 1, 512>}, {pipeline_mode = #tpu.pipeline_mode<synchronous>, transform_indices = @transform_6, window_bounds = array<i64: 512, 512>}, {pipeline_mode = #tpu.pipeline_mode<synchronous>, transform_indices = @transform_7, window_bounds = array<i64: 1, 512>}, {pipeline_mode = #tpu.pipeline_mode<synchronous>, transform_indices = @transform_8, window_bounds = array<i64: 1, 512>}, {pipeline_mode = #tpu.pipeline_mode<synchronous>, transform_indices = @transform_9, window_bounds = array<i64: 1, 512>}, {pipeline_mode = #tpu.pipeline_mode<synchronous>, transform_indices = @transform_10, window_bounds = array<i64: 1, 512>}, {pipeline_mode = #tpu.pipeline_mode<synchronous>, transform_indices = @transform_11, window_bounds = array<i64: 1, 512>}, {pipeline_mode = #tpu.pipeline_mode<synchronous>, transform_indices = @transform_12, window_bounds = array<i64: 512, 512>}, {pipeline_mode = #tpu.pipeline_mode<synchronous>, transform_indices = @transform_13, window_bounds = array<i64: 512, 512>}, {transform_indices = @transform_14, window_bounds = array<i64: 1024, 512>}, {transform_indices = @transform_15, window_bounds = array<i64: 1024, 512>}, {transform_indices = @transform_16, window_bounds = array<i64: 1024, 512>}, {transform_indices = @transform_17, window_bounds = array<i64: 1, 1, 1024>}]} {
    %get3A = arith.constant 0 : index
    %get3A_0 = arith.constant 0 : index
    %get3A_1 = vector.load %arg1[%get3A, %get3A_0] : memref<1024x512xf32, #tpu.memory_space<vmem>>, vector<1024x512xf32>
    %get3A_2 = arith.constant 0 : index
    %get3A_3 = arith.constant 0 : index
    %get3A_4 = vector.load %arg3[%get3A_2, %get3A_3] : memref<512x512xf32, #tpu.memory_space<vmem>>, vector<512x512xf32>
    %dot_general3A = arith.constant dense<0.000000e+00> : vector<1024x512xf32>
    %dot_general3A_5 = tpu.matmul %get3A_1, %get3A_4, %dot_general3A {dimension_numbers = #tpu.dot_dimension_numbers<[1], [0], [0], [1], [0, 0, 1, 1], [], []>, transpose_lhs_hint = false} : vector<1024x512xf32>, vector<512x512xf32>, vector<1024x512xf32> -> vector<1024x512xf32>
    %get3A_6 = arith.constant 0 : index
    %get3A_7 = arith.constant 0 : index
    %get3A_8 = vector.load %arg4[%get3A_6, %get3A_7] : memref<1x512xf32, #tpu.memory_space<vmem>>, vector<1x512xf32>
    %add3A = vector.broadcast %get3A_8 : vector<1x512xf32> to vector<1024x512xf32>
    %add3A_9 = arith.addf %dot_general3A_5, %add3A : vector<1024x512xf32>
    %get3A_10 = arith.constant 0 : index
    %get3A_11 = arith.constant 0 : index
    %get3A_12 = vector.load %arg5[%get3A_10, %get3A_11] : memref<1x512xf32, #tpu.memory_space<vmem>>, vector<1x512xf32>
    %get3A_13 = arith.constant 0 : index
    %get3A_14 = arith.constant 0 : index
    %get3A_15 = vector.load %arg6[%get3A_13, %get3A_14] : memref<1x512xf32, #tpu.memory_space<vmem>>, vector<1x512xf32>
    %reduce_sum3A = arith.constant dense<0.000000e+00> : vector<1024xf32>
    %reduce_sum3A_16 = vector.multi_reduction <add>, %add3A_9, %reduce_sum3A [1] : vector<1024x512xf32> to vector<1024xf32>
    %broadcast_in_dim3A = vector.shape_cast %reduce_sum3A_16 : vector<1024xf32> to vector<1024x1xf32>
    %div3A = arith.constant 5.120000e+02 : f32
    %div3A_17 = vector.broadcast %div3A : f32 to vector<1024x1xf32>
    %div3A_18 = arith.divf %broadcast_in_dim3A, %div3A_17 : vector<1024x1xf32>
    %sub3A = vector.broadcast %div3A_18 : vector<1024x1xf32> to vector<1024x512xf32>
    %sub3A_19 = arith.subf %add3A_9, %sub3A : vector<1024x512xf32>
    %integer_pow3A = arith.mulf %sub3A_19, %sub3A_19 : vector<1024x512xf32>
    %reduce_sum3A_20 = arith.constant dense<0.000000e+00> : vector<1024xf32>
    %reduce_sum3A_21 = vector.multi_reduction <add>, %integer_pow3A, %reduce_sum3A_20 [1] : vector<1024x512xf32> to vector<1024xf32>
    %broadcast_in_dim3A_22 = vector.shape_cast %reduce_sum3A_21 : vector<1024xf32> to vector<1024x1xf32>
    %div3A_23 = arith.constant 5.120000e+02 : f32
    %div3A_24 = vector.broadcast %div3A_23 : f32 to vector<1024x1xf32>
    %div3A_25 = arith.divf %broadcast_in_dim3A_22, %div3A_24 : vector<1024x1xf32>
    %sub3A_26 = vector.broadcast %div3A_18 : vector<1024x1xf32> to vector<1024x512xf32>
    %sub3A_27 = arith.subf %add3A_9, %sub3A_26 : vector<1024x512xf32>
    %add3A_28 = arith.constant 9.99999974E-6 : f32
    %add3A_29 = vector.broadcast %add3A_28 : f32 to vector<1024x1xf32>
    %add3A_30 = arith.addf %div3A_25, %add3A_29 : vector<1024x1xf32>
    %sqrt3A = math.sqrt %add3A_30 : vector<1024x1xf32>
    %div3A_31 = vector.broadcast %sqrt3A : vector<1024x1xf32> to vector<1024x512xf32>
    %div3A_32 = arith.divf %sub3A_27, %div3A_31 : vector<1024x512xf32>
    %mul3A = vector.broadcast %get3A_12 : vector<1x512xf32> to vector<1024x512xf32>
    %mul3A_33 = arith.mulf %div3A_32, %mul3A : vector<1024x512xf32>
    %add3A_34 = vector.broadcast %get3A_15 : vector<1x512xf32> to vector<1024x512xf32>
    %add3A_35 = arith.addf %mul3A_33, %add3A_34 : vector<1024x512xf32>
    %max3A = arith.constant 0.000000e+00 : f32
    %max3A_36 = vector.broadcast %max3A : f32 to vector<1024x512xf32>
    %max3A_37 = arith.maximumf %add3A_35, %max3A_36 : vector<1024x512xf32>
    %get3A_38 = arith.constant 0 : index
    %get3A_39 = arith.constant 0 : index
    %get3A_40 = vector.load %arg7[%get3A_38, %get3A_39] : memref<512x512xf32, #tpu.memory_space<vmem>>, vector<512x512xf32>
    %dot_general3A_41 = arith.constant dense<0.000000e+00> : vector<1024x512xf32>
    %dot_general3A_42 = tpu.matmul %get3A_1, %get3A_40, %dot_general3A_41 {dimension_numbers = #tpu.dot_dimension_numbers<[1], [0], [0], [1], [0, 0, 1, 1], [], []>, transpose_lhs_hint = false} : vector<1024x512xf32>, vector<512x512xf32>, vector<1024x512xf32> -> vector<1024x512xf32>
    %get3A_43 = arith.constant 0 : index
    %get3A_44 = arith.constant 0 : index
    %get3A_45 = vector.load %arg8[%get3A_43, %get3A_44] : memref<1x512xf32, #tpu.memory_space<vmem>>, vector<1x512xf32>
    %add3A_46 = vector.broadcast %get3A_45 : vector<1x512xf32> to vector<1024x512xf32>
    %add3A_47 = arith.addf %dot_general3A_42, %add3A_46 : vector<1024x512xf32>
    %get3A_48 = arith.constant 0 : index
    %get3A_49 = arith.constant 0 : index
    %get3A_50 = vector.load %arg9[%get3A_48, %get3A_49] : memref<1x512xf32, #tpu.memory_space<vmem>>, vector<1x512xf32>
    %get3A_51 = arith.constant 0 : index
    %get3A_52 = arith.constant 0 : index
    %get3A_53 = vector.load %arg10[%get3A_51, %get3A_52] : memref<1x512xf32, #tpu.memory_space<vmem>>, vector<1x512xf32>
    %reduce_sum3A_54 = arith.constant dense<0.000000e+00> : vector<1024xf32>
    %reduce_sum3A_55 = vector.multi_reduction <add>, %add3A_47, %reduce_sum3A_54 [1] : vector<1024x512xf32> to vector<1024xf32>
    %broadcast_in_dim3A_56 = vector.shape_cast %reduce_sum3A_55 : vector<1024xf32> to vector<1024x1xf32>
    %div3A_57 = arith.constant 5.120000e+02 : f32
    %div3A_58 = vector.broadcast %div3A_57 : f32 to vector<1024x1xf32>
    %div3A_59 = arith.divf %broadcast_in_dim3A_56, %div3A_58 : vector<1024x1xf32>
    %sub3A_60 = vector.broadcast %div3A_59 : vector<1024x1xf32> to vector<1024x512xf32>
    %sub3A_61 = arith.subf %add3A_47, %sub3A_60 : vector<1024x512xf32>
    %integer_pow3A_62 = arith.mulf %sub3A_61, %sub3A_61 : vector<1024x512xf32>
    %reduce_sum3A_63 = arith.constant dense<0.000000e+00> : vector<1024xf32>
    %reduce_sum3A_64 = vector.multi_reduction <add>, %integer_pow3A_62, %reduce_sum3A_63 [1] : vector<1024x512xf32> to vector<1024xf32>
    %broadcast_in_dim3A_65 = vector.shape_cast %reduce_sum3A_64 : vector<1024xf32> to vector<1024x1xf32>
    %div3A_66 = arith.constant 5.120000e+02 : f32
    %div3A_67 = vector.broadcast %div3A_66 : f32 to vector<1024x1xf32>
    %div3A_68 = arith.divf %broadcast_in_dim3A_65, %div3A_67 : vector<1024x1xf32>
    %sub3A_69 = vector.broadcast %div3A_59 : vector<1024x1xf32> to vector<1024x512xf32>
    %sub3A_70 = arith.subf %add3A_47, %sub3A_69 : vector<1024x512xf32>
    %add3A_71 = arith.constant 9.99999974E-6 : f32
    %add3A_72 = vector.broadcast %add3A_71 : f32 to vector<1024x1xf32>
    %add3A_73 = arith.addf %div3A_68, %add3A_72 : vector<1024x1xf32>
    %sqrt3A_74 = math.sqrt %add3A_73 : vector<1024x1xf32>
    %div3A_75 = vector.broadcast %sqrt3A_74 : vector<1024x1xf32> to vector<1024x512xf32>
    %div3A_76 = arith.divf %sub3A_70, %div3A_75 : vector<1024x512xf32>
    %mul3A_77 = vector.broadcast %get3A_50 : vector<1x512xf32> to vector<1024x512xf32>
    %mul3A_78 = arith.mulf %div3A_76, %mul3A_77 : vector<1024x512xf32>
    %add3A_79 = vector.broadcast %get3A_53 : vector<1x512xf32> to vector<1024x512xf32>
    %add3A_80 = arith.addf %mul3A_78, %add3A_79 : vector<1024x512xf32>
    %max3A_81 = arith.constant 0.000000e+00 : f32
    %max3A_82 = vector.broadcast %max3A_81 : f32 to vector<1024x512xf32>
    %max3A_83 = arith.maximumf %add3A_80, %max3A_82 : vector<1024x512xf32>
    %get3A_84 = arith.constant 0 : index
    %get3A_85 = arith.constant 0 : index
    %get3A_86 = vector.load %arg11[%get3A_84, %get3A_85] : memref<1x512xf32, #tpu.memory_space<vmem>>, vector<1x512xf32>
    %get3A_87 = arith.constant 0 : index
    %get3A_88 = arith.constant 0 : index
    %get3A_89 = vector.load %arg12[%get3A_87, %get3A_88] : memref<1x512xf32, #tpu.memory_space<vmem>>, vector<1x512xf32>
    %reduce_sum3A_90 = arith.constant dense<0.000000e+00> : vector<1024xf32>
    %reduce_sum3A_91 = vector.multi_reduction <add>, %max3A_37, %reduce_sum3A_90 [1] : vector<1024x512xf32> to vector<1024xf32>
    %broadcast_in_dim3A_92 = vector.shape_cast %reduce_sum3A_91 : vector<1024xf32> to vector<1024x1xf32>
    %div3A_93 = arith.constant 5.120000e+02 : f32
    %div3A_94 = vector.broadcast %div3A_93 : f32 to vector<1024x1xf32>
    %div3A_95 = arith.divf %broadcast_in_dim3A_92, %div3A_94 : vector<1024x1xf32>
    %sub3A_96 = vector.broadcast %div3A_95 : vector<1024x1xf32> to vector<1024x512xf32>
    %sub3A_97 = arith.subf %max3A_37, %sub3A_96 : vector<1024x512xf32>
    %integer_pow3A_98 = arith.mulf %sub3A_97, %sub3A_97 : vector<1024x512xf32>
    %reduce_sum3A_99 = arith.constant dense<0.000000e+00> : vector<1024xf32>
    %reduce_sum3A_100 = vector.multi_reduction <add>, %integer_pow3A_98, %reduce_sum3A_99 [1] : vector<1024x512xf32> to vector<1024xf32>
    %broadcast_in_dim3A_101 = vector.shape_cast %reduce_sum3A_100 : vector<1024xf32> to vector<1024x1xf32>
    %div3A_102 = arith.constant 5.120000e+02 : f32
    %div3A_103 = vector.broadcast %div3A_102 : f32 to vector<1024x1xf32>
    %div3A_104 = arith.divf %broadcast_in_dim3A_101, %div3A_103 : vector<1024x1xf32>
    %sub3A_105 = vector.broadcast %div3A_95 : vector<1024x1xf32> to vector<1024x512xf32>
    %sub3A_106 = arith.subf %max3A_37, %sub3A_105 : vector<1024x512xf32>
    %add3A_107 = arith.constant 9.99999974E-6 : f32
    %add3A_108 = vector.broadcast %add3A_107 : f32 to vector<1024x1xf32>
    %add3A_109 = arith.addf %div3A_104, %add3A_108 : vector<1024x1xf32>
    %sqrt3A_110 = math.sqrt %add3A_109 : vector<1024x1xf32>
    %div3A_111 = vector.broadcast %sqrt3A_110 : vector<1024x1xf32> to vector<1024x512xf32>
    %div3A_112 = arith.divf %sub3A_106, %div3A_111 : vector<1024x512xf32>
    %mul3A_113 = vector.broadcast %get3A_86 : vector<1x512xf32> to vector<1024x512xf32>
    %mul3A_114 = arith.mulf %div3A_112, %mul3A_113 : vector<1024x512xf32>
    %add3A_115 = vector.broadcast %get3A_89 : vector<1x512xf32> to vector<1024x512xf32>
    %add3A_116 = arith.addf %mul3A_114, %add3A_115 : vector<1024x512xf32>
    %get3A_117 = arith.constant 0 : index
    %get3A_118 = arith.constant 0 : index
    %get3A_119 = vector.load %arg11[%get3A_117, %get3A_118] : memref<1x512xf32, #tpu.memory_space<vmem>>, vector<1x512xf32>
    %get3A_120 = arith.constant 0 : index
    %get3A_121 = arith.constant 0 : index
    %get3A_122 = vector.load %arg12[%get3A_120, %get3A_121] : memref<1x512xf32, #tpu.memory_space<vmem>>, vector<1x512xf32>
    %reduce_sum3A_123 = arith.constant dense<0.000000e+00> : vector<1024xf32>
    %reduce_sum3A_124 = vector.multi_reduction <add>, %max3A_83, %reduce_sum3A_123 [1] : vector<1024x512xf32> to vector<1024xf32>
    %broadcast_in_dim3A_125 = vector.shape_cast %reduce_sum3A_124 : vector<1024xf32> to vector<1024x1xf32>
    %div3A_126 = arith.constant 5.120000e+02 : f32
    %div3A_127 = vector.broadcast %div3A_126 : f32 to vector<1024x1xf32>
    %div3A_128 = arith.divf %broadcast_in_dim3A_125, %div3A_127 : vector<1024x1xf32>
    %sub3A_129 = vector.broadcast %div3A_128 : vector<1024x1xf32> to vector<1024x512xf32>
    %sub3A_130 = arith.subf %max3A_83, %sub3A_129 : vector<1024x512xf32>
    %integer_pow3A_131 = arith.mulf %sub3A_130, %sub3A_130 : vector<1024x512xf32>
    %reduce_sum3A_132 = arith.constant dense<0.000000e+00> : vector<1024xf32>
    %reduce_sum3A_133 = vector.multi_reduction <add>, %integer_pow3A_131, %reduce_sum3A_132 [1] : vector<1024x512xf32> to vector<1024xf32>
    %broadcast_in_dim3A_134 = vector.shape_cast %reduce_sum3A_133 : vector<1024xf32> to vector<1024x1xf32>
    %div3A_135 = arith.constant 5.120000e+02 : f32
    %div3A_136 = vector.broadcast %div3A_135 : f32 to vector<1024x1xf32>
    %div3A_137 = arith.divf %broadcast_in_dim3A_134, %div3A_136 : vector<1024x1xf32>
    %sub3A_138 = vector.broadcast %div3A_128 : vector<1024x1xf32> to vector<1024x512xf32>
    %sub3A_139 = arith.subf %max3A_83, %sub3A_138 : vector<1024x512xf32>
    %add3A_140 = arith.constant 9.99999974E-6 : f32
    %add3A_141 = vector.broadcast %add3A_140 : f32 to vector<1024x1xf32>
    %add3A_142 = arith.addf %div3A_137, %add3A_141 : vector<1024x1xf32>
    %sqrt3A_143 = math.sqrt %add3A_142 : vector<1024x1xf32>
    %div3A_144 = vector.broadcast %sqrt3A_143 : vector<1024x1xf32> to vector<1024x512xf32>
    %div3A_145 = arith.divf %sub3A_139, %div3A_144 : vector<1024x512xf32>
    %mul3A_146 = vector.broadcast %get3A_119 : vector<1x512xf32> to vector<1024x512xf32>
    %mul3A_147 = arith.mulf %div3A_145, %mul3A_146 : vector<1024x512xf32>
    %add3A_148 = vector.broadcast %get3A_122 : vector<1x512xf32> to vector<1024x512xf32>
    %add3A_149 = arith.addf %mul3A_147, %add3A_148 : vector<1024x512xf32>
    %get3A_150 = arith.constant 0 : index
    %get3A_151 = arith.constant 0 : index
    %get3A_152 = vector.load %arg13[%get3A_150, %get3A_151] : memref<512x512xf32, #tpu.memory_space<vmem>>, vector<512x512xf32>
    %dot_general3A_153 = arith.constant dense<0.000000e+00> : vector<1024x512xf32>
    %dot_general3A_154 = tpu.matmul %add3A_116, %get3A_152, %dot_general3A_153 {dimension_numbers = #tpu.dot_dimension_numbers<[1], [0], [0], [1], [0, 0, 1, 1], [], []>, transpose_lhs_hint = false} : vector<1024x512xf32>, vector<512x512xf32>, vector<1024x512xf32> -> vector<1024x512xf32>
    %get3A_155 = arith.constant 0 : index
    %get3A_156 = arith.constant 0 : index
    %get3A_157 = vector.load %arg14[%get3A_155, %get3A_156] : memref<512x512xf32, #tpu.memory_space<vmem>>, vector<512x512xf32>
    %dot_general3A_158 = arith.constant dense<0.000000e+00> : vector<1024x512xf32>
    %dot_general3A_159 = tpu.matmul %add3A_149, %get3A_157, %dot_general3A_158 {dimension_numbers = #tpu.dot_dimension_numbers<[1], [0], [0], [1], [0, 0, 1, 1], [], []>, transpose_lhs_hint = false} : vector<1024x512xf32>, vector<512x512xf32>, vector<1024x512xf32> -> vector<1024x512xf32>
    %get3A_160 = arith.constant 0 : index
    %get3A_161 = arith.constant 0 : index
    %get3A_162 = vector.load %arg2[%get3A_160, %get3A_161] : memref<1024x512xf32, #tpu.memory_space<vmem>>, vector<1024x512xf32>
    %mul3A_163 = arith.mulf %dot_general3A_154, %get3A_162 : vector<1024x512xf32>
    %reduce_sum3A_164 = arith.constant dense<0.000000e+00> : vector<1024xf32>
    %reduce_sum3A_165 = vector.multi_reduction <add>, %mul3A_163, %reduce_sum3A_164 [1] : vector<1024x512xf32> to vector<1024xf32>
    %mul3A_166 = arith.constant 0.0441941731 : f32
    %mul3A_167 = vector.broadcast %mul3A_166 : f32 to vector<1024xf32>
    %mul3A_168 = arith.mulf %reduce_sum3A_165, %mul3A_167 : vector<1024xf32>
    %convert_element_type3A = arith.truncf %max3A_37 : vector<1024x512xf32> to vector<1024x512xbf16>
    %swap3A = arith.constant 0 : index
    %swap3A_169 = arith.constant 0 : index
    %swap3A_170 = vector.load %arg15[%swap3A, %swap3A_169] : memref<1024x512xbf16, #tpu.memory_space<vmem>>, vector<1024x512xbf16>
    tpu.vector_store %arg15[%swap3A, %swap3A_169], %convert_element_type3A {strides = array<i32>} : memref<1024x512xbf16, #tpu.memory_space<vmem>>, vector<1024x512xbf16>,
    %convert_element_type3A_171 = arith.truncf %max3A_83 : vector<1024x512xf32> to vector<1024x512xbf16>
    %swap3A_172 = arith.constant 0 : index
    %swap3A_173 = arith.constant 0 : index
    %swap3A_174 = vector.load %arg16[%swap3A_172, %swap3A_173] : memref<1024x512xbf16, #tpu.memory_space<vmem>>, vector<1024x512xbf16>
    tpu.vector_store %arg16[%swap3A_172, %swap3A_173], %convert_element_type3A_171 {strides = array<i32>} : memref<1024x512xbf16, #tpu.memory_space<vmem>>, vector<1024x512xbf16>,
    %convert_element_type3A_175 = arith.truncf %dot_general3A_159 : vector<1024x512xf32> to vector<1024x512xbf16>
    %swap3A_176 = arith.constant 0 : index
    %swap3A_177 = arith.constant 0 : index
    %swap3A_178 = vector.load %arg17[%swap3A_176, %swap3A_177] : memref<1024x512xbf16, #tpu.memory_space<vmem>>, vector<1024x512xbf16>
    tpu.vector_store %arg17[%swap3A_176, %swap3A_177], %convert_element_type3A_175 {strides = array<i32>} : memref<1024x512xbf16, #tpu.memory_space<vmem>>, vector<1024x512xbf16>,
    %add3A_179 = arith.constant 1.024000e+03 : f32
    %add3A_180 = vector.broadcast %add3A_179 : f32 to vector<1024xf32>
    %add3A_181 = arith.addf %mul3A_168, %add3A_180 : vector<1024xf32>
    %broadcast_in_dim3A_182 = vector.shape_cast %add3A_181 : vector<1024xf32> to vector<1x1x1024xf32>
    %swap3A_183 = arith.constant 0 : index
    %swap3A_184 = arith.constant 0 : index
    %swap3A_185 = arith.constant 0 : index
    %swap3A_186 = vector.load %arg18[%swap3A_183, %swap3A_184, %swap3A_185] : memref<1x1x1024xf32, #tpu.memory_space<vmem>>, vector<1x1x1024xf32>
    tpu.vector_store %arg18[%swap3A_183, %swap3A_184, %swap3A_185], %broadcast_in_dim3A_182 {strides = array<i32>} : memref<1x1x1024xf32, #tpu.memory_space<vmem>>, vector<1x1x1024xf32>,
    return
  }
  func.func @transform_0(%arg0: i32) -> (i32, i32) {
    %c0_i32 = arith.constant 0 : i32
    %c0_i32_0 = arith.constant 0 : i32
    return %arg0, %c0_i32 : i32, i32
  }
  func.func @transform_1(%arg0: i32) -> (i32, i32) {
    %c0_i32 = arith.constant 0 : i32
    %c0_i32_0 = arith.constant 0 : i32
    return %arg0, %c0_i32 : i32, i32
  }
  func.func @transform_2(%arg0: i32) -> (i32, i32) {
    %c0_i32 = arith.constant 0 : i32
    %c0_i32_0 = arith.constant 0 : i32
    %c0_i32_1 = arith.constant 0 : i32
    return %c0_i32, %c0_i32_0 : i32, i32
  }
  func.func @transform_3(%arg0: i32) -> (i32, i32) {
    %c0_i32 = arith.constant 0 : i32
    %c0_i32_0 = arith.constant 0 : i32
    %c0_i32_1 = arith.constant 0 : i32
    return %c0_i32, %c0_i32_0 : i32, i32
  }
  func.func @transform_4(%arg0: i32) -> (i32, i32) {
    %c0_i32 = arith.constant 0 : i32
    %c0_i32_0 = arith.constant 0 : i32
    %c0_i32_1 = arith.constant 0 : i32
    return %c0_i32, %c0_i32_0 : i32, i32
  }
  func.func @transform_5(%arg0: i32) -> (i32, i32) {
    %c0_i32 = arith.constant 0 : i32
    %c0_i32_0 = arith.constant 0 : i32
    %c0_i32_1 = arith.constant 0 : i32
    return %c0_i32, %c0_i32_0 : i32, i32
  }
  func.func @transform_6(%arg0: i32) -> (i32, i32) {
    %c0_i32 = arith.constant 0 : i32
    %c0_i32_0 = arith.constant 0 : i32
    %c0_i32_1 = arith.constant 0 : i32
    return %c0_i32, %c0_i32_0 : i32, i32
  }
  func.func @transform_7(%arg0: i32) -> (i32, i32) {
    %c0_i32 = arith.constant 0 : i32
    %c0_i32_0 = arith.constant 0 : i32
    %c0_i32_1 = arith.constant 0 : i32
    return %c0_i32, %c0_i32_0 : i32, i32
  }
  func.func @transform_8(%arg0: i32) -> (i32, i32) {
    %c0_i32 = arith.constant 0 : i32
    %c0_i32_0 = arith.constant 0 : i32
    %c0_i32_1 = arith.constant 0 : i32
    return %c0_i32, %c0_i32_0 : i32, i32
  }
  func.func @transform_9(%arg0: i32) -> (i32, i32) {
    %c0_i32 = arith.constant 0 : i32
    %c0_i32_0 = arith.constant 0 : i32
    %c0_i32_1 = arith.constant 0 : i32
    return %c0_i32, %c0_i32_0 : i32, i32
  }
  func.func @transform_10(%arg0: i32) -> (i32, i32) {
    %c0_i32 = arith.constant 0 : i32
    %c0_i32_0 = arith.constant 0 : i32
    %c0_i32_1 = arith.constant 0 : i32
    return %c0_i32, %c0_i32_0 : i32, i32
  }
  func.func @transform_11(%arg0: i32) -> (i32, i32) {
    %c0_i32 = arith.constant 0 : i32
    %c0_i32_0 = arith.constant 0 : i32
    %c0_i32_1 = arith.constant 0 : i32
    return %c0_i32, %c0_i32_0 : i32, i32
  }
  func.func @transform_12(%arg0: i32) -> (i32, i32) {
    %c0_i32 = arith.constant 0 : i32
    %c0_i32_0 = arith.constant 0 : i32
    %c0_i32_1 = arith.constant 0 : i32
    return %c0_i32, %c0_i32_0 : i32, i32
  }
  func.func @transform_13(%arg0: i32) -> (i32, i32) {
    %c0_i32 = arith.constant 0 : i32
    %c0_i32_0 = arith.constant 0 : i32
    %c0_i32_1 = arith.constant 0 : i32
    return %c0_i32, %c0_i32_0 : i32, i32
  }
  func.func @transform_14(%arg0: i32) -> (i32, i32) {
    %c0_i32 = arith.constant 0 : i32
    %c0_i32_0 = arith.constant 0 : i32
    return %arg0, %c0_i32 : i32, i32
  }
  func.func @transform_15(%arg0: i32) -> (i32, i32) {
    %c0_i32 = arith.constant 0 : i32
    %c0_i32_0 = arith.constant 0 : i32
    return %arg0, %c0_i32 : i32, i32
  }
  func.func @transform_16(%arg0: i32) -> (i32, i32) {
    %c0_i32 = arith.constant 0 : i32
    %c0_i32_0 = arith.constant 0 : i32
    return %arg0, %c0_i32 : i32, i32
  }
  func.func @transform_17(%arg0: i32) -> (i32, i32, i32) {
    %c0_i32 = arith.constant 0 : i32
    %c0_i32_0 = arith.constant 0 : i32
    %c0_i32_1 = arith.constant 0 : i32
    return %arg0, %c0_i32, %c0_i32_0 : i32, i32, i32
  }
}

module attributes {stable_mosaic.version = 14 : i64} {
  func.func @_softmax_body(%arg0: i32, %arg1: memref<2x256x64xf32, #tpu.memory_space<vmem>>, %arg2: memref<256x512xf32, #tpu.memory_space<vmem>>, %arg3: memref<2x512xf32, #tpu.memory_space<vmem>>, %arg4: memref<256x64xf32, #tpu.memory_space<vmem>>, %arg5: memref<256x8xf32, #tpu.memory_space<vmem>>) attributes {dimension_semantics = [#tpu.dimension_semantics<arbitrary>], iteration_bounds = array<i64: 4>, scalar_prefetch = 0 : i64, scratch_operands = 0 : i64, tpu.core_type = #tpu.core_type<tc>, window_params = [{transform_indices = @transform_0, window_bounds = array<i64: 2, 256, 64>}, {transform_indices = @transform_1, window_bounds = array<i64: 256, 512>}, {pipeline_mode = #tpu.pipeline_mode<synchronous>, transform_indices = @transform_2, window_bounds = array<i64: 2, 512>}, {transform_indices = @transform_3, window_bounds = array<i64: 256, 64>}, {transform_indices = @transform_4, window_bounds = array<i64: 256, 8>}]} {
    %get3A = arith.constant 0 : index
    %get3A_0 = arith.constant 0 : index
    %get3A_1 = vector.load %arg3[%get3A, %get3A_0] : memref<2x512xf32, #tpu.memory_space<vmem>>, vector<1x512xf32>
    %get3A_2 = vector.shape_cast %get3A_1 : vector<1x512xf32> to vector<512xf32>
    %get3A_3 = arith.constant 0 : index
    %get3A_4 = arith.constant 0 : index
    %get3A_5 = vector.load %arg2[%get3A_3, %get3A_4] : memref<256x512xf32, #tpu.memory_space<vmem>>, vector<256x512xf32>
    %broadcast_in_dim3A = vector.shape_cast %get3A_2 : vector<512xf32> to vector<1x512xf32>
    %mul3A = vector.broadcast %broadcast_in_dim3A : vector<1x512xf32> to vector<256x512xf32>
    %mul3A_6 = arith.mulf %get3A_5, %mul3A : vector<256x512xf32>
    %reduce_sum3A = arith.constant dense<0.000000e+00> : vector<256xf32>
    %reduce_sum3A_7 = vector.multi_reduction <add>, %mul3A_6, %reduce_sum3A [1] : vector<256x512xf32> to vector<256xf32>
    %mul3A_8 = arith.constant 0.0441941731 : f32
    %mul3A_9 = vector.broadcast %mul3A_8 : f32 to vector<256xf32>
    %mul3A_10 = arith.mulf %reduce_sum3A_7, %mul3A_9 : vector<256xf32>
    %get3A_11 = arith.constant 0 : index
    %get3A_12 = arith.constant 0 : index
    %get3A_13 = arith.constant 0 : index
    %get3A_14 = vector.load %arg1[%get3A_11, %get3A_12, %get3A_13] : memref<2x256x64xf32, #tpu.memory_space<vmem>>, vector<1x256x64xf32>
    %get3A_15 = vector.shape_cast %get3A_14 : vector<1x256x64xf32> to vector<256x64xf32>
    %get3A_16 = arith.constant 1 : index
    %get3A_17 = arith.constant 0 : index
    %get3A_18 = arith.constant 0 : index
    %get3A_19 = vector.load %arg1[%get3A_16, %get3A_17, %get3A_18] : memref<2x256x64xf32, #tpu.memory_space<vmem>>, vector<1x256x64xf32>
    %get3A_20 = vector.shape_cast %get3A_19 : vector<1x256x64xf32> to vector<256x64xf32>
    %add3A = arith.addf %get3A_15, %get3A_20 : vector<256x64xf32>
    %gt3A = arith.constant 5.120000e+02 : f32
    %gt3A_21 = vector.broadcast %gt3A : f32 to vector<256x64xf32>
    %gt3A_22 = arith.cmpf ogt, %add3A, %gt3A_21 : vector<256x64xf32>
    %convert_element_type3A = arith.extui %gt3A_22 : vector<256x64xi1> to vector<256x64xi32>
    %convert_element_type3A_23 = arith.sitofp %convert_element_type3A : vector<256x64xi32> to vector<256x64xf32>
    %gt3A_24 = arith.constant 0.000000e+00 : f32
    %gt3A_25 = vector.broadcast %gt3A_24 : f32 to vector<256x64xf32>
    %gt3A_26 = arith.cmpf ogt, %convert_element_type3A_23, %gt3A_25 : vector<256x64xf32>
    %sub3A = arith.constant 1.024000e+03 : f32
    %sub3A_27 = vector.broadcast %sub3A : f32 to vector<256x64xf32>
    %sub3A_28 = arith.subf %add3A, %sub3A_27 : vector<256x64xf32>
    %broadcast_in_dim3A_29 = vector.shape_cast %mul3A_10 : vector<256xf32> to vector<256x1xf32>
    %broadcast_in_dim3A_30 = vector.shape_cast %broadcast_in_dim3A_29 : vector<256x1xf32> to vector<256x1xf32>
    %broadcast_in_dim3A_31 = vector.broadcast %broadcast_in_dim3A_30 : vector<256x1xf32> to vector<256x64xf32>
    %select_n3A = arith.select %gt3A_26, %sub3A_28, %broadcast_in_dim3A_31 : vector<256x64xi1>, vector<256x64xf32>
    %reduce_max3A = arith.constant dense<0xFF800000> : vector<256xf32>
    %reduce_max3A_32 = vector.multi_reduction <maximumf>, %select_n3A, %reduce_max3A [1] : vector<256x64xf32> to vector<256xf32>
    %broadcast_in_dim3A_33 = vector.shape_cast %reduce_max3A_32 : vector<256xf32> to vector<256x1xf32>
    %sub3A_34 = vector.broadcast %broadcast_in_dim3A_33 : vector<256x1xf32> to vector<256x64xf32>
    %sub3A_35 = arith.subf %select_n3A, %sub3A_34 : vector<256x64xf32>
    %exp3A = math.exp %sub3A_35 : vector<256x64xf32>
    %reduce_sum3A_36 = arith.constant dense<0.000000e+00> : vector<256xf32>
    %reduce_sum3A_37 = vector.multi_reduction <add>, %exp3A, %reduce_sum3A_36 [1] : vector<256x64xf32> to vector<256xf32>
    %broadcast_in_dim3A_38 = vector.shape_cast %reduce_sum3A_37 : vector<256xf32> to vector<256x1xf32>
    %div3A = vector.broadcast %broadcast_in_dim3A_38 : vector<256x1xf32> to vector<256x64xf32>
    %div3A_39 = arith.divf %exp3A, %div3A : vector<256x64xf32>
    %swap3A = arith.constant 0 : index
    %swap3A_40 = arith.constant 0 : index
    %swap3A_41 = vector.load %arg4[%swap3A, %swap3A_40] : memref<256x64xf32, #tpu.memory_space<vmem>>, vector<256x64xf32>
    tpu.vector_store %arg4[%swap3A, %swap3A_40], %div3A_39 {strides = array<i32>} : memref<256x64xf32, #tpu.memory_space<vmem>>, vector<256x64xf32>,
    %sub3A_42 = arith.constant 1.000000e+00 : f32
    %sub3A_43 = vector.broadcast %sub3A_42 : f32 to vector<256x64xf32>
    %sub3A_44 = arith.subf %sub3A_43, %convert_element_type3A_23 : vector<256x64xf32>
    %mul3A_45 = arith.mulf %exp3A, %sub3A_44 : vector<256x64xf32>
    %reduce_sum3A_46 = arith.constant dense<0.000000e+00> : vector<256xf32>
    %reduce_sum3A_47 = vector.multi_reduction <add>, %mul3A_45, %reduce_sum3A_46 [1] : vector<256x64xf32> to vector<256xf32>
    %squeeze3A = vector.shape_cast %broadcast_in_dim3A_38 : vector<256x1xf32> to vector<256xf32>
    %div3A_48 = arith.divf %reduce_sum3A_47, %squeeze3A : vector<256xf32>
    %reduce_sum3A_49 = arith.constant dense<0.000000e+00> : vector<256xf32>
    %reduce_sum3A_50 = vector.multi_reduction <add>, %convert_element_type3A_23, %reduce_sum3A_49 [1] : vector<256x64xf32> to vector<256xf32>
    %broadcast_in_dim3A_51 = vector.shape_cast %div3A_48 : vector<256xf32> to vector<256x1xf32>
    %broadcast_in_dim3A_52 = vector.shape_cast %reduce_sum3A_50 : vector<256xf32> to vector<256x1xf32>
    %broadcast_in_dim3A_53 = arith.constant 0.000000e+00 : f32
    %broadcast_in_dim3A_54 = vector.broadcast %broadcast_in_dim3A_53 : f32 to vector<256x6xf32>
    %concatenate3A = tpu.concatenate %broadcast_in_dim3A_51, %broadcast_in_dim3A_52, %broadcast_in_dim3A_54 in 1 : vector<256x1xf32>, vector<256x1xf32>, vector<256x6xf32> -> vector<256x8xf32>
    %swap3A_55 = arith.constant 0 : index
    %swap3A_56 = arith.constant 0 : index
    %swap3A_57 = vector.load %arg5[%swap3A_55, %swap3A_56] : memref<256x8xf32, #tpu.memory_space<vmem>>, vector<256x8xf32>
    tpu.vector_store %arg5[%swap3A_55, %swap3A_56], %concatenate3A {strides = array<i32>} : memref<256x8xf32, #tpu.memory_space<vmem>>, vector<256x8xf32>,
    return
  }
  func.func @transform_0(%arg0: i32) -> (i32, i32, i32) {
    %c0_i32 = arith.constant 0 : i32
    %c0_i32_0 = arith.constant 0 : i32
    %c0_i32_1 = arith.constant 0 : i32
    return %c0_i32, %arg0, %c0_i32_0 : i32, i32, i32
  }
  func.func @transform_1(%arg0: i32) -> (i32, i32) {
    %c0_i32 = arith.constant 0 : i32
    %c0_i32_0 = arith.constant 0 : i32
    return %arg0, %c0_i32 : i32, i32
  }
  func.func @transform_2(%arg0: i32) -> (i32, i32) {
    %c0_i32 = arith.constant 0 : i32
    %c0_i32_0 = arith.constant 0 : i32
    %c0_i32_1 = arith.constant 0 : i32
    return %c0_i32, %c0_i32_0 : i32, i32
  }
  func.func @transform_3(%arg0: i32) -> (i32, i32) {
    %c0_i32 = arith.constant 0 : i32
    %c0_i32_0 = arith.constant 0 : i32
    return %arg0, %c0_i32 : i32, i32
  }
  func.func @transform_4(%arg0: i32) -> (i32, i32) {
    %c0_i32 = arith.constant 0 : i32
    %c0_i32_0 = arith.constant 0 : i32
    return %arg0, %c0_i32 : i32, i32
  }
}

module attributes {stable_mosaic.version = 14 : i64} {
  func.func @_seg_body(%arg0: i32, %arg1: memref<1024x512xbf16, #tpu.memory_space<vmem>>, %arg2: memref<1024x512xbf16, #tpu.memory_space<vmem>>, %arg3: memref<1024x512xbf16, #tpu.memory_space<vmem>>, %arg4: memref<1x1x1024xf32, #tpu.memory_space<vmem>>, %arg5: memref<1x1x1024xi32, #tpu.memory_space<vmem>>, %arg6: memref<3x1024x512xf32, #tpu.memory_space<vmem>>) attributes {dimension_semantics = [#tpu.dimension_semantics<arbitrary>], iteration_bounds = array<i64: 32>, scalar_prefetch = 0 : i64, scratch_operands = 0 : i64, tpu.core_type = #tpu.core_type<tc>, window_params = [{transform_indices = @transform_0, window_bounds = array<i64: 1024, 512>}, {transform_indices = @transform_1, window_bounds = array<i64: 1024, 512>}, {transform_indices = @transform_2, window_bounds = array<i64: 1024, 512>}, {transform_indices = @transform_3, window_bounds = array<i64: 1, 1, 1024>}, {transform_indices = @transform_4, window_bounds = array<i64: 1, 1, 1024>}, {pipeline_mode = #tpu.pipeline_mode<synchronous>, transform_indices = @transform_5, window_bounds = array<i64: 3, 1024, 512>}]} {
    %eq3A = arith.constant 0 : i32
    %eq3A_0 = arith.cmpi eq, %arg0, %eq3A : i32
    %convert_element_type3A = arith.extui %eq3A_0 : i1 to i32
    %cond3A = arith.constant 0 : i32
    %cond3A_1 = arith.cmpi ne, %convert_element_type3A, %cond3A : i32
    scf.if %cond3A_1 {
      %broadcast_in_dim3A_68 = arith.constant 0.000000e+00 : f32
      %broadcast_in_dim3A_69 = vector.broadcast %broadcast_in_dim3A_68 : f32 to vector<3x1024x512xf32>
      %swap3A_70 = arith.constant 0 : index
      %swap3A_71 = arith.constant 0 : index
      %swap3A_72 = arith.constant 0 : index
      %swap3A_73 = vector.load %arg6[%swap3A_70, %swap3A_71, %swap3A_72] : memref<3x1024x512xf32, #tpu.memory_space<vmem>>, vector<3x1024x512xf32>
      tpu.vector_store %arg6[%swap3A_70, %swap3A_71, %swap3A_72], %broadcast_in_dim3A_69 {strides = array<i32>} : memref<3x1024x512xf32, #tpu.memory_space<vmem>>, vector<3x1024x512xf32>,
    } else {
    }
    %get3A = arith.constant 0 : index
    %get3A_2 = arith.constant 0 : index
    %get3A_3 = arith.constant 0 : index
    %get3A_4 = vector.load %arg5[%get3A, %get3A_2, %get3A_3] : memref<1x1x1024xi32, #tpu.memory_space<vmem>>, vector<1x1x1024xi32>
    %get3A_5 = vector.shape_cast %get3A_4 : vector<1x1x1024xi32> to vector<1024xi32>
    %broadcast_in_dim3A = vector.shape_cast %get3A_5 : vector<1024xi32> to vector<1024x1xi32>
    %iota3A = tpu.iota {dimensions = array<i32: 1>} : vector<1024x1024xi32>
    %eq3A_6 = vector.broadcast %broadcast_in_dim3A : vector<1024x1xi32> to vector<1024x1024xi32>
    %eq3A_7 = arith.cmpi eq, %eq3A_6, %iota3A : vector<1024x1024xi32>
    %convert_element_type3A_8 = arith.extui %eq3A_7 : vector<1024x1024xi1> to vector<1024x1024xi32>
    %convert_element_type3A_9 = arith.sitofp %convert_element_type3A_8 : vector<1024x1024xi32> to vector<1024x1024xf32>
    %convert_element_type3A_10 = arith.truncf %convert_element_type3A_9 : vector<1024x1024xf32> to vector<1024x1024xbf16>
    %get3A_11 = arith.constant 0 : index
    %get3A_12 = arith.constant 0 : index
    %get3A_13 = arith.constant 0 : index
    %get3A_14 = vector.load %arg4[%get3A_11, %get3A_12, %get3A_13] : memref<1x1x1024xf32, #tpu.memory_space<vmem>>, vector<1x1x1024xf32>
    %get3A_15 = vector.shape_cast %get3A_14 : vector<1x1x1024xf32> to vector<1024xf32>
    %get3A_16 = arith.constant 0 : index
    %get3A_17 = arith.constant 0 : index
    %get3A_18 = vector.load %arg3[%get3A_16, %get3A_17] : memref<1024x512xbf16, #tpu.memory_space<vmem>>, vector<1024x512xbf16>
    %convert_element_type3A_19 = arith.extf %get3A_18 : vector<1024x512xbf16> to vector<1024x512xf32>
    %broadcast_in_dim3A_20 = vector.shape_cast %get3A_15 : vector<1024xf32> to vector<1024x1xf32>
    %mul3A = vector.broadcast %broadcast_in_dim3A_20 : vector<1024x1xf32> to vector<1024x512xf32>
    %mul3A_21 = arith.mulf %convert_element_type3A_19, %mul3A : vector<1024x512xf32>
    %convert_element_type3A_22 = arith.truncf %mul3A_21 : vector<1024x512xf32> to vector<1024x512xbf16>
    %get3A_23 = arith.constant 0 : index
    %get3A_24 = arith.constant 0 : index
    %get3A_25 = arith.constant 0 : index
    %get3A_26 = vector.load %arg6[%get3A_23, %get3A_24, %get3A_25] : memref<3x1024x512xf32, #tpu.memory_space<vmem>>, vector<1x1024x512xf32>
    %get3A_27 = vector.shape_cast %get3A_26 : vector<1x1024x512xf32> to vector<1024x512xf32>
    %get3A_28 = arith.constant 0 : index
    %get3A_29 = arith.constant 0 : index
    %get3A_30 = vector.load %arg1[%get3A_28, %get3A_29] : memref<1024x512xbf16, #tpu.memory_space<vmem>>, vector<1024x512xbf16>
    %dot_general3A = arith.constant dense<0.000000e+00> : vector<1024x512xf32>
    %dot_general3A_31 = tpu.matmul %convert_element_type3A_10, %get3A_30, %dot_general3A {dimension_numbers = #tpu.dot_dimension_numbers<[0], [0], [1], [1], [0, 1, 1, 1], [], []>, transpose_lhs_hint = false} : vector<1024x1024xbf16>, vector<1024x512xbf16>, vector<1024x512xf32> -> vector<1024x512xf32>
    %add3A = arith.addf %get3A_27, %dot_general3A_31 : vector<1024x512xf32>
    %swap3A = arith.constant 0 : index
    %swap3A_32 = arith.constant 0 : index
    %swap3A_33 = arith.constant 0 : index
    %swap3A_34 = vector.load %arg6[%swap3A, %swap3A_32, %swap3A_33] : memref<3x1024x512xf32, #tpu.memory_space<vmem>>, vector<1x1024x512xf32>
    %swap3A_35 = vector.shape_cast %swap3A_34 : vector<1x1024x512xf32> to vector<1024x512xf32>
    %swap3A_36 = vector.shape_cast %add3A : vector<1024x512xf32> to vector<1x1024x512xf32>
    tpu.vector_store %arg6[%swap3A, %swap3A_32, %swap3A_33], %swap3A_36 {strides = array<i32>} : memref<3x1024x512xf32, #tpu.memory_space<vmem>>, vector<1x1024x512xf32>,
    %get3A_37 = arith.constant 1 : index
    %get3A_38 = arith.constant 0 : index
    %get3A_39 = arith.constant 0 : index
    %get3A_40 = vector.load %arg6[%get3A_37, %get3A_38, %get3A_39] : memref<3x1024x512xf32, #tpu.memory_space<vmem>>, vector<1x1024x512xf32>
    %get3A_41 = vector.shape_cast %get3A_40 : vector<1x1024x512xf32> to vector<1024x512xf32>
    %get3A_42 = arith.constant 0 : index
    %get3A_43 = arith.constant 0 : index
    %get3A_44 = vector.load %arg2[%get3A_42, %get3A_43] : memref<1024x512xbf16, #tpu.memory_space<vmem>>, vector<1024x512xbf16>
    %dot_general3A_45 = arith.constant dense<0.000000e+00> : vector<1024x512xf32>
    %dot_general3A_46 = tpu.matmul %convert_element_type3A_10, %get3A_44, %dot_general3A_45 {dimension_numbers = #tpu.dot_dimension_numbers<[0], [0], [1], [1], [0, 1, 1, 1], [], []>, transpose_lhs_hint = false} : vector<1024x1024xbf16>, vector<1024x512xbf16>, vector<1024x512xf32> -> vector<1024x512xf32>
    %add3A_47 = arith.addf %get3A_41, %dot_general3A_46 : vector<1024x512xf32>
    %swap3A_48 = arith.constant 1 : index
    %swap3A_49 = arith.constant 0 : index
    %swap3A_50 = arith.constant 0 : index
    %swap3A_51 = vector.load %arg6[%swap3A_48, %swap3A_49, %swap3A_50] : memref<3x1024x512xf32, #tpu.memory_space<vmem>>, vector<1x1024x512xf32>
    %swap3A_52 = vector.shape_cast %swap3A_51 : vector<1x1024x512xf32> to vector<1024x512xf32>
    %swap3A_53 = vector.shape_cast %add3A_47 : vector<1024x512xf32> to vector<1x1024x512xf32>
    tpu.vector_store %arg6[%swap3A_48, %swap3A_49, %swap3A_50], %swap3A_53 {strides = array<i32>} : memref<3x1024x512xf32, #tpu.memory_space<vmem>>, vector<1x1024x512xf32>,
    %get3A_54 = arith.constant 2 : index
    %get3A_55 = arith.constant 0 : index
    %get3A_56 = arith.constant 0 : index
    %get3A_57 = vector.load %arg6[%get3A_54, %get3A_55, %get3A_56] : memref<3x1024x512xf32, #tpu.memory_space<vmem>>, vector<1x1024x512xf32>
    %get3A_58 = vector.shape_cast %get3A_57 : vector<1x1024x512xf32> to vector<1024x512xf32>
    %dot_general3A_59 = arith.constant dense<0.000000e+00> : vector<1024x512xf32>
    %dot_general3A_60 = tpu.matmul %convert_element_type3A_10, %convert_element_type3A_22, %dot_general3A_59 {dimension_numbers = #tpu.dot_dimension_numbers<[0], [0], [1], [1], [0, 1, 1, 1], [], []>, transpose_lhs_hint = false} : vector<1024x1024xbf16>, vector<1024x512xbf16>, vector<1024x512xf32> -> vector<1024x512xf32>
    %add3A_61 = arith.addf %get3A_58, %dot_general3A_60 : vector<1024x512xf32>
    %swap3A_62 = arith.constant 2 : index
    %swap3A_63 = arith.constant 0 : index
    %swap3A_64 = arith.constant 0 : index
    %swap3A_65 = vector.load %arg6[%swap3A_62, %swap3A_63, %swap3A_64] : memref<3x1024x512xf32, #tpu.memory_space<vmem>>, vector<1x1024x512xf32>
    %swap3A_66 = vector.shape_cast %swap3A_65 : vector<1x1024x512xf32> to vector<1024x512xf32>
    %swap3A_67 = vector.shape_cast %add3A_61 : vector<1024x512xf32> to vector<1x1024x512xf32>
    tpu.vector_store %arg6[%swap3A_62, %swap3A_63, %swap3A_64], %swap3A_67 {strides = array<i32>} : memref<3x1024x512xf32, #tpu.memory_space<vmem>>, vector<1x1024x512xf32>,
    return
  }
  func.func @transform_0(%arg0: i32) -> (i32, i32) {
    %c0_i32 = arith.constant 0 : i32
    %c0_i32_0 = arith.constant 0 : i32
    return %arg0, %c0_i32 : i32, i32
  }
  func.func @transform_1(%arg0: i32) -> (i32, i32) {
    %c0_i32 = arith.constant 0 : i32
    %c0_i32_0 = arith.constant 0 : i32
    return %arg0, %c0_i32 : i32, i32
  }
  func.func @transform_2(%arg0: i32) -> (i32, i32) {
    %c0_i32 = arith.constant 0 : i32
    %c0_i32_0 = arith.constant 0 : i32
    return %arg0, %c0_i32 : i32, i32
  }
  func.func @transform_3(%arg0: i32) -> (i32, i32, i32) {
    %c0_i32 = arith.constant 0 : i32
    %c0_i32_0 = arith.constant 0 : i32
    %c0_i32_1 = arith.constant 0 : i32
    return %arg0, %c0_i32, %c0_i32_0 : i32, i32, i32
  }
  func.func @transform_4(%arg0: i32) -> (i32, i32, i32) {
    %c0_i32 = arith.constant 0 : i32
    %c0_i32_0 = arith.constant 0 : i32
    %c0_i32_1 = arith.constant 0 : i32
    return %arg0, %c0_i32, %c0_i32_0 : i32, i32, i32
  }
  func.func @transform_5(%arg0: i32) -> (i32, i32, i32) {
    %c0_i32 = arith.constant 0 : i32
    %c0_i32_0 = arith.constant 0 : i32
    %c0_i32_1 = arith.constant 0 : i32
    %c0_i32_2 = arith.constant 0 : i32
    return %c0_i32, %c0_i32_0, %c0_i32_1 : i32, i32, i32
  }
}

module attributes {stable_mosaic.version = 14 : i64} {
  func.func @_final_body(%arg0: i32, %arg1: memref<3x256x512xf32, #tpu.memory_space<vmem>>, %arg2: memref<256x512xf32, #tpu.memory_space<vmem>>, %arg3: memref<256x512xf32, #tpu.memory_space<vmem>>, %arg4: memref<256x8xf32, #tpu.memory_space<vmem>>, %arg5: memref<2x512xf32, #tpu.memory_space<vmem>>, %arg6: memref<512x512xf32, #tpu.memory_space<vmem>>, %arg7: memref<1x512xf32, #tpu.memory_space<vmem>>, %arg8: memref<1x512xf32, #tpu.memory_space<vmem>>, %arg9: memref<1x512xf32, #tpu.memory_space<vmem>>, %arg10: memref<512x4096xf32, #tpu.memory_space<vmem>>, %arg11: memref<1x4096xf32, #tpu.memory_space<vmem>>, %arg12: memref<2048x512xf32, #tpu.memory_space<vmem>>, %arg13: memref<1x512xf32, #tpu.memory_space<vmem>>, %arg14: memref<512x512xf32, #tpu.memory_space<vmem>>, %arg15: memref<512x512xf32, #tpu.memory_space<vmem>>, %arg16: memref<1x512xf32, #tpu.memory_space<vmem>>, %arg17: memref<512x512xf32, #tpu.memory_space<vmem>>, %arg18: memref<512x512xf32, #tpu.memory_space<vmem>>, %arg19: memref<1x512xf32, #tpu.memory_space<vmem>>, %arg20: memref<256x512xf32, #tpu.memory_space<vmem>>, %arg21: memref<256x512xf32, #tpu.memory_space<vmem>>, %arg22: memref<256x512xf32, #tpu.memory_space<vmem>>) attributes {dimension_semantics = [#tpu.dimension_semantics<arbitrary>], iteration_bounds = array<i64: 4>, scalar_prefetch = 0 : i64, scratch_operands = 0 : i64, tpu.core_type = #tpu.core_type<tc>, window_params = [{transform_indices = @transform_0, window_bounds = array<i64: 3, 256, 512>}, {transform_indices = @transform_1, window_bounds = array<i64: 256, 512>}, {transform_indices = @transform_2, window_bounds = array<i64: 256, 512>}, {transform_indices = @transform_3, window_bounds = array<i64: 256, 8>}, {pipeline_mode = #tpu.pipeline_mode<synchronous>, transform_indices = @transform_4, window_bounds = array<i64: 2, 512>}, {pipeline_mode = #tpu.pipeline_mode<synchronous>, transform_indices = @transform_5, window_bounds = array<i64: 512, 512>}, {pipeline_mode = #tpu.pipeline_mode<synchronous>, transform_indices = @transform_6, window_bounds = array<i64: 1, 512>}, {pipeline_mode = #tpu.pipeline_mode<synchronous>, transform_indices = @transform_7, window_bounds = array<i64: 1, 512>}, {pipeline_mode = #tpu.pipeline_mode<synchronous>, transform_indices = @transform_8, window_bounds = array<i64: 1, 512>}, {pipeline_mode = #tpu.pipeline_mode<synchronous>, transform_indices = @transform_9, window_bounds = array<i64: 512, 4096>}, {pipeline_mode = #tpu.pipeline_mode<synchronous>, transform_indices = @transform_10, window_bounds = array<i64: 1, 4096>}, {pipeline_mode = #tpu.pipeline_mode<synchronous>, transform_indices = @transform_11, window_bounds = array<i64: 2048, 512>}, {pipeline_mode = #tpu.pipeline_mode<synchronous>, transform_indices = @transform_12, window_bounds = array<i64: 1, 512>}, {pipeline_mode = #tpu.pipeline_mode<synchronous>, transform_indices = @transform_13, window_bounds = array<i64: 512, 512>}, {pipeline_mode = #tpu.pipeline_mode<synchronous>, transform_indices = @transform_14, window_bounds = array<i64: 512, 512>}, {pipeline_mode = #tpu.pipeline_mode<synchronous>, transform_indices = @transform_15, window_bounds = array<i64: 1, 512>}, {pipeline_mode = #tpu.pipeline_mode<synchronous>, transform_indices = @transform_16, window_bounds = array<i64: 512, 512>}, {pipeline_mode = #tpu.pipeline_mode<synchronous>, transform_indices = @transform_17, window_bounds = array<i64: 512, 512>}, {pipeline_mode = #tpu.pipeline_mode<synchronous>, transform_indices = @transform_18, window_bounds = array<i64: 1, 512>}, {transform_indices = @transform_19, window_bounds = array<i64: 256, 512>}, {transform_indices = @transform_20, window_bounds = array<i64: 256, 512>}, {transform_indices = @transform_21, window_bounds = array<i64: 256, 512>}]} {
    %get3A = arith.constant 0 : index
    %get3A_0 = arith.constant 0 : index
    %get3A_1 = arith.constant 0 : index
    %get3A_2 = vector.load %arg1[%get3A, %get3A_0, %get3A_1] : memref<3x256x512xf32, #tpu.memory_space<vmem>>, vector<1x256x512xf32>
    %get3A_3 = vector.shape_cast %get3A_2 : vector<1x256x512xf32> to vector<256x512xf32>
    %get3A_4 = arith.constant 1 : index
    %get3A_5 = arith.constant 0 : index
    %get3A_6 = arith.constant 0 : index
    %get3A_7 = vector.load %arg1[%get3A_4, %get3A_5, %get3A_6] : memref<3x256x512xf32, #tpu.memory_space<vmem>>, vector<1x256x512xf32>
    %get3A_8 = vector.shape_cast %get3A_7 : vector<1x256x512xf32> to vector<256x512xf32>
    %get3A_9 = arith.constant 2 : index
    %get3A_10 = arith.constant 0 : index
    %get3A_11 = arith.constant 0 : index
    %get3A_12 = vector.load %arg1[%get3A_9, %get3A_10, %get3A_11] : memref<3x256x512xf32, #tpu.memory_space<vmem>>, vector<1x256x512xf32>
    %get3A_13 = vector.shape_cast %get3A_12 : vector<1x256x512xf32> to vector<256x512xf32>
    %get3A_14 = arith.constant 0 : index
    %get3A_15 = arith.constant 0 : index
    %get3A_16 = vector.load %arg4[%get3A_14, %get3A_15] : memref<256x8xf32, #tpu.memory_space<vmem>>, vector<256x1xf32>
    %get3A_17 = vector.shape_cast %get3A_16 : vector<256x1xf32> to vector<256xf32>
    %get3A_18 = arith.constant 0 : index
    %get3A_19 = arith.constant 1 : index
    %get3A_20 = vector.load %arg4[%get3A_18, %get3A_19] : memref<256x8xf32, #tpu.memory_space<vmem>>, vector<256x1xf32>
    %get3A_21 = vector.shape_cast %get3A_20 : vector<256x1xf32> to vector<256xf32>
    %get3A_22 = arith.constant 1 : index
    %get3A_23 = arith.constant 0 : index
    %get3A_24 = vector.load %arg5[%get3A_22, %get3A_23] : memref<2x512xf32, #tpu.memory_space<vmem>>, vector<1x512xf32>
    %get3A_25 = vector.shape_cast %get3A_24 : vector<1x512xf32> to vector<512xf32>
    %get3A_26 = arith.constant 0 : index
    %get3A_27 = arith.constant 0 : index
    %get3A_28 = vector.load %arg2[%get3A_26, %get3A_27] : memref<256x512xf32, #tpu.memory_space<vmem>>, vector<256x512xf32>
    %broadcast_in_dim3A = vector.shape_cast %get3A_17 : vector<256xf32> to vector<256x1xf32>
    %broadcast_in_dim3A_29 = vector.shape_cast %get3A_25 : vector<512xf32> to vector<1x512xf32>
    %mul3A = vector.broadcast %broadcast_in_dim3A : vector<256x1xf32> to vector<256x512xf32>
    %mul3A_30 = vector.broadcast %broadcast_in_dim3A_29 : vector<1x512xf32> to vector<256x512xf32>
    %mul3A_31 = arith.mulf %mul3A, %mul3A_30 : vector<256x512xf32>
    %add3A = arith.addf %get3A_13, %mul3A_31 : vector<256x512xf32>
    %get3A_32 = arith.constant 0 : index
    %get3A_33 = arith.constant 0 : index
    %get3A_34 = vector.load %arg6[%get3A_32, %get3A_33] : memref<512x512xf32, #tpu.memory_space<vmem>>, vector<512x512xf32>
    %dot_general3A = arith.constant dense<0.000000e+00> : vector<256x512xf32>
    %dot_general3A_35 = tpu.matmul %add3A, %get3A_34, %dot_general3A {dimension_numbers = #tpu.dot_dimension_numbers<[1], [0], [0], [1], [0, 0, 1, 1], [], []>, transpose_lhs_hint = false} : vector<256x512xf32>, vector<512x512xf32>, vector<256x512xf32> -> vector<256x512xf32>
    %get3A_36 = arith.constant 0 : index
    %get3A_37 = arith.constant 0 : index
    %get3A_38 = vector.load %arg7[%get3A_36, %get3A_37] : memref<1x512xf32, #tpu.memory_space<vmem>>, vector<1x512xf32>
    %add3A_39 = vector.broadcast %get3A_38 : vector<1x512xf32> to vector<256x512xf32>
    %add3A_40 = arith.addf %dot_general3A_35, %add3A_39 : vector<256x512xf32>
    %add3A_41 = arith.addf %add3A_40, %get3A_28 : vector<256x512xf32>
    %get3A_42 = arith.constant 0 : index
    %get3A_43 = arith.constant 0 : index
    %get3A_44 = vector.load %arg8[%get3A_42, %get3A_43] : memref<1x512xf32, #tpu.memory_space<vmem>>, vector<1x512xf32>
    %get3A_45 = arith.constant 0 : index
    %get3A_46 = arith.constant 0 : index
    %get3A_47 = vector.load %arg9[%get3A_45, %get3A_46] : memref<1x512xf32, #tpu.memory_space<vmem>>, vector<1x512xf32>
    %reduce_sum3A = arith.constant dense<0.000000e+00> : vector<256xf32>
    %reduce_sum3A_48 = vector.multi_reduction <add>, %add3A_41, %reduce_sum3A [1] : vector<256x512xf32> to vector<256xf32>
    %broadcast_in_dim3A_49 = vector.shape_cast %reduce_sum3A_48 : vector<256xf32> to vector<256x1xf32>
    %div3A = arith.constant 5.120000e+02 : f32
    %div3A_50 = vector.broadcast %div3A : f32 to vector<256x1xf32>
    %div3A_51 = arith.divf %broadcast_in_dim3A_49, %div3A_50 : vector<256x1xf32>
    %sub3A = vector.broadcast %div3A_51 : vector<256x1xf32> to vector<256x512xf32>
    %sub3A_52 = arith.subf %add3A_41, %sub3A : vector<256x512xf32>
    %integer_pow3A = arith.mulf %sub3A_52, %sub3A_52 : vector<256x512xf32>
    %reduce_sum3A_53 = arith.constant dense<0.000000e+00> : vector<256xf32>
    %reduce_sum3A_54 = vector.multi_reduction <add>, %integer_pow3A, %reduce_sum3A_53 [1] : vector<256x512xf32> to vector<256xf32>
    %broadcast_in_dim3A_55 = vector.shape_cast %reduce_sum3A_54 : vector<256xf32> to vector<256x1xf32>
    %div3A_56 = arith.constant 5.120000e+02 : f32
    %div3A_57 = vector.broadcast %div3A_56 : f32 to vector<256x1xf32>
    %div3A_58 = arith.divf %broadcast_in_dim3A_55, %div3A_57 : vector<256x1xf32>
    %sub3A_59 = vector.broadcast %div3A_51 : vector<256x1xf32> to vector<256x512xf32>
    %sub3A_60 = arith.subf %add3A_41, %sub3A_59 : vector<256x512xf32>
    %add3A_61 = arith.constant 9.99999974E-6 : f32
    %add3A_62 = vector.broadcast %add3A_61 : f32 to vector<256x1xf32>
    %add3A_63 = arith.addf %div3A_58, %add3A_62 : vector<256x1xf32>
    %sqrt3A = math.sqrt %add3A_63 : vector<256x1xf32>
    %div3A_64 = vector.broadcast %sqrt3A : vector<256x1xf32> to vector<256x512xf32>
    %div3A_65 = arith.divf %sub3A_60, %div3A_64 : vector<256x512xf32>
    %mul3A_66 = vector.broadcast %get3A_44 : vector<1x512xf32> to vector<256x512xf32>
    %mul3A_67 = arith.mulf %div3A_65, %mul3A_66 : vector<256x512xf32>
    %add3A_68 = vector.broadcast %get3A_47 : vector<1x512xf32> to vector<256x512xf32>
    %add3A_69 = arith.addf %mul3A_67, %add3A_68 : vector<256x512xf32>
    %get3A_70 = arith.constant 0 : index
    %get3A_71 = arith.constant 0 : index
    %get3A_72 = vector.load %arg10[%get3A_70, %get3A_71] : memref<512x4096xf32, #tpu.memory_space<vmem>>, vector<512x4096xf32>
    %dot_general3A_73 = arith.constant dense<0.000000e+00> : vector<256x4096xf32>
    %dot_general3A_74 = tpu.matmul %add3A_69, %get3A_72, %dot_general3A_73 {dimension_numbers = #tpu.dot_dimension_numbers<[1], [0], [0], [1], [0, 0, 1, 1], [], []>, transpose_lhs_hint = false} : vector<256x512xf32>, vector<512x4096xf32>, vector<256x4096xf32> -> vector<256x4096xf32>
    %get3A_75 = arith.constant 0 : index
    %get3A_76 = arith.constant 0 : index
    %get3A_77 = vector.load %arg11[%get3A_75, %get3A_76] : memref<1x4096xf32, #tpu.memory_space<vmem>>, vector<1x4096xf32>
    %add3A_78 = vector.broadcast %get3A_77 : vector<1x4096xf32> to vector<256x4096xf32>
    %add3A_79 = arith.addf %dot_general3A_74, %add3A_78 : vector<256x4096xf32>
    %slice3A = vector.extract_strided_slice %add3A_79 {offsets = [0, 0], sizes = [256, 2048], strides = [1, 1]} : vector<256x4096xf32> to vector<256x2048xf32>
    %slice3A_80 = vector.extract_strided_slice %add3A_79 {offsets = [0, 2048], sizes = [256, 2048], strides = [1, 1]} : vector<256x4096xf32> to vector<256x2048xf32>
    %mul3A_81 = arith.constant 0.707106769 : f32
    %mul3A_82 = vector.broadcast %mul3A_81 : f32 to vector<256x2048xf32>
    %mul3A_83 = arith.mulf %slice3A_80, %mul3A_82 : vector<256x2048xf32>
    %abs3A = math.absf %mul3A_83 : vector<256x2048xf32>
    %mul3A_84 = arith.constant 0.327591091 : f32
    %mul3A_85 = vector.broadcast %mul3A_84 : f32 to vector<256x2048xf32>
    %mul3A_86 = arith.mulf %mul3A_85, %abs3A : vector<256x2048xf32>
    %add3A_87 = arith.constant 1.000000e+00 : f32
    %add3A_88 = vector.broadcast %add3A_87 : f32 to vector<256x2048xf32>
    %add3A_89 = arith.addf %add3A_88, %mul3A_86 : vector<256x2048xf32>
    %div3A_90 = arith.constant 1.000000e+00 : f32
    %div3A_91 = vector.broadcast %div3A_90 : f32 to vector<256x2048xf32>
    %div3A_92 = arith.divf %div3A_91, %add3A_89 : vector<256x2048xf32>
    %mul3A_93 = arith.constant 1.06140542 : f32
    %mul3A_94 = vector.broadcast %mul3A_93 : f32 to vector<256x2048xf32>
    %mul3A_95 = arith.mulf %div3A_92, %mul3A_94 : vector<256x2048xf32>
    %add3A_96 = arith.constant -1.45315206 : f32
    %add3A_97 = vector.broadcast %add3A_96 : f32 to vector<256x2048xf32>
    %add3A_98 = arith.addf %add3A_97, %mul3A_95 : vector<256x2048xf32>
    %mul3A_99 = arith.mulf %div3A_92, %add3A_98 : vector<256x2048xf32>
    %add3A_100 = arith.constant 1.42141378 : f32
    %add3A_101 = vector.broadcast %add3A_100 : f32 to vector<256x2048xf32>
    %add3A_102 = arith.addf %add3A_101, %mul3A_99 : vector<256x2048xf32>
    %mul3A_103 = arith.mulf %div3A_92, %add3A_102 : vector<256x2048xf32>
    %add3A_104 = arith.constant -0.284496725 : f32
    %add3A_105 = vector.broadcast %add3A_104 : f32 to vector<256x2048xf32>
    %add3A_106 = arith.addf %add3A_105, %mul3A_103 : vector<256x2048xf32>
    %mul3A_107 = arith.mulf %div3A_92, %add3A_106 : vector<256x2048xf32>
    %add3A_108 = arith.constant 0.254829586 : f32
    %add3A_109 = vector.broadcast %add3A_108 : f32 to vector<256x2048xf32>
    %add3A_110 = arith.addf %add3A_109, %mul3A_107 : vector<256x2048xf32>
    %mul3A_111 = arith.mulf %div3A_92, %add3A_110 : vector<256x2048xf32>
    %neg3A = arith.constant 0.000000e+00 : f32
    %neg3A_112 = vector.broadcast %neg3A : f32 to vector<256x2048xf32>
    %neg3A_113 = arith.subf %neg3A_112, %abs3A : vector<256x2048xf32>
    %mul3A_114 = arith.mulf %neg3A_113, %abs3A : vector<256x2048xf32>
    %exp3A = math.exp %mul3A_114 : vector<256x2048xf32>
    %mul3A_115 = arith.mulf %mul3A_111, %exp3A : vector<256x2048xf32>
    %sub3A_116 = arith.constant 1.000000e+00 : f32
    %sub3A_117 = vector.broadcast %sub3A_116 : f32 to vector<256x2048xf32>
    %sub3A_118 = arith.subf %sub3A_117, %mul3A_115 : vector<256x2048xf32>
    %sign3A = tpu.bitcast %mul3A_83 : vector<256x2048xf32> -> vector<256x2048xi32>
    %sign3A_119 = arith.constant -2147483648 : i32
    %sign3A_120 = vector.broadcast %sign3A_119 : i32 to vector<256x2048xi32>
    %sign3A_121 = arith.andi %sign3A, %sign3A_120 : vector<256x2048xi32>
    %sign3A_122 = arith.constant 1065353216 : i32
    %sign3A_123 = vector.broadcast %sign3A_122 : i32 to vector<256x2048xi32>
    %sign3A_124 = arith.ori %sign3A_123, %sign3A_121 : vector<256x2048xi32>
    %sign3A_125 = tpu.bitcast %sign3A_124 : vector<256x2048xi32> -> vector<256x2048xf32>
    %sign3A_126 = math.absf %mul3A_83 : vector<256x2048xf32>
    %sign3A_127 = arith.constant 0.000000e+00 : f32
    %sign3A_128 = vector.broadcast %sign3A_127 : f32 to vector<256x2048xf32>
    %sign3A_129 = arith.cmpf ogt, %sign3A_126, %sign3A_128 : vector<256x2048xf32>
    %sign3A_130 = arith.select %sign3A_129, %sign3A_125, %mul3A_83 : vector<256x2048xi1>, vector<256x2048xf32>
    %mul3A_131 = arith.mulf %sign3A_130, %sub3A_118 : vector<256x2048xf32>
    %mul3A_132 = arith.constant 5.000000e-01 : f32
    %mul3A_133 = vector.broadcast %mul3A_132 : f32 to vector<256x2048xf32>
    %mul3A_134 = arith.mulf %slice3A_80, %mul3A_133 : vector<256x2048xf32>
    %add3A_135 = arith.constant 1.000000e+00 : f32
    %add3A_136 = vector.broadcast %add3A_135 : f32 to vector<256x2048xf32>
    %add3A_137 = arith.addf %add3A_136, %mul3A_131 : vector<256x2048xf32>
    %mul3A_138 = arith.mulf %mul3A_134, %add3A_137 : vector<256x2048xf32>
    %mul3A_139 = arith.mulf %slice3A, %mul3A_138 : vector<256x2048xf32>
    %get3A_140 = arith.constant 0 : index
    %get3A_141 = arith.constant 0 : index
    %get3A_142 = vector.load %arg12[%get3A_140, %get3A_141] : memref<2048x512xf32, #tpu.memory_space<vmem>>, vector<2048x512xf32>
    %dot_general3A_143 = arith.constant dense<0.000000e+00> : vector<256x512xf32>
    %dot_general3A_144 = tpu.matmul %mul3A_139, %get3A_142, %dot_general3A_143 {dimension_numbers = #tpu.dot_dimension_numbers<[1], [0], [0], [1], [0, 0, 1, 1], [], []>, transpose_lhs_hint = false} : vector<256x2048xf32>, vector<2048x512xf32>, vector<256x512xf32> -> vector<256x512xf32>
    %get3A_145 = arith.constant 0 : index
    %get3A_146 = arith.constant 0 : index
    %get3A_147 = vector.load %arg13[%get3A_145, %get3A_146] : memref<1x512xf32, #tpu.memory_space<vmem>>, vector<1x512xf32>
    %add3A_148 = vector.broadcast %get3A_147 : vector<1x512xf32> to vector<256x512xf32>
    %add3A_149 = arith.addf %dot_general3A_144, %add3A_148 : vector<256x512xf32>
    %add3A_150 = arith.addf %add3A_149, %add3A_41 : vector<256x512xf32>
    %get3A_151 = arith.constant 0 : index
    %get3A_152 = arith.constant 0 : index
    %get3A_153 = vector.load %arg14[%get3A_151, %get3A_152] : memref<512x512xf32, #tpu.memory_space<vmem>>, vector<512x512xf32>
    %dot_general3A_154 = arith.constant dense<0.000000e+00> : vector<256x512xf32>
    %dot_general3A_155 = tpu.matmul %get3A_28, %get3A_153, %dot_general3A_154 {dimension_numbers = #tpu.dot_dimension_numbers<[1], [0], [0], [1], [0, 0, 1, 1], [], []>, transpose_lhs_hint = false} : vector<256x512xf32>, vector<512x512xf32>, vector<256x512xf32> -> vector<256x512xf32>
    %get3A_156 = arith.constant 0 : index
    %get3A_157 = arith.constant 0 : index
    %get3A_158 = vector.load %arg15[%get3A_156, %get3A_157] : memref<512x512xf32, #tpu.memory_space<vmem>>, vector<512x512xf32>
    %dot_general3A_159 = arith.constant dense<0.000000e+00> : vector<256x512xf32>
    %dot_general3A_160 = tpu.matmul %add3A_150, %get3A_158, %dot_general3A_159 {dimension_numbers = #tpu.dot_dimension_numbers<[1], [0], [0], [1], [0, 0, 1, 1], [], []>, transpose_lhs_hint = false} : vector<256x512xf32>, vector<512x512xf32>, vector<256x512xf32> -> vector<256x512xf32>
    %add3A_161 = arith.addf %dot_general3A_155, %dot_general3A_160 : vector<256x512xf32>
    %get3A_162 = arith.constant 0 : index
    %get3A_163 = arith.constant 0 : index
    %get3A_164 = vector.load %arg16[%get3A_162, %get3A_163] : memref<1x512xf32, #tpu.memory_space<vmem>>, vector<1x512xf32>
    %add3A_165 = vector.broadcast %get3A_164 : vector<1x512xf32> to vector<256x512xf32>
    %add3A_166 = arith.addf %add3A_161, %add3A_165 : vector<256x512xf32>
    %logistic3A = arith.negf %add3A_166 : vector<256x512xf32>
    %logistic3A_167 = math.exp %logistic3A : vector<256x512xf32>
    %logistic3A_168 = arith.constant 1.000000e+00 : f32
    %logistic3A_169 = vector.broadcast %logistic3A_168 : f32 to vector<256x512xf32>
    %logistic3A_170 = arith.addf %logistic3A_169, %logistic3A_167 : vector<256x512xf32>
    %logistic3A_171 = arith.divf %logistic3A_169, %logistic3A_170 : vector<256x512xf32>
    %get3A_172 = arith.constant 0 : index
    %get3A_173 = arith.constant 0 : index
    %get3A_174 = vector.load %arg3[%get3A_172, %get3A_173] : memref<256x512xf32, #tpu.memory_space<vmem>>, vector<256x512xf32>
    %get3A_175 = arith.constant 0 : index
    %get3A_176 = arith.constant 0 : index
    %get3A_177 = vector.load %arg17[%get3A_175, %get3A_176] : memref<512x512xf32, #tpu.memory_space<vmem>>, vector<512x512xf32>
    %dot_general3A_178 = arith.constant dense<0.000000e+00> : vector<256x512xf32>
    %dot_general3A_179 = tpu.matmul %get3A_174, %get3A_177, %dot_general3A_178 {dimension_numbers = #tpu.dot_dimension_numbers<[1], [0], [0], [1], [0, 0, 1, 1], [], []>, transpose_lhs_hint = false} : vector<256x512xf32>, vector<512x512xf32>, vector<256x512xf32> -> vector<256x512xf32>
    %get3A_180 = arith.constant 0 : index
    %get3A_181 = arith.constant 0 : index
    %get3A_182 = vector.load %arg18[%get3A_180, %get3A_181] : memref<512x512xf32, #tpu.memory_space<vmem>>, vector<512x512xf32>
    %dot_general3A_183 = arith.constant dense<0.000000e+00> : vector<256x512xf32>
    %dot_general3A_184 = tpu.matmul %logistic3A_171, %get3A_182, %dot_general3A_183 {dimension_numbers = #tpu.dot_dimension_numbers<[1], [0], [0], [1], [0, 0, 1, 1], [], []>, transpose_lhs_hint = false} : vector<256x512xf32>, vector<512x512xf32>, vector<256x512xf32> -> vector<256x512xf32>
    %add3A_185 = arith.addf %dot_general3A_179, %dot_general3A_184 : vector<256x512xf32>
    %get3A_186 = arith.constant 0 : index
    %get3A_187 = arith.constant 0 : index
    %get3A_188 = vector.load %arg19[%get3A_186, %get3A_187] : memref<1x512xf32, #tpu.memory_space<vmem>>, vector<1x512xf32>
    %add3A_189 = vector.broadcast %get3A_188 : vector<1x512xf32> to vector<256x512xf32>
    %add3A_190 = arith.addf %add3A_185, %add3A_189 : vector<256x512xf32>
    %logistic3A_191 = arith.negf %add3A_190 : vector<256x512xf32>
    %logistic3A_192 = math.exp %logistic3A_191 : vector<256x512xf32>
    %logistic3A_193 = arith.constant 1.000000e+00 : f32
    %logistic3A_194 = vector.broadcast %logistic3A_193 : f32 to vector<256x512xf32>
    %logistic3A_195 = arith.addf %logistic3A_194, %logistic3A_192 : vector<256x512xf32>
    %logistic3A_196 = arith.divf %logistic3A_194, %logistic3A_195 : vector<256x512xf32>
    %swap3A = arith.constant 0 : index
    %swap3A_197 = arith.constant 0 : index
    %swap3A_198 = vector.load %arg20[%swap3A, %swap3A_197] : memref<256x512xf32, #tpu.memory_space<vmem>>, vector<256x512xf32>
    tpu.vector_store %arg20[%swap3A, %swap3A_197], %logistic3A_196 {strides = array<i32>} : memref<256x512xf32, #tpu.memory_space<vmem>>, vector<256x512xf32>,
    %sub3A_199 = arith.constant 6.400000e+01 : f32
    %sub3A_200 = vector.broadcast %sub3A_199 : f32 to vector<256xf32>
    %sub3A_201 = arith.subf %sub3A_200, %get3A_21 : vector<256xf32>
    %broadcast_in_dim3A_202 = vector.shape_cast %sub3A_201 : vector<256xf32> to vector<256x1xf32>
    %add3A_203 = vector.broadcast %broadcast_in_dim3A_202 : vector<256x1xf32> to vector<256x512xf32>
    %add3A_204 = arith.addf %get3A_3, %add3A_203 : vector<256x512xf32>
    %mul3A_205 = arith.constant 1.562500e-02 : f32
    %mul3A_206 = vector.broadcast %mul3A_205 : f32 to vector<256x512xf32>
    %mul3A_207 = arith.mulf %add3A_204, %mul3A_206 : vector<256x512xf32>
    %swap3A_208 = arith.constant 0 : index
    %swap3A_209 = arith.constant 0 : index
    %swap3A_210 = vector.load %arg21[%swap3A_208, %swap3A_209] : memref<256x512xf32, #tpu.memory_space<vmem>>, vector<256x512xf32>
    tpu.vector_store %arg21[%swap3A_208, %swap3A_209], %mul3A_207 {strides = array<i32>} : memref<256x512xf32, #tpu.memory_space<vmem>>, vector<256x512xf32>,
    %sub3A_211 = arith.constant 6.400000e+01 : f32
    %sub3A_212 = vector.broadcast %sub3A_211 : f32 to vector<256xf32>
    %sub3A_213 = arith.subf %sub3A_212, %get3A_21 : vector<256xf32>
    %broadcast_in_dim3A_214 = vector.shape_cast %sub3A_213 : vector<256xf32> to vector<256x1xf32>
    %add3A_215 = vector.broadcast %broadcast_in_dim3A_214 : vector<256x1xf32> to vector<256x512xf32>
    %add3A_216 = arith.addf %get3A_8, %add3A_215 : vector<256x512xf32>
    %mul3A_217 = arith.constant 1.562500e-02 : f32
    %mul3A_218 = vector.broadcast %mul3A_217 : f32 to vector<256x512xf32>
    %mul3A_219 = arith.mulf %add3A_216, %mul3A_218 : vector<256x512xf32>
    %swap3A_220 = arith.constant 0 : index
    %swap3A_221 = arith.constant 0 : index
    %swap3A_222 = vector.load %arg22[%swap3A_220, %swap3A_221] : memref<256x512xf32, #tpu.memory_space<vmem>>, vector<256x512xf32>
    tpu.vector_store %arg22[%swap3A_220, %swap3A_221], %mul3A_219 {strides = array<i32>} : memref<256x512xf32, #tpu.memory_space<vmem>>, vector<256x512xf32>,
    return
  }
  func.func @transform_0(%arg0: i32) -> (i32, i32, i32) {
    %c0_i32 = arith.constant 0 : i32
    %c0_i32_0 = arith.constant 0 : i32
    %c0_i32_1 = arith.constant 0 : i32
    return %c0_i32, %arg0, %c0_i32_0 : i32, i32, i32
  }
  func.func @transform_1(%arg0: i32) -> (i32, i32) {
    %c0_i32 = arith.constant 0 : i32
    %c0_i32_0 = arith.constant 0 : i32
    return %arg0, %c0_i32 : i32, i32
  }
  func.func @transform_2(%arg0: i32) -> (i32, i32) {
    %c0_i32 = arith.constant 0 : i32
    %c0_i32_0 = arith.constant 0 : i32
    return %arg0, %c0_i32 : i32, i32
  }
  func.func @transform_3(%arg0: i32) -> (i32, i32) {
    %c0_i32 = arith.constant 0 : i32
    %c0_i32_0 = arith.constant 0 : i32
    return %arg0, %c0_i32 : i32, i32
  }
  func.func @transform_4(%arg0: i32) -> (i32, i32) {
    %c0_i32 = arith.constant 0 : i32
    %c0_i32_0 = arith.constant 0 : i32
    %c0_i32_1 = arith.constant 0 : i32
    return %c0_i32, %c0_i32_0 : i32, i32
  }
  func.func @transform_5(%arg0: i32) -> (i32, i32) {
    %c0_i32 = arith.constant 0 : i32
    %c0_i32_0 = arith.constant 0 : i32
    %c0_i32_1 = arith.constant 0 : i32
    return %c0_i32, %c0_i32_0 : i32, i32
  }
  func.func @transform_6(%arg0: i32) -> (i32, i32) {
    %c0_i32 = arith.constant 0 : i32
    %c0_i32_0 = arith.constant 0 : i32
    %c0_i32_1 = arith.constant 0 : i32
    return %c0_i32, %c0_i32_0 : i32, i32
  }
  func.func @transform_7(%arg0: i32) -> (i32, i32) {
    %c0_i32 = arith.constant 0 : i32
    %c0_i32_0 = arith.constant 0 : i32
    %c0_i32_1 = arith.constant 0 : i32
    return %c0_i32, %c0_i32_0 : i32, i32
  }
  func.func @transform_8(%arg0: i32) -> (i32, i32) {
    %c0_i32 = arith.constant 0 : i32
    %c0_i32_0 = arith.constant 0 : i32
    %c0_i32_1 = arith.constant 0 : i32
    return %c0_i32, %c0_i32_0 : i32, i32
  }
  func.func @transform_9(%arg0: i32) -> (i32, i32) {
    %c0_i32 = arith.constant 0 : i32
    %c0_i32_0 = arith.constant 0 : i32
    %c0_i32_1 = arith.constant 0 : i32
    return %c0_i32, %c0_i32_0 : i32, i32
  }
  func.func @transform_10(%arg0: i32) -> (i32, i32) {
    %c0_i32 = arith.constant 0 : i32
    %c0_i32_0 = arith.constant 0 : i32
    %c0_i32_1 = arith.constant 0 : i32
    return %c0_i32, %c0_i32_0 : i32, i32
  }
  func.func @transform_11(%arg0: i32) -> (i32, i32) {
    %c0_i32 = arith.constant 0 : i32
    %c0_i32_0 = arith.constant 0 : i32
    %c0_i32_1 = arith.constant 0 : i32
    return %c0_i32, %c0_i32_0 : i32, i32
  }
  func.func @transform_12(%arg0: i32) -> (i32, i32) {
    %c0_i32 = arith.constant 0 : i32
    %c0_i32_0 = arith.constant 0 : i32
    %c0_i32_1 = arith.constant 0 : i32
    return %c0_i32, %c0_i32_0 : i32, i32
  }
  func.func @transform_13(%arg0: i32) -> (i32, i32) {
    %c0_i32 = arith.constant 0 : i32
    %c0_i32_0 = arith.constant 0 : i32
    %c0_i32_1 = arith.constant 0 : i32
    return %c0_i32, %c0_i32_0 : i32, i32
  }
  func.func @transform_14(%arg0: i32) -> (i32, i32) {
    %c0_i32 = arith.constant 0 : i32
    %c0_i32_0 = arith.constant 0 : i32
    %c0_i32_1 = arith.constant 0 : i32
    return %c0_i32, %c0_i32_0 : i32, i32
  }
  func.func @transform_15(%arg0: i32) -> (i32, i32) {
    %c0_i32 = arith.constant 0 : i32
    %c0_i32_0 = arith.constant 0 : i32
    %c0_i32_1 = arith.constant 0 : i32
    return %c0_i32, %c0_i32_0 : i32, i32
  }
  func.func @transform_16(%arg0: i32) -> (i32, i32) {
    %c0_i32 = arith.constant 0 : i32
    %c0_i32_0 = arith.constant 0 : i32
    %c0_i32_1 = arith.constant 0 : i32
    return %c0_i32, %c0_i32_0 : i32, i32
  }
  func.func @transform_17(%arg0: i32) -> (i32, i32) {
    %c0_i32 = arith.constant 0 : i32
    %c0_i32_0 = arith.constant 0 : i32
    %c0_i32_1 = arith.constant 0 : i32
    return %c0_i32, %c0_i32_0 : i32, i32
  }
  func.func @transform_18(%arg0: i32) -> (i32, i32) {
    %c0_i32 = arith.constant 0 : i32
    %c0_i32_0 = arith.constant 0 : i32
    %c0_i32_1 = arith.constant 0 : i32
    return %c0_i32, %c0_i32_0 : i32, i32
  }
  func.func @transform_19(%arg0: i32) -> (i32, i32) {
    %c0_i32 = arith.constant 0 : i32
    %c0_i32_0 = arith.constant 0 : i32
    return %arg0, %c0_i32 : i32, i32
  }
  func.func @transform_20(%arg0: i32) -> (i32, i32) {
    %c0_i32 = arith.constant 0 : i32
    %c0_i32_0 = arith.constant 0 : i32
    return %arg0, %c0_i32 : i32, i32
  }
  func.func @transform_21(%arg0: i32) -> (i32, i32) {
    %c0_i32 = arith.constant 0 : i32
    %c0_i32_0 = arith.constant 0 : i32
    return %arg0, %c0_i32 : i32, i32
  }
}

</mosaic_0001>

<sc_bundles>
// kernel: kernel.10.cloned.1.call-start
scs
__scs_entry_jumppad:
0x0: {  	(pc) =	sbr.rel $0x88, $3  }
0x1: {  	(tag) =	ssettag $0x0;
	lr =	simm.s32 $0x1  }
0x2: {  	[smem:$0x3F7E] =	sst lr;
	_ =	strace $0xD0000000  }
0x3: {  	_ = 	snop  }
0x4: {  	_ = 	snop  }
0x5: {  	_ = 	snop  }
0x6: {  	_ = 	snop  }
0x7: {  	_ = 	snop  }
__scs_overlays_trampoline_lowered:
0x8: {  	[smem:$0x3F8D] =	sst s0  }
0x9: {  	[smem:$0x3F8E] =	sst s1  }
0xa: {  	[smem:$0x3F8F] =	sst s2  }
0xb: {  	[smem:$0x3F90] =	sst s3  }
0xc: {  	[smem:$0x3F91] =	sst s4  }
0xd: {  	[smem:$0x3F92] =	sst s5  }
0xe: {  	[smem:$0x3F93] =	sst s6  }
0xf: {  	[smem:$0x3F94] =	sst s7  }
0x10: {  	[smem:$0x3F95] =	sst s8  }
0x11: {  	[smem:$0x3F96] =	sst s9;
	s0 =	simm.s32 @!p0 $0x0  }
0x12: {  	s1 =	sld [smem:$0x3F7C];
	s0 =	simm.s32 @p0 $0x1  }
0x13: {  	[smem:$0x3F97] =	sst s0;
	s0 =	simm.s32 @!p1 $0x0  }
0x14: {  	s2 =	sld [smem:$0x3F7B];
	s0 =	simm.s32 @p1 $0x1  }
0x15: {  	[smem:$0x3F98] =	sst s0;
	s0 =	simm.s32 @!p2 $0x0  }
0x16: {  	s3 =	sld [smem:$0x3FDB];
	s0 =	simm.s32 @p2 $0x1  }
0x17: {  	s4 =	simm.s32 $0x1BF5;
	[smem:$0x3F9A] =	sst s0  }
0x18: {  	s0 =	sld [smem:$0x3F7D];
	_ =	swait.ge [sflag:s4], $0x0  }
0x19: {  	s7 =	sld [smem:$0x3F7E]  }
0x1a: {  	s8 =	sadd.s32 $0xFFFFE003, lr  }
0x1b: {  	s9 =	sadd.s32 $0xFFFFFEF7, lr;
	s5 =	simm.s32 $0xFFFFFFFF;
	p2 =	slt.u32 s8, $0xFFFFF086  }
0x1c: {  	p1 =	slt.u32 s9, $0xF7A;
	s5 =	simm.s32 @!p2 $0x0  }
0x1d: {  	s5 =	simm.s32 @p1 $0x1;
	p0 =	seq.s32 s7, s2  }
0x1e: {  	s7 =	smul.u32 @!p0 $0xF7A, s2;
	p2 =	seq.s32 @!p0 s5, $0x0  }
0x1f: {  	s9 =	smul.u32 $0xF7A, s1;
	s8 =	simm.s32 @!p0 $0x1BF5;
	p2 =	por !p2, p0  }
0x20: {  	[sflag:s8] =	ssyncset.s32 @!p0 $0xFFFFF086;
	s6 =	sadd.s32 @!p0 s3, s7;
	s7 =	simm.s32 @!p0 $0x108  }
0x21: {  	s3 =	sadd.s32 s3, s9;
	s6 =	sadd.s32 @!p0 $0x88, s6;
	s7 =	simm.s32 @p2 $0x1082  }
0x22: {  	[simem:s7], [sflag:s8] =	dma.local @!p0 [hbm:s6], $0xF7A  }
0x23: {  	s9 =	sor.u32 $0xD0000000, s2;
	s6 =	simm.s32 $0x108;
	_ =	swait.ge @!p0 [sflag:s8], $0x0  }
0x24: {  	s3 =	sadd.s32 $0x88, s3;
	s6 =	simm.s32 @!p1 $0x1082;
	[sflag:s4] =	ssyncset.s32 $0xFFFFF086  }
0x25: {  	[simem:s6], [sflag:s4] =	dma.local [hbm:s3], $0xF7A  }
0x26: {  	[smem:$0x3F7E] =	sst s1;
	(tag) =	ssettag s2;
	_ =	strace s9  }
0x27: {  	s1 =	sld [smem:$0x3F8E]  }
0x28: {  	s2 =	sld [smem:$0x3F8F]  }
0x29: {  	s4 =	sld [smem:$0x3F91]  }
0x2a: {  	p0 =	seq.s32 s5, $0x0;
	s5 =	sld [smem:$0x3F92]  }
0x2b: {  	s6 =	sld [smem:$0x3F93]  }
0x2c: {  	s7 =	sld [smem:$0x3F94]  }
0x2d: {  	s3 =	simm.s32 $0x108;
	s8 =	sld [smem:$0x3F95]  }
0x2e: {  	s3 =	simm.s32 @!p0 $0x1082;
	s9 =	sld [smem:$0x3F96]  }
0x2f: {  	lr =	sadd.s32 s0, s3;
	s0 =	sld [smem:$0x3F8D]  }
0x30: {  	s3 =	sld [smem:$0x3F90]  }
0x31: {  	[smem:$0x3F99] =	sst s10  }
0x32: {  	s10 =	sld [smem:$0x3F97];
	_ =	sdelay $0x3  }
0x33: {  	p0 =	seq.s32 s10, $0x1;
	s10 =	sld [smem:$0x3F99];
	_ =	sdelay $0x3  }
0x34: {  	[smem:$0x3F99] =	sst s10  }
0x35: {  	s10 =	sld [smem:$0x3F98];
	_ =	sdelay $0x3  }
0x36: {  	p1 =	seq.s32 s10, $0x1;
	s10 =	sld [smem:$0x3F99];
	_ =	sdelay $0x3  }
0x37: {  	[smem:$0x3F99] =	sst s10  }
0x38: {  	s10 =	sld [smem:$0x3F9A]  }
0x39: {  	_ = 	snop;
	(pc) =	sbr.ind lr, $3  }
0x3a: {  	_ = 	snop  }
0x3b: {  	_ = 	snop  }
0x3c: {  	p2 =	seq.s32 s10, $0x1;
	s10 =	sld [smem:$0x3F99]  }
0x3d: {  	_ =	shalt  }
0x3e: {  	_ =	shalt  }
0x3f: {  	_ =	shalt  }
0x40: {  	_ =	shalt  }
0x41: {  	_ =	shalt  }
0x42: {  	_ =	shalt  }
0x43: {  	_ =	shalt  }
0x44: {  	_ =	shalt  }
0x45: {  	_ =	shalt  }
0x46: {  	_ =	shalt  }
0x47: {  	_ =	shalt  }
0x48: {  	_ =	shalt  }
0x49: {  	_ =	shalt  }
0x4a: {  	_ =	shalt  }
0x4b: {  	_ =	shalt  }
0x4c: {  	_ =	shalt  }
0x4d: {  	_ =	shalt  }
0x4e: {  	_ =	shalt  }
0x4f: {  	_ =	shalt  }
0x50: {  	_ =	shalt  }
0x51: {  	_ =	shalt  }
0x52: {  	_ =	shalt  }
0x53: {  	_ =	shalt  }
0x54: {  	_ =	shalt  }
0x55: {  	_ =	shalt  }
0x56: {  	_ =	shalt  }
0x57: {  	_ =	shalt  }
0x58: {  	_ =	shalt  }
0x59: {  	_ =	shalt  }
0x5a: {  	_ =	shalt  }
0x5b: {  	_ =	shalt  }
0x5c: {  	_ =	shalt  }
0x5d: {  	_ =	shalt  }
0x5e: {  	_ =	shalt  }
0x5f: {  	_ =	shalt  }
0x60: {  	_ =	shalt  }
0x61: {  	_ =	shalt  }
0x62: {  	_ =	shalt  }
0x63: {  	_ =	shalt  }
0x64: {  	_ =	shalt  }
0x65: {  	_ =	shalt  }
0x66: {  	_ =	shalt  }
0x67: {  	_ =	shalt  }
0x68: {  	_ =	shalt  }
0x69: {  	_ =	shalt  }
0x6a: {  	_ =	shalt  }
0x6b: {  	_ =	shalt  }
0x6c: {  	_ =	shalt  }
0x6d: {  	_ =	shalt  }
0x6e: {  	_ =	shalt  }
0x6f: {  	_ =	shalt  }
0x70: {  	_ =	shalt  }
0x71: {  	_ =	shalt  }
0x72: {  	_ =	shalt  }
0x73: {  	_ =	shalt  }
0x74: {  	_ =	shalt  }
0x75: {  	_ =	shalt  }
0x76: {  	_ =	shalt  }
0x77: {  	_ =	shalt  }
0x78: {  	_ =	shalt  }
0x79: {  	_ =	shalt  }
0x7a: {  	_ =	shalt  }
0x7b: {  	_ =	shalt  }
0x7c: {  	_ =	shalt  }
0x7d: {  	_ =	shalt  }
0x7e: {  	_ =	shalt  }
0x7f: {  	_ =	shalt  }
0x80: {  	_ =	shalt  }
0x81: {  	_ =	shalt  }
0x82: {  	_ =	shalt  }
0x83: {  	_ =	shalt  }
0x84: {  	_ =	shalt  }
0x85: {  	_ =	shalt  }
0x86: {  	_ =	shalt  }
0x87: {  	_ =	shalt  }
.Lfunc_end0:
.L_simem_size_0:
called_computation_lowered:
.L_overlay_start_0:
0x88: {  	s2 =	sld [smem:$0x3FD9]  }
0x89: {  	s3 =	sld [smem:$0x3FFE];
	_ =	sdelay $0x1  }
0x8a: {  	s1 =	srdreg.scid  }
0x8b: {  	s0 =	sand.u32 $0x1, s1  }
0x8c: {  	s14 =	sshll.u32 s0, $0xA;
	s2 =	sadd.s32 s3, s2  }
0x8d: {  	s2 =	sadd.s32 s2, s14  }
0x8e: {  	[smem:$0x3FA5] =	sst s2  }
0x8f: {  	_ = 	snop  }
0x90: {  	s2 =	sld [smem:$0x3FD0];
	_ =	sdelay $0x2  }
0x91: {  	s4 =	simm.s32 $0xA;
	s5 =	simm.s32 $0x10;
	s15 =	sld [smem:$0x3FC9]  }
0x92: {  	[smem:s5], [sflag:s4] =	dma.local [hbm:s2], $0x1  }
0x93: {  	_ =	swait.eq [sflag:s4], $0x1  }
0x94: {  	s16 =	sld [smem:$0x10];
	[sflag:s4] =	ssyncset.done $0x0  }
0x95: {  	s17 =	sld [smem:$0x13];
	[sflag:s4] =	ssyncadd.s32 $0xFFFFFFFF  }
0x96: {  	s18 =	sld [smem:$0x14];
	(tm) =	ssettm $0x1  }
0x97: {  	s6 =	sld [smem:$0x3FFB];
	_ =	sdelay $0x3  }
0x98: {  	_ =	strace s6  }
0x99: {  	s6 =	sld [smem:$0x3FFC];
	_ =	sdelay $0x3  }
0x9a: {  	_ =	strace s6  }
0x9b: {  	s6 =	sld [smem:$0x3FFD];
	_ =	sdelay $0x3  }
0x9c: {  	_ =	strace s6  }
0x9d: {  	_ =	strace $0x8FFFFFFF  }
0x9e: {  	s19 =	sld [smem:$0x3FDB];
	_ =	sdelay $0x1  }
0x9f: {  	s7 =	simm.s32 $_scs_section_size  }
0xa0: {  	s8 =	simm.s32 $_size__tile_overlayer_lowered;
	s9 =	simm.s32 $_tile_overlayer_lowered  }
0xa1: {  	s22 =	simm.s32 $0x1BFF;
	s21 =	sshll.u32 s9, $0x1;
	s6 =	sadd.s32 s7, s19  }
0xa2: {  	s10 =	simm.s32 $0x0;
	s20 =	sshll.u32 s8, $0x1;
	s8 =	sadd.s32 s21, s6  }
0xa3: {  	[timem:s10], [sflag:s22] =	dma.local [hbm:s8], s20  }
0xa4: {  	_ =	swait.ge [sflag:s22], s20  }
0xa5: {  	s7 =	ssub.s32 $0x0, s20;
	[sflag:s22] =	ssyncset.done $0x0  }
0xa6: {  	[sflag:s22] =	ssyncadd.s32 s7;
	_ =	sdelay $0x1  }
0xa7: {  	s23 =	simm.s32 $0x1B8B  }
0xa8: {  	_ =	swait.ge [sflag:s23], $0x1  }
0xa9: {  	[sflag:s23] =	ssyncset.done $0x0  }
0xaa: {  	s25 =	simm.s32 $0x1B8E;
	s24 =	sld [smem:$0x3FFE];
	[sflag:s23] =	ssyncadd.s32 $0xFFFFFFFF  }
0xab: {  	s26 =	simm.s32 $execute0_lowered;
	[smem:$0x3FD2] =	sst s25  }
0xac: {  	s8 =	sshll.u32 s26, $0x1;
	_ =	strace $0x80000046;
	[dreg:$0x1] =	wrdreg $0xFFFFFFFF  }
0xad: {  	s28 =	simm.s32 $_size_execute0_lowered;
	s6 =	sadd.s32 s6, s8;
	[dreg:$0x0] =	wrdreg $0x0  }
0xae: {  	s8 =	sshll.u32 s28, $0x1;
	[dreg:$0x2] =	wrdreg s6  }
0xaf: {  	[dreg:$0x3] =	wrdreg s8  }
0xb0: {  	[dreg:$0x4] =	wrdreg $0xC0  }
0xb1: {  	_ =	task [dreg:s10], $0x5FFFF  }
0xb2: {  	[dreg:$0x1] =	wrdreg $0xFFFFFFFF  }
0xb3: {  	[dreg:$0x0] =	wrdreg $0x60  }
0xb4: {  	[dreg:$0x2] =	wrdreg s15  }
0xb5: {  	[dreg:$0x3] =	wrdreg s17  }
0xb6: {  	[dreg:$0x4] =	wrdreg s18  }
0xb7: {  	[dreg:$0x5] =	wrdreg s16  }
0xb8: {  	[dreg:$0x6] =	wrdreg s24  }
0xb9: {  	[dreg:$0x7] =	wrdreg $0x9  }
0xba: {  	_ =	task.clear_ibuf [dreg:s10], $0x8FFFF;
	_ =	strace $0x90000046  }
0xbb: {  	s29 =	simm.s32 $0x9;
	_ =	strace $0x80000048  }
0xbc: {  	_ =	swait.ge [sflag:s29], $0x1  }
0xbd: {  	[sflag:s29] =	ssyncadd.s32 $0xFFFFFFFF  }
0xbe: {  	_ =	strace $0x90000048  }
0xbf: {  	_ =	sfence  }
0xc0: {  	s30 =	sld [smem:$0x0];
	_ =	sdelay $0x2  }
0xc1: {  	s31 =	sshll.u32 s1, $0xD;
	s1 =	sshrl.u32 s1, $0x2  }
0xc2: {  	s3 =	sand.u32 $0x4000, s31;
	s1 =	sadd.s32 s1, s30  }
0xc3: {  	s0 =	sor.u32 s3, s0;
	s1 =	sshll.u32 s1, $0x11  }
0xc4: {  	s0 =	sor.u32 s1, s0  }
0xc5: {  	s0 =	sadd.s32 $0x8F2B, s0  }
0xc6: {  	[sflag:s0] =	ssyncadd.remote.s32 $0x1  }
0xc7: {  	_ =	sfence.sel $0xFFFF  }
0xc8: {  	[dreg:$0x0] =	wrdreg $0xFFFFFFFF;
	(pc) =	sbr.abs _section_cstart, $3  }
0xc9: {  	[dreg:$0x1] =	wrdreg $0xFFFFFFFF  }
0xca: {  	_ =	task.clear_ibuf [dreg:s10], $0x2FFFF;
	_ =	strace $0x9FFFFFFF  }
0xcb: {  	(tm) =	ssettm $0x7FFFFFFF  }
tec
execute0_lowered:
.L_overlay_start_1:
0x0: {  	(tag) =	ssettag $0x1  }
0x1: {  	s1 =	rddreg [dreg:$0x0]  }
0x2: {  	s0 =	rddreg [dreg:$0x1]  }
0x3: {  	s2 =	rddreg [dreg:$0x2]  }
0x4: {  	s3 =	rddreg [dreg:$0x3]  }
0x5: {  	s5 =	rddreg [dreg:$0x4];
	s6 =	srdreg.scid  }
0x6: {  	s4 =	simm.s32 $0x0;
	s9 =	stileid.u32;
	s19 =	simm.s32 $0x1  }
0x7: {  	s13 =	simm.s32 $0x7880;
	s14 =	simm.s32 $0x8080;
	s15 =	simm.s32 $0x8880  }
0x8: {  	s16 =	simm.s32 $0x9080;
	s17 =	simm.s32 $0x9880;
	s18 =	simm.s32 $0xA080  }
0x9: {  	s28 =	simm.s32 $0xC080;
	s29 =	simm.s32 $0xC880;
	s30 =	simm.s32 $0xD080  }
0xa: {  	s31 =	simm.s32 $0xD880;
	s6 =	sand.u32 $0x1, s6;
	[smem:$0x7FF] =	sst s4  }
0xb: {  	s7 =	sshll.u32 s9, $0x11;
	s9 =	sshll.u32 s9, $0xB;
	s8 =	ssub.s32 $0x2, s6  }
0xc: {  	_ =	strace $0x80000047;
	s7 =	sadd.s32 s7, s5;
	s10 =	sshll.u32 s6, $0xA  }
0xd: {  	s5 =	sadd.s32 $0x100, s1;
	s11 =	sshll.u32 s6, $0x10;
	s6 =	sadd.s32 $0x100, s2  }
0xe: {  	s23 =	sshrl.u32 s8, $0x1;
	s9 =	sor.u32 s10, s9;
	s7 =	sadd.s32 s11, s7  }
0xf: {  	s10 =	simm.s32 $0x2;
	s11 =	simm.s32 $0x80;
	s24 =	sadd.s32 $0x7000, s7  }
0x10: {  	s8 =	ssub.s32 s8, s23;
	s25 =	sadd.s32 $0x207000, s7;
	[dreg:$0x9] =	wrdreg s24  }
0x11: {  	s9 =	sshrl.u32 s9, $0x3;
	s8 =	smax.u32 s8, $0x1;
	[dreg:$0xa] =	wrdreg s25  }
0x12: {  	s7 =	simm.s32 $0xF080;
	s0 =	sadd.s32 s9, s0;
	[dreg:$0x8] =	wrdreg s8  }
0x13: {  	v2 =	vlaneseq.u32;
	s26 =	sadd.s32 s9, s3;
	s24 =	simm.s32 $0xA880;
	[dreg:$0x6] =	wrdreg s0  }
0x14: {  	vm0 =	vmmov $0xffff;
	v1 =	vshrl.u32 v2, $0x3;
	s25 =	simm.s32 $0xB080;
	s3 =	simm.s32 $0xE880;
	[dreg:$0x7] =	wrdreg s26  }
0x15: {  	v0 =	vand.u32 $0x7, v2;
	v2 =	vor.u32 $0x8, v2;
	v1 =	vmul.u32 $0x8, v1;
	s0 =	simm.s32 $0x0;
	s26 =	simm.s32 $0xB880;
	s8 =	simm.s32 $0xF880  }
.LBB2_1:
0x16: {  	[dreg:$0xb] =	wrdreg s0  }
0x17: {  	s21 =	rddreg [dreg:$0x9];
	s22 =	simm.s32 $0x0;
	s0 =	simm.s32 $0xE080  }
.LBB2_2:
0x18: {  	s20 =	rddreg [dreg:$0x6]  }
0x19: {  	s23 =	sadd.s32 s22, s20;
	s20 =	simm.s32 $0x0  }
0x1a: {  	[tilespmem:s20], [sflag:$0x2] =	stream.linear.gather [hbm4b:s23+s20], $0x80, $0x38;
	[tilespmem:$0x10080] =	vst v63  }
0x1b: {  	_ =	swait.ge [sflag:s10], $0x80  }
0x1c: {  	[sflag:s10] =	ssyncset.done $0x0  }
0x1d: {  	[sflag:s10] =	ssyncadd.s32 $0xFFFFFF80  }
0x1e: {  	v3 =	vld [tilespmem:$0x0];
	_ =	sdelay $0x4  }
0x1f: {  	v4 =	vshll.u32 v3, $0x2  }
0x20: {  	v3 =	vand.u32 $0x7, v3;
	v4 =	vand.u32 $0xFFFFFFE0, v4  }
0x21: {  	v3 =	vor.u32 v3, v4  }
0x22: {  	v4 =	vperm.xlane v3, v0;
	_ =	sdelay $0x1  }
0x23: {  	v4 =	vadd.s32 v1, v4;
	_ =	sdelay $0x1  }
0x24: {  	v3 =	vperm.xlane v3, v2;
	_ =	sdelay $0x1  }
0x25: {  	v3 =	vadd.s32 v1, v3  }
0x26: {  	[tilespmem:s11], [sflag:$0x1] =	stream.indirect_vreg.gather [hbm4b:s1+s20], $0x80, v4, vm0, $0xb8;
	[tilespmem:$0x10080] =	vst v63  }
0x27: {  	s23 =	simm.s32 $0x880  }
0x28: {  	[tilespmem:s23], [sflag:$0x1] =	stream.indirect_vreg.gather [hbm4b:s5+s20], $0x80, v4, vm0, $0xb8;
	[tilespmem:$0x10080] =	vst v63  }
0x29: {  	s9 =	simm.s32 $0x1080  }
0x2a: {  	[tilespmem:s9], [sflag:$0x1] =	stream.indirect_vreg.gather [hbm4b:s1+s20], $0x80, v3, vm0, $0xb8;
	[tilespmem:$0x10080] =	vst v63  }
0x2b: {  	s9 =	simm.s32 $0x1880  }
0x2c: {  	[tilespmem:s9], [sflag:$0x1] =	stream.indirect_vreg.gather [hbm4b:s5+s20], $0x80, v3, vm0, $0xb8;
	[tilespmem:$0x10080] =	vst v63  }
0x2d: {  	v3 =	vld [tilespmem:$0x10];
	_ =	sdelay $0x4  }
0x2e: {  	v57 =	vshll.u32 v3, $0x2  }
0x2f: {  	v3 =	vand.u32 $0x7, v3;
	v4 =	vand.u32 $0xFFFFFFE0, v57  }
0x30: {  	v3 =	vor.u32 v3, v4  }
0x31: {  	v4 =	vperm.xlane v3, v0;
	_ =	sdelay $0x1  }
0x32: {  	v4 =	vadd.s32 v1, v4;
	_ =	sdelay $0x1  }
0x33: {  	v3 =	vperm.xlane v3, v2;
	_ =	sdelay $0x1  }
0x34: {  	s12 =	simm.s32 $0x2080;
	v3 =	vadd.s32 v1, v3  }
0x35: {  	[tilespmem:s12], [sflag:$0x1] =	stream.indirect_vreg.gather [hbm4b:s1+s20], $0x80, v4, vm0, $0xb8;
	[tilespmem:$0x10080] =	vst v63  }
0x36: {  	s12 =	simm.s32 $0x2880  }
0x37: {  	[tilespmem:s12], [sflag:$0x1] =	stream.indirect_vreg.gather [hbm4b:s5+s20], $0x80, v4, vm0, $0xb8;
	[tilespmem:$0x10080] =	vst v63  }
0x38: {  	s12 =	simm.s32 $0x3080  }
0x39: {  	[tilespmem:s12], [sflag:$0x1] =	stream.indirect_vreg.gather [hbm4b:s1+s20], $0x80, v3, vm0, $0xb8;
	[tilespmem:$0x10080] =	vst v63  }
0x3a: {  	s12 =	simm.s32 $0x3880  }
0x3b: {  	[tilespmem:s12], [sflag:$0x1] =	stream.indirect_vreg.gather [hbm4b:s5+s20], $0x80, v3, vm0, $0xb8;
	[tilespmem:$0x10080] =	vst v63  }
0x3c: {  	v3 =	vld [tilespmem:$0x20];
	_ =	sdelay $0x4  }
0x3d: {  	v58 =	vshll.u32 v3, $0x2  }
0x3e: {  	v3 =	vand.u32 $0x7, v3;
	v4 =	vand.u32 $0xFFFFFFE0, v58  }
0x3f: {  	v3 =	vor.u32 v3, v4  }
0x40: {  	v4 =	vperm.xlane v3, v0;
	_ =	sdelay $0x1  }
0x41: {  	v4 =	vadd.s32 v1, v4;
	_ =	sdelay $0x1  }
0x42: {  	v3 =	vperm.xlane v3, v2;
	_ =	sdelay $0x1  }
0x43: {  	s12 =	simm.s32 $0x4080;
	v3 =	vadd.s32 v1, v3  }
0x44: {  	[tilespmem:s12], [sflag:$0x1] =	stream.indirect_vreg.gather [hbm4b:s1+s20], $0x80, v4, vm0, $0xb8;
	[tilespmem:$0x10080] =	vst v63  }
0x45: {  	s12 =	simm.s32 $0x4880  }
0x46: {  	[tilespmem:s12], [sflag:$0x1] =	stream.indirect_vreg.gather [hbm4b:s5+s20], $0x80, v4, vm0, $0xb8;
	[tilespmem:$0x10080] =	vst v63  }
0x47: {  	s12 =	simm.s32 $0x5080  }
0x48: {  	[tilespmem:s12], [sflag:$0x1] =	stream.indirect_vreg.gather [hbm4b:s1+s20], $0x80, v3, vm0, $0xb8;
	[tilespmem:$0x10080] =	vst v63  }
0x49: {  	s12 =	simm.s32 $0x5880  }
0x4a: {  	[tilespmem:s12], [sflag:$0x1] =	stream.indirect_vreg.gather [hbm4b:s5+s20], $0x80, v3, vm0, $0xb8;
	[tilespmem:$0x10080] =	vst v63  }
0x4b: {  	v3 =	vld [tilespmem:$0x30];
	_ =	sdelay $0x4  }
0x4c: {  	v59 =	vshll.u32 v3, $0x2  }
0x4d: {  	v3 =	vand.u32 $0x7, v3;
	v4 =	vand.u32 $0xFFFFFFE0, v59  }
0x4e: {  	v3 =	vor.u32 v3, v4  }
0x4f: {  	v4 =	vperm.xlane v3, v0;
	_ =	sdelay $0x1  }
0x50: {  	v4 =	vadd.s32 v1, v4;
	_ =	sdelay $0x1  }
0x51: {  	v3 =	vperm.xlane v3, v2;
	_ =	sdelay $0x1  }
0x52: {  	s12 =	simm.s32 $0x6080;
	v3 =	vadd.s32 v1, v3  }
0x53: {  	[tilespmem:s12], [sflag:$0x1] =	stream.indirect_vreg.gather [hbm4b:s1+s20], $0x80, v4, vm0, $0xb8;
	[tilespmem:$0x10080] =	vst v63  }
0x54: {  	s12 =	simm.s32 $0x6880  }
0x55: {  	[tilespmem:s12], [sflag:$0x1] =	stream.indirect_vreg.gather [hbm4b:s5+s20], $0x80, v4, vm0, $0xb8;
	[tilespmem:$0x10080] =	vst v63  }
0x56: {  	s12 =	simm.s32 $0x7080  }
0x57: {  	[tilespmem:s12], [sflag:$0x1] =	stream.indirect_vreg.gather [hbm4b:s1+s20], $0x80, v3, vm0, $0xb8;
	[tilespmem:$0x10080] =	vst v63  }
0x58: {  	_ = 	snop  }
0x59: {  	[tilespmem:s13], [sflag:$0x1] =	stream.indirect_vreg.gather [hbm4b:s5+s20], $0x80, v3, vm0, $0xb8;
	[tilespmem:$0x10080] =	vst v63  }
0x5a: {  	v3 =	vld [tilespmem:$0x40];
	_ =	sdelay $0x4  }
0x5b: {  	v60 =	vshll.u32 v3, $0x2  }
0x5c: {  	v3 =	vand.u32 $0x7, v3;
	v4 =	vand.u32 $0xFFFFFFE0, v60  }
0x5d: {  	v3 =	vor.u32 v3, v4  }
0x5e: {  	v4 =	vperm.xlane v3, v0;
	_ =	sdelay $0x1  }
0x5f: {  	v4 =	vadd.s32 v1, v4;
	_ =	sdelay $0x1  }
0x60: {  	v3 =	vperm.xlane v3, v2;
	_ =	sdelay $0x1  }
0x61: {  	v3 =	vadd.s32 v1, v3  }
0x62: {  	[tilespmem:s14], [sflag:$0x1] =	stream.indirect_vreg.gather [hbm4b:s1+s20], $0x80, v4, vm0, $0xb8;
	[tilespmem:$0x10080] =	vst v63  }
0x63: {  	_ = 	snop  }
0x64: {  	[tilespmem:s15], [sflag:$0x1] =	stream.indirect_vreg.gather [hbm4b:s5+s20], $0x80, v4, vm0, $0xb8;
	[tilespmem:$0x10080] =	vst v63  }
0x65: {  	_ = 	snop  }
0x66: {  	[tilespmem:s16], [sflag:$0x1] =	stream.indirect_vreg.gather [hbm4b:s1+s20], $0x80, v3, vm0, $0xb8;
	[tilespmem:$0x10080] =	vst v63  }
0x67: {  	_ = 	snop  }
0x68: {  	[tilespmem:s17], [sflag:$0x1] =	stream.indirect_vreg.gather [hbm4b:s5+s20], $0x80, v3, vm0, $0xb8;
	[tilespmem:$0x10080] =	vst v63  }
0x69: {  	v3 =	vld [tilespmem:$0x50];
	_ =	sdelay $0x4  }
0x6a: {  	v61 =	vshll.u32 v3, $0x2  }
0x6b: {  	v3 =	vand.u32 $0x7, v3;
	v4 =	vand.u32 $0xFFFFFFE0, v61  }
0x6c: {  	v3 =	vor.u32 v3, v4  }
0x6d: {  	v4 =	vperm.xlane v3, v0;
	_ =	sdelay $0x1  }
0x6e: {  	v4 =	vadd.s32 v1, v4;
	_ =	sdelay $0x1  }
0x6f: {  	v3 =	vperm.xlane v3, v2;
	_ =	sdelay $0x1  }
0x70: {  	v3 =	vadd.s32 v1, v3  }
0x71: {  	[tilespmem:s18], [sflag:$0x1] =	stream.indirect_vreg.gather [hbm4b:s1+s20], $0x80, v4, vm0, $0xb8;
	[tilespmem:$0x10080] =	vst v63  }
0x72: {  	_ = 	snop  }
0x73: {  	[tilespmem:s24], [sflag:$0x1] =	stream.indirect_vreg.gather [hbm4b:s5+s20], $0x80, v4, vm0, $0xb8;
	[tilespmem:$0x10080] =	vst v63  }
0x74: {  	_ = 	snop  }
0x75: {  	[tilespmem:s25], [sflag:$0x1] =	stream.indirect_vreg.gather [hbm4b:s1+s20], $0x80, v3, vm0, $0xb8;
	[tilespmem:$0x10080] =	vst v63  }
0x76: {  	_ = 	snop  }
0x77: {  	[tilespmem:s26], [sflag:$0x1] =	stream.indirect_vreg.gather [hbm4b:s5+s20], $0x80, v3, vm0, $0xb8;
	[tilespmem:$0x10080] =	vst v63  }
0x78: {  	v3 =	vld [tilespmem:$0x60];
	_ =	sdelay $0x4  }
0x79: {  	v62 =	vshll.u32 v3, $0x2  }
0x7a: {  	v3 =	vand.u32 $0x7, v3;
	v4 =	vand.u32 $0xFFFFFFE0, v62  }
0x7b: {  	v3 =	vor.u32 v3, v4  }
0x7c: {  	v4 =	vperm.xlane v3, v0;
	_ =	sdelay $0x1  }
0x7d: {  	v4 =	vadd.s32 v1, v4;
	_ =	sdelay $0x1  }
0x7e: {  	v3 =	vperm.xlane v3, v2;
	_ =	sdelay $0x1  }
0x7f: {  	v3 =	vadd.s32 v1, v3  }
0x80: {  	[tilespmem:s28], [sflag:$0x1] =	stream.indirect_vreg.gather [hbm4b:s1+s20], $0x80, v4, vm0, $0xb8;
	[tilespmem:$0x10080] =	vst v63  }
0x81: {  	_ = 	snop  }
0x82: {  	[tilespmem:s29], [sflag:$0x1] =	stream.indirect_vreg.gather [hbm4b:s5+s20], $0x80, v4, vm0, $0xb8;
	[tilespmem:$0x10080] =	vst v63  }
0x83: {  	_ = 	snop  }
0x84: {  	[tilespmem:s30], [sflag:$0x1] =	stream.indirect_vreg.gather [hbm4b:s1+s20], $0x80, v3, vm0, $0xb8;
	[tilespmem:$0x10080] =	vst v63  }
0x85: {  	_ = 	snop  }
0x86: {  	[tilespmem:s31], [sflag:$0x1] =	stream.indirect_vreg.gather [hbm4b:s5+s20], $0x80, v3, vm0, $0xb8;
	[tilespmem:$0x10080] =	vst v63  }
0x87: {  	v3 =	vld [tilespmem:$0x70];
	_ =	sdelay $0x4  }
0x88: {  	v63 =	vshll.u32 v3, $0x2  }
0x89: {  	v3 =	vand.u32 $0x7, v3;
	v4 =	vand.u32 $0xFFFFFFE0, v63  }
0x8a: {  	v3 =	vor.u32 v3, v4  }
0x8b: {  	v4 =	vperm.xlane v3, v0;
	_ =	sdelay $0x1  }
0x8c: {  	v4 =	vadd.s32 v1, v4;
	_ =	sdelay $0x1  }
0x8d: {  	v3 =	vperm.xlane v3, v2;
	_ =	sdelay $0x1  }
0x8e: {  	v3 =	vadd.s32 v1, v3  }
0x8f: {  	[tilespmem:s0], [sflag:$0x1] =	stream.indirect_vreg.gather [hbm4b:s1+s20], $0x80, v4, vm0, $0xb8;
	[tilespmem:$0x10080] =	vst v63  }
0x90: {  	_ = 	snop  }
0x91: {  	[tilespmem:s3], [sflag:$0x1] =	stream.indirect_vreg.gather [hbm4b:s5+s20], $0x80, v4, vm0, $0xb8;
	[tilespmem:$0x10080] =	vst v63  }
0x92: {  	_ = 	snop  }
0x93: {  	[tilespmem:s7], [sflag:$0x1] =	stream.indirect_vreg.gather [hbm4b:s1+s20], $0x80, v3, vm0, $0xb8;
	[tilespmem:$0x10080] =	vst v63  }
0x94: {  	_ = 	snop  }
0x95: {  	[tilespmem:s8], [sflag:$0x1] =	stream.indirect_vreg.gather [hbm4b:s5+s20], $0x80, v3, vm0, $0xb8;
	[tilespmem:$0x10080] =	vst v63  }
0x96: {  	_ =	swait.ge [sflag:s19], $0x10000  }
0x97: {  	p0 =	sne.s32 s22, $0x70;
	[sflag:s19] =	ssyncset.done $0x0  }
.Ltmp0:
0x98: {  	[sflag:s19] =	ssyncadd.s32 $0xFFFF0000;
	(pc) =	sbr.rel @p0 .LBB2_2-.Ltmp0, $4  }
0x99: {  	[hbm4b:s21+s20] =	stream.linear.scatter [tilespmem:s11], [sflag:$0x2], $0x10000, $0x38;
	[tilespmem:$0x10080] =	vst v63  }
0x9a: {  	_ =	swait.ge [sflag:s10], $0x10000  }
0x9b: {  	[sflag:s10] =	ssyncset.done $0x0  }
0x9c: {  	s22 =	sadd.s32 $0x10, s22;
	s21 =	sadd.s32 $0x2000, s21;
	[sflag:s10] =	ssyncadd.s32 $0xFFFF0000  }
0x9d: {  	s21 =	rddreg [dreg:$0xa]  }
.LBB2_4:
0x9e: {  	s22 =	rddreg [dreg:$0x7]  }
0x9f: {  	s22 =	sadd.s32 s20, s22  }
0xa0: {  	[tilespmem:s4], [sflag:$0x2] =	stream.linear.gather [hbm4b:s22+s4], $0x80, $0x38;
	[tilespmem:$0x10080] =	vst v63  }
0xa1: {  	_ =	swait.ge [sflag:s10], $0x80  }
0xa2: {  	[sflag:s10] =	ssyncset.done $0x0  }
0xa3: {  	[sflag:s10] =	ssyncadd.s32 $0xFFFFFF80  }
0xa4: {  	v3 =	vld [tilespmem:$0x0];
	_ =	sdelay $0x4  }
0xa5: {  	v4 =	vshll.u32 v3, $0x2  }
0xa6: {  	v3 =	vand.u32 $0x7, v3;
	v4 =	vand.u32 $0xFFFFFFE0, v4  }
0xa7: {  	v3 =	vor.u32 v3, v4  }
0xa8: {  	v4 =	vperm.xlane v3, v0;
	_ =	sdelay $0x1  }
0xa9: {  	v4 =	vadd.s32 v1, v4;
	_ =	sdelay $0x1  }
0xaa: {  	v3 =	vperm.xlane v3, v2;
	_ =	sdelay $0x1  }
0xab: {  	v3 =	vadd.s32 v1, v3  }
0xac: {  	[tilespmem:s11], [sflag:$0x1] =	stream.indirect_vreg.gather [hbm4b:s2+s4], $0x80, v4, vm0, $0xb8;
	[tilespmem:$0x10080] =	vst v63  }
0xad: {  	_ = 	snop  }
0xae: {  	[tilespmem:s23], [sflag:$0x1] =	stream.indirect_vreg.gather [hbm4b:s6+s4], $0x80, v4, vm0, $0xb8;
	[tilespmem:$0x10080] =	vst v63  }
0xaf: {  	s12 =	simm.s32 $0x1080  }
0xb0: {  	[tilespmem:s12], [sflag:$0x1] =	stream.indirect_vreg.gather [hbm4b:s2+s4], $0x80, v3, vm0, $0xb8;
	[tilespmem:$0x10080] =	vst v63  }
0xb1: {  	_ = 	snop  }
0xb2: {  	[tilespmem:s9], [sflag:$0x1] =	stream.indirect_vreg.gather [hbm4b:s6+s4], $0x80, v3, vm0, $0xb8;
	[tilespmem:$0x10080] =	vst v63  }
0xb3: {  	v3 =	vld [tilespmem:$0x10];
	_ =	sdelay $0x4  }
0xb4: {  	v57 =	vshll.u32 v3, $0x2  }
0xb5: {  	v3 =	vand.u32 $0x7, v3;
	v4 =	vand.u32 $0xFFFFFFE0, v57  }
0xb6: {  	v3 =	vor.u32 v3, v4  }
0xb7: {  	v4 =	vperm.xlane v3, v0;
	_ =	sdelay $0x1  }
0xb8: {  	v4 =	vadd.s32 v1, v4;
	_ =	sdelay $0x1  }
0xb9: {  	v3 =	vperm.xlane v3, v2;
	_ =	sdelay $0x1  }
0xba: {  	s12 =	simm.s32 $0x2080;
	v3 =	vadd.s32 v1, v3  }
0xbb: {  	[tilespmem:s12], [sflag:$0x1] =	stream.indirect_vreg.gather [hbm4b:s2+s4], $0x80, v4, vm0, $0xb8;
	[tilespmem:$0x10080] =	vst v63  }
0xbc: {  	s22 =	simm.s32 $0x2880  }
0xbd: {  	[tilespmem:s22], [sflag:$0x1] =	stream.indirect_vreg.gather [hbm4b:s6+s4], $0x80, v4, vm0, $0xb8;
	[tilespmem:$0x10080] =	vst v63  }
0xbe: {  	s22 =	simm.s32 $0x3080  }
0xbf: {  	[tilespmem:s22], [sflag:$0x1] =	stream.indirect_vreg.gather [hbm4b:s2+s4], $0x80, v3, vm0, $0xb8;
	[tilespmem:$0x10080] =	vst v63  }
0xc0: {  	s22 =	simm.s32 $0x3880  }
0xc1: {  	[tilespmem:s22], [sflag:$0x1] =	stream.indirect_vreg.gather [hbm4b:s6+s4], $0x80, v3, vm0, $0xb8;
	[tilespmem:$0x10080] =	vst v63  }
0xc2: {  	v3 =	vld [tilespmem:$0x20];
	_ =	sdelay $0x4  }
0xc3: {  	v58 =	vshll.u32 v3, $0x2  }
0xc4: {  	v3 =	vand.u32 $0x7, v3;
	v4 =	vand.u32 $0xFFFFFFE0, v58  }
0xc5: {  	v3 =	vor.u32 v3, v4  }
0xc6: {  	v4 =	vperm.xlane v3, v0;
	_ =	sdelay $0x1  }
0xc7: {  	v4 =	vadd.s32 v1, v4;
	_ =	sdelay $0x1  }
0xc8: {  	v3 =	vperm.xlane v3, v2;
	_ =	sdelay $0x1  }
0xc9: {  	s22 =	simm.s32 $0x4080;
	v3 =	vadd.s32 v1, v3  }
0xca: {  	[tilespmem:s22], [sflag:$0x1] =	stream.indirect_vreg.gather [hbm4b:s2+s4], $0x80, v4, vm0, $0xb8;
	[tilespmem:$0x10080] =	vst v63  }
0xcb: {  	s22 =	simm.s32 $0x4880  }
0xcc: {  	[tilespmem:s22], [sflag:$0x1] =	stream.indirect_vreg.gather [hbm4b:s6+s4], $0x80, v4, vm0, $0xb8;
	[tilespmem:$0x10080] =	vst v63  }
0xcd: {  	s22 =	simm.s32 $0x5080  }
0xce: {  	[tilespmem:s22], [sflag:$0x1] =	stream.indirect_vreg.gather [hbm4b:s2+s4], $0x80, v3, vm0, $0xb8;
	[tilespmem:$0x10080] =	vst v63  }
0xcf: {  	s22 =	simm.s32 $0x5880  }
0xd0: {  	[tilespmem:s22], [sflag:$0x1] =	stream.indirect_vreg.gather [hbm4b:s6+s4], $0x80, v3, vm0, $0xb8;
	[tilespmem:$0x10080] =	vst v63  }
0xd1: {  	v3 =	vld [tilespmem:$0x30];
	_ =	sdelay $0x4  }
0xd2: {  	v59 =	vshll.u32 v3, $0x2  }
0xd3: {  	v3 =	vand.u32 $0x7, v3;
	v4 =	vand.u32 $0xFFFFFFE0, v59  }
0xd4: {  	v3 =	vor.u32 v3, v4  }
0xd5: {  	v4 =	vperm.xlane v3, v0;
	_ =	sdelay $0x1  }
0xd6: {  	v4 =	vadd.s32 v1, v4;
	_ =	sdelay $0x1  }
0xd7: {  	v3 =	vperm.xlane v3, v2;
	_ =	sdelay $0x1  }
0xd8: {  	s22 =	simm.s32 $0x6080;
	v3 =	vadd.s32 v1, v3  }
0xd9: {  	[tilespmem:s22], [sflag:$0x1] =	stream.indirect_vreg.gather [hbm4b:s2+s4], $0x80, v4, vm0, $0xb8;
	[tilespmem:$0x10080] =	vst v63  }
0xda: {  	s22 =	simm.s32 $0x6880  }
0xdb: {  	[tilespmem:s22], [sflag:$0x1] =	stream.indirect_vreg.gather [hbm4b:s6+s4], $0x80, v4, vm0, $0xb8;
	[tilespmem:$0x10080] =	vst v63  }
0xdc: {  	s22 =	simm.s32 $0x7080  }
0xdd: {  	[tilespmem:s22], [sflag:$0x1] =	stream.indirect_vreg.gather [hbm4b:s2+s4], $0x80, v3, vm0, $0xb8;
	[tilespmem:$0x10080] =	vst v63  }
0xde: {  	_ = 	snop  }
0xdf: {  	[tilespmem:s13], [sflag:$0x1] =	stream.indirect_vreg.gather [hbm4b:s6+s4], $0x80, v3, vm0, $0xb8;
	[tilespmem:$0x10080] =	vst v63  }
0xe0: {  	v3 =	vld [tilespmem:$0x40];
	_ =	sdelay $0x4  }
0xe1: {  	v60 =	vshll.u32 v3, $0x2  }
0xe2: {  	v3 =	vand.u32 $0x7, v3;
	v4 =	vand.u32 $0xFFFFFFE0, v60  }
0xe3: {  	v3 =	vor.u32 v3, v4  }
0xe4: {  	v4 =	vperm.xlane v3, v0;
	_ =	sdelay $0x1  }
0xe5: {  	v4 =	vadd.s32 v1, v4;
	_ =	sdelay $0x1  }
0xe6: {  	v3 =	vperm.xlane v3, v2;
	_ =	sdelay $0x1  }
0xe7: {  	v3 =	vadd.s32 v1, v3  }
0xe8: {  	[tilespmem:s14], [sflag:$0x1] =	stream.indirect_vreg.gather [hbm4b:s2+s4], $0x80, v4, vm0, $0xb8;
	[tilespmem:$0x10080] =	vst v63  }
0xe9: {  	_ = 	snop  }
0xea: {  	[tilespmem:s15], [sflag:$0x1] =	stream.indirect_vreg.gather [hbm4b:s6+s4], $0x80, v4, vm0, $0xb8;
	[tilespmem:$0x10080] =	vst v63  }
0xeb: {  	_ = 	snop  }
0xec: {  	[tilespmem:s16], [sflag:$0x1] =	stream.indirect_vreg.gather [hbm4b:s2+s4], $0x80, v3, vm0, $0xb8;
	[tilespmem:$0x10080] =	vst v63  }
0xed: {  	_ = 	snop  }
0xee: {  	[tilespmem:s17], [sflag:$0x1] =	stream.indirect_vreg.gather [hbm4b:s6+s4], $0x80, v3, vm0, $0xb8;
	[tilespmem:$0x10080] =	vst v63  }
0xef: {  	v3 =	vld [tilespmem:$0x50];
	_ =	sdelay $0x4  }
0xf0: {  	v61 =	vshll.u32 v3, $0x2  }
0xf1: {  	v3 =	vand.u32 $0x7, v3;
	v4 =	vand.u32 $0xFFFFFFE0, v61  }
0xf2: {  	v3 =	vor.u32 v3, v4  }
0xf3: {  	v4 =	vperm.xlane v3, v0;
	_ =	sdelay $0x1  }
0xf4: {  	v4 =	vadd.s32 v1, v4;
	_ =	sdelay $0x1  }
0xf5: {  	v3 =	vperm.xlane v3, v2;
	_ =	sdelay $0x1  }
0xf6: {  	v3 =	vadd.s32 v1, v3  }
0xf7: {  	[tilespmem:s18], [sflag:$0x1] =	stream.indirect_vreg.gather [hbm4b:s2+s4], $0x80, v4, vm0, $0xb8;
	[tilespmem:$0x10080] =	vst v63  }
0xf8: {  	_ = 	snop  }
0xf9: {  	[tilespmem:s24], [sflag:$0x1] =	stream.indirect_vreg.gather [hbm4b:s6+s4], $0x80, v4, vm0, $0xb8;
	[tilespmem:$0x10080] =	vst v63  }
0xfa: {  	_ = 	snop  }
0xfb: {  	[tilespmem:s25], [sflag:$0x1] =	stream.indirect_vreg.gather [hbm4b:s2+s4], $0x80, v3, vm0, $0xb8;
	[tilespmem:$0x10080] =	vst v63  }
0xfc: {  	_ = 	snop  }
0xfd: {  	[tilespmem:s26], [sflag:$0x1] =	stream.indirect_vreg.gather [hbm4b:s6+s4], $0x80, v3, vm0, $0xb8;
	[tilespmem:$0x10080] =	vst v63  }
0xfe: {  	v3 =	vld [tilespmem:$0x60];
	_ =	sdelay $0x4  }
0xff: {  	v62 =	vshll.u32 v3, $0x2  }
0x100: {  	v3 =	vand.u32 $0x7, v3;
	v4 =	vand.u32 $0xFFFFFFE0, v62  }
0x101: {  	v3 =	vor.u32 v3, v4  }
0x102: {  	v4 =	vperm.xlane v3, v0;
	_ =	sdelay $0x1  }
0x103: {  	v4 =	vadd.s32 v1, v4;
	_ =	sdelay $0x1  }
0x104: {  	v3 =	vperm.xlane v3, v2;
	_ =	sdelay $0x1  }
0x105: {  	v3 =	vadd.s32 v1, v3  }
0x106: {  	[tilespmem:s28], [sflag:$0x1] =	stream.indirect_vreg.gather [hbm4b:s2+s4], $0x80, v4, vm0, $0xb8;
	[tilespmem:$0x10080] =	vst v63  }
0x107: {  	_ = 	snop  }
0x108: {  	[tilespmem:s29], [sflag:$0x1] =	stream.indirect_vreg.gather [hbm4b:s6+s4], $0x80, v4, vm0, $0xb8;
	[tilespmem:$0x10080] =	vst v63  }
0x109: {  	_ = 	snop  }
0x10a: {  	[tilespmem:s30], [sflag:$0x1] =	stream.indirect_vreg.gather [hbm4b:s2+s4], $0x80, v3, vm0, $0xb8;
	[tilespmem:$0x10080] =	vst v63  }
0x10b: {  	_ = 	snop  }
0x10c: {  	[tilespmem:s31], [sflag:$0x1] =	stream.indirect_vreg.gather [hbm4b:s6+s4], $0x80, v3, vm0, $0xb8;
	[tilespmem:$0x10080] =	vst v63  }
0x10d: {  	v3 =	vld [tilespmem:$0x70];
	_ =	sdelay $0x4  }
0x10e: {  	v63 =	vshll.u32 v3, $0x2  }
0x10f: {  	v3 =	vand.u32 $0x7, v3;
	v4 =	vand.u32 $0xFFFFFFE0, v63  }
0x110: {  	v3 =	vor.u32 v3, v4  }
0x111: {  	v4 =	vperm.xlane v3, v0;
	_ =	sdelay $0x1  }
0x112: {  	v4 =	vadd.s32 v1, v4;
	_ =	sdelay $0x1  }
0x113: {  	v3 =	vperm.xlane v3, v2;
	_ =	sdelay $0x1  }
0x114: {  	v3 =	vadd.s32 v1, v3  }
0x115: {  	[tilespmem:s0], [sflag:$0x1] =	stream.indirect_vreg.gather [hbm4b:s2+s4], $0x80, v4, vm0, $0xb8;
	[tilespmem:$0x10080] =	vst v63  }
0x116: {  	_ = 	snop  }
0x117: {  	[tilespmem:s3], [sflag:$0x1] =	stream.indirect_vreg.gather [hbm4b:s6+s4], $0x80, v4, vm0, $0xb8;
	[tilespmem:$0x10080] =	vst v63  }
0x118: {  	_ = 	snop  }
0x119: {  	[tilespmem:s7], [sflag:$0x1] =	stream.indirect_vreg.gather [hbm4b:s2+s4], $0x80, v3, vm0, $0xb8;
	[tilespmem:$0x10080] =	vst v63  }
0x11a: {  	_ = 	snop  }
0x11b: {  	[tilespmem:s8], [sflag:$0x1] =	stream.indirect_vreg.gather [hbm4b:s6+s4], $0x80, v3, vm0, $0xb8;
	[tilespmem:$0x10080] =	vst v63  }
0x11c: {  	_ =	swait.ge [sflag:s19], $0x10000  }
0x11d: {  	p0 =	sne.s32 s20, $0x70;
	[sflag:s19] =	ssyncset.done $0x0  }
.Ltmp1:
0x11e: {  	[sflag:s19] =	ssyncadd.s32 $0xFFFF0000;
	(pc) =	sbr.rel @p0 .LBB2_4-.Ltmp1, $4  }
0x11f: {  	[hbm4b:s21+s4] =	stream.linear.scatter [tilespmem:s11], [sflag:$0x2], $0x10000, $0x38;
	[tilespmem:$0x10080] =	vst v63  }
0x120: {  	_ =	swait.ge [sflag:s10], $0x10000  }
0x121: {  	[sflag:s10] =	ssyncset.done $0x0  }
0x122: {  	s20 =	sadd.s32 $0x10, s20;
	s21 =	sadd.s32 $0x2000, s21;
	[sflag:s10] =	ssyncadd.s32 $0xFFFF0000  }
0x123: {  	s0 =	rddreg [dreg:$0xb]  }
0x124: {  	s20 =	rddreg [dreg:$0x8];
	s0 =	sadd.s32 $0x1, s0  }
0x125: {  	p0 =	sne.s32 s0, s20  }
.Ltmp2:
0x126: {  	_ = 	snop;
	(pc) =	sbr.rel @p0 .LBB2_1-.Ltmp2, $1  }
0x127: {  	_ =	sdelay $0x3  }
0x128: {  	_ =	sfence.sel $0x180000  }
0x129: {  	[bflag:$0x0] =	sbarrier.arrive $0xFFFF  }
0x12a: {  	_ =	strace $0x90000047  }
0x12b: {  	s0 =	stileid.u32;
	[bflag:$0x2] =	sbarrier.arrive $0xFFFF  }
0x12c: {  	p0 =	sne.s32 s0, $0x0;
	s0 =	rddreg [dreg:$0x5]  }
0x12d: {  	s0 =	sadd.s32 @!p0 $0x100000, s0  }
0x12e: {  	[sflag:s0] =	ssyncadd.tile.s32 @!p0 $0x1;
	_ =	shalt  }
.Lfunc_end2:
_tile_overlayer_lowered:
.L_overlay_start_2:
0x12f: {  	(tag) =	ssettag $0x2  }
0x130: {  	s0 =	rddreg [dreg:$0x0];
	s2 =	stileid.u32  }
0x131: {  	s1 =	rddreg [dreg:$0x1];
	p0 =	sne.s32 s2, $0x0  }
0x132: {  	s3 =	rddreg [dreg:$0x2];
	[bflag:$0x3] =	sbarrier.arrive $0xFFFF;
	s2 =	simm.s32 @!p0 $0x1C02  }
0x133: {  	[timem:s3], [sflag:s2] =	dma.local @!p0 [hbm:s0], s1  }
0x134: {  	s0 =	simm.s32 @!p0 $0x2  }
0x135: {  	_ =	swait.ge @!p0 [sflag:s0], s1  }
0x136: {  	s1 =	ssub.s32 @!p0 $0x0, s1;
	[sflag:s0] =	ssyncset.done @!p0 $0x0  }
0x137: {  	[sflag:s0] =	ssyncadd.s32 @!p0 s1  }
0x138: {  	[bflag:$0x3] =	sbarrier.arrive $0xFFFF  }
0x139: {  	_ =	shalt  }

// kernel: kernel.13.cloned.1.call-start
scs
__scs_entry_jumppad:
0x0: {  	(pc) =	sbr.rel $0x88, $3  }
0x1: {  	(tag) =	ssettag $0x0;
	lr =	simm.s32 $0x1  }
0x2: {  	[smem:$0x3F7E] =	sst lr;
	_ =	strace $0xD0000000  }
0x3: {  	_ = 	snop  }
0x4: {  	_ = 	snop  }
0x5: {  	_ = 	snop  }
0x6: {  	_ = 	snop  }
0x7: {  	_ = 	snop  }
__scs_overlays_trampoline_lowered:
0x8: {  	[smem:$0x3F8D] =	sst s0  }
0x9: {  	[smem:$0x3F8E] =	sst s1  }
0xa: {  	[smem:$0x3F8F] =	sst s2  }
0xb: {  	[smem:$0x3F90] =	sst s3  }
0xc: {  	[smem:$0x3F91] =	sst s4  }
0xd: {  	[smem:$0x3F92] =	sst s5  }
0xe: {  	[smem:$0x3F93] =	sst s6  }
0xf: {  	[smem:$0x3F94] =	sst s7  }
0x10: {  	[smem:$0x3F95] =	sst s8  }
0x11: {  	[smem:$0x3F96] =	sst s9;
	s0 =	simm.s32 @!p0 $0x0  }
0x12: {  	s1 =	sld [smem:$0x3F7C];
	s0 =	simm.s32 @p0 $0x1  }
0x13: {  	[smem:$0x3F97] =	sst s0;
	s0 =	simm.s32 @!p1 $0x0  }
0x14: {  	s2 =	sld [smem:$0x3F7B];
	s0 =	simm.s32 @p1 $0x1  }
0x15: {  	[smem:$0x3F98] =	sst s0;
	s0 =	simm.s32 @!p2 $0x0  }
0x16: {  	s3 =	sld [smem:$0x3FDB];
	s0 =	simm.s32 @p2 $0x1  }
0x17: {  	s4 =	simm.s32 $0x1BF5;
	[smem:$0x3F9A] =	sst s0  }
0x18: {  	s0 =	sld [smem:$0x3F7D];
	_ =	swait.ge [sflag:s4], $0x0  }
0x19: {  	s7 =	sld [smem:$0x3F7E]  }
0x1a: {  	s8 =	sadd.s32 $0xFFFFE003, lr  }
0x1b: {  	s9 =	sadd.s32 $0xFFFFFEF7, lr;
	s5 =	simm.s32 $0xFFFFFFFF;
	p2 =	slt.u32 s8, $0xFFFFF086  }
0x1c: {  	p1 =	slt.u32 s9, $0xF7A;
	s5 =	simm.s32 @!p2 $0x0  }
0x1d: {  	s5 =	simm.s32 @p1 $0x1;
	p0 =	seq.s32 s7, s2  }
0x1e: {  	s7 =	smul.u32 @!p0 $0xF7A, s2;
	p2 =	seq.s32 @!p0 s5, $0x0  }
0x1f: {  	s9 =	smul.u32 $0xF7A, s1;
	s8 =	simm.s32 @!p0 $0x1BF5;
	p2 =	por !p2, p0  }
0x20: {  	[sflag:s8] =	ssyncset.s32 @!p0 $0xFFFFF086;
	s6 =	sadd.s32 @!p0 s3, s7;
	s7 =	simm.s32 @!p0 $0x108  }
0x21: {  	s3 =	sadd.s32 s3, s9;
	s6 =	sadd.s32 @!p0 $0x88, s6;
	s7 =	simm.s32 @p2 $0x1082  }
0x22: {  	[simem:s7], [sflag:s8] =	dma.local @!p0 [hbm:s6], $0xF7A  }
0x23: {  	s9 =	sor.u32 $0xD0000000, s2;
	s6 =	simm.s32 $0x108;
	_ =	swait.ge @!p0 [sflag:s8], $0x0  }
0x24: {  	s3 =	sadd.s32 $0x88, s3;
	s6 =	simm.s32 @!p1 $0x1082;
	[sflag:s4] =	ssyncset.s32 $0xFFFFF086  }
0x25: {  	[simem:s6], [sflag:s4] =	dma.local [hbm:s3], $0xF7A  }
0x26: {  	[smem:$0x3F7E] =	sst s1;
	(tag) =	ssettag s2;
	_ =	strace s9  }
0x27: {  	s1 =	sld [smem:$0x3F8E]  }
0x28: {  	s2 =	sld [smem:$0x3F8F]  }
0x29: {  	s4 =	sld [smem:$0x3F91]  }
0x2a: {  	p0 =	seq.s32 s5, $0x0;
	s5 =	sld [smem:$0x3F92]  }
0x2b: {  	s6 =	sld [smem:$0x3F93]  }
0x2c: {  	s7 =	sld [smem:$0x3F94]  }
0x2d: {  	s3 =	simm.s32 $0x108;
	s8 =	sld [smem:$0x3F95]  }
0x2e: {  	s3 =	simm.s32 @!p0 $0x1082;
	s9 =	sld [smem:$0x3F96]  }
0x2f: {  	lr =	sadd.s32 s0, s3;
	s0 =	sld [smem:$0x3F8D]  }
0x30: {  	s3 =	sld [smem:$0x3F90]  }
0x31: {  	[smem:$0x3F99] =	sst s10  }
0x32: {  	s10 =	sld [smem:$0x3F97];
	_ =	sdelay $0x3  }
0x33: {  	p0 =	seq.s32 s10, $0x1;
	s10 =	sld [smem:$0x3F99];
	_ =	sdelay $0x3  }
0x34: {  	[smem:$0x3F99] =	sst s10  }
0x35: {  	s10 =	sld [smem:$0x3F98];
	_ =	sdelay $0x3  }
0x36: {  	p1 =	seq.s32 s10, $0x1;
	s10 =	sld [smem:$0x3F99];
	_ =	sdelay $0x3  }
0x37: {  	[smem:$0x3F99] =	sst s10  }
0x38: {  	s10 =	sld [smem:$0x3F9A]  }
0x39: {  	_ = 	snop;
	(pc) =	sbr.ind lr, $3  }
0x3a: {  	_ = 	snop  }
0x3b: {  	_ = 	snop  }
0x3c: {  	p2 =	seq.s32 s10, $0x1;
	s10 =	sld [smem:$0x3F99]  }
0x3d: {  	_ =	shalt  }
0x3e: {  	_ =	shalt  }
0x3f: {  	_ =	shalt  }
0x40: {  	_ =	shalt  }
0x41: {  	_ =	shalt  }
0x42: {  	_ =	shalt  }
0x43: {  	_ =	shalt  }
0x44: {  	_ =	shalt  }
0x45: {  	_ =	shalt  }
0x46: {  	_ =	shalt  }
0x47: {  	_ =	shalt  }
0x48: {  	_ =	shalt  }
0x49: {  	_ =	shalt  }
0x4a: {  	_ =	shalt  }
0x4b: {  	_ =	shalt  }
0x4c: {  	_ =	shalt  }
0x4d: {  	_ =	shalt  }
0x4e: {  	_ =	shalt  }
0x4f: {  	_ =	shalt  }
0x50: {  	_ =	shalt  }
0x51: {  	_ =	shalt  }
0x52: {  	_ =	shalt  }
0x53: {  	_ =	shalt  }
0x54: {  	_ =	shalt  }
0x55: {  	_ =	shalt  }
0x56: {  	_ =	shalt  }
0x57: {  	_ =	shalt  }
0x58: {  	_ =	shalt  }
0x59: {  	_ =	shalt  }
0x5a: {  	_ =	shalt  }
0x5b: {  	_ =	shalt  }
0x5c: {  	_ =	shalt  }
0x5d: {  	_ =	shalt  }
0x5e: {  	_ =	shalt  }
0x5f: {  	_ =	shalt  }
0x60: {  	_ =	shalt  }
0x61: {  	_ =	shalt  }
0x62: {  	_ =	shalt  }
0x63: {  	_ =	shalt  }
0x64: {  	_ =	shalt  }
0x65: {  	_ =	shalt  }
0x66: {  	_ =	shalt  }
0x67: {  	_ =	shalt  }
0x68: {  	_ =	shalt  }
0x69: {  	_ =	shalt  }
0x6a: {  	_ =	shalt  }
0x6b: {  	_ =	shalt  }
0x6c: {  	_ =	shalt  }
0x6d: {  	_ =	shalt  }
0x6e: {  	_ =	shalt  }
0x6f: {  	_ =	shalt  }
0x70: {  	_ =	shalt  }
0x71: {  	_ =	shalt  }
0x72: {  	_ =	shalt  }
0x73: {  	_ =	shalt  }
0x74: {  	_ =	shalt  }
0x75: {  	_ =	shalt  }
0x76: {  	_ =	shalt  }
0x77: {  	_ =	shalt  }
0x78: {  	_ =	shalt  }
0x79: {  	_ =	shalt  }
0x7a: {  	_ =	shalt  }
0x7b: {  	_ =	shalt  }
0x7c: {  	_ =	shalt  }
0x7d: {  	_ =	shalt  }
0x7e: {  	_ =	shalt  }
0x7f: {  	_ =	shalt  }
0x80: {  	_ =	shalt  }
0x81: {  	_ =	shalt  }
0x82: {  	_ =	shalt  }
0x83: {  	_ =	shalt  }
0x84: {  	_ =	shalt  }
0x85: {  	_ =	shalt  }
0x86: {  	_ =	shalt  }
0x87: {  	_ =	shalt  }
.Lfunc_end0:
.L_simem_size_0:
called_computation.1_lowered:
.L_overlay_start_0:
0x88: {  	s2 =	sld [smem:$0x3FD9]  }
0x89: {  	s3 =	sld [smem:$0x3FFE];
	_ =	sdelay $0x1  }
0x8a: {  	s1 =	srdreg.scid  }
0x8b: {  	s0 =	sand.u32 $0x1, s1  }
0x8c: {  	s14 =	sshll.u32 s0, $0xA;
	s2 =	sadd.s32 s3, s2  }
0x8d: {  	s2 =	sadd.s32 s2, s14  }
0x8e: {  	[smem:$0x3FA5] =	sst s2  }
0x8f: {  	_ = 	snop  }
0x90: {  	s2 =	sld [smem:$0x3FD0];
	_ =	sdelay $0x2  }
0x91: {  	s15 =	simm.s32 $0xA;
	s4 =	simm.s32 $0x10  }
0x92: {  	[smem:s4], [sflag:s15] =	dma.local [hbm:s2], $0x1  }
0x93: {  	_ =	swait.eq [sflag:s15], $0x1  }
0x94: {  	[sflag:s15] =	ssyncset.done $0x0  }
0x95: {  	s16 =	sld [smem:$0x10];
	[sflag:s15] =	ssyncadd.s32 $0xFFFFFFFF  }
0x96: {  	s17 =	sld [smem:$0x13];
	(tm) =	ssettm $0x1  }
0x97: {  	s18 =	sld [smem:$0x3FFB];
	_ =	sdelay $0x3  }
0x98: {  	_ =	strace s18  }
0x99: {  	s4 =	sld [smem:$0x3FFC];
	_ =	sdelay $0x3  }
0x9a: {  	_ =	strace s4  }
0x9b: {  	s4 =	sld [smem:$0x3FFD];
	_ =	sdelay $0x3  }
0x9c: {  	_ =	strace s4  }
0x9d: {  	_ =	strace $0x8FFFFFFF  }
0x9e: {  	s19 =	sld [smem:$0x3FDB];
	_ =	sdelay $0x1  }
0x9f: {  	s5 =	simm.s32 $_scs_section_size  }
0xa0: {  	s6 =	simm.s32 $_size__tile_overlayer_lowered;
	s7 =	simm.s32 $_tile_overlayer_lowered  }
0xa1: {  	s22 =	simm.s32 $0x1BFF;
	s21 =	sshll.u32 s7, $0x1;
	s4 =	sadd.s32 s5, s19  }
0xa2: {  	s8 =	simm.s32 $0x0;
	s20 =	sshll.u32 s6, $0x1;
	s6 =	sadd.s32 s21, s4  }
0xa3: {  	[timem:s8], [sflag:s22] =	dma.local [hbm:s6], s20  }
0xa4: {  	_ =	swait.ge [sflag:s22], s20  }
0xa5: {  	s5 =	ssub.s32 $0x0, s20;
	[sflag:s22] =	ssyncset.done $0x0  }
0xa6: {  	[sflag:s22] =	ssyncadd.s32 s5;
	_ =	sdelay $0x1  }
0xa7: {  	s23 =	simm.s32 $0x1B8B  }
0xa8: {  	_ =	swait.ge [sflag:s23], $0x1  }
0xa9: {  	[sflag:s23] =	ssyncset.done $0x0  }
0xaa: {  	s25 =	simm.s32 $0x1B8E;
	s24 =	sld [smem:$0x3FFE];
	[sflag:s23] =	ssyncadd.s32 $0xFFFFFFFF  }
0xab: {  	s26 =	simm.s32 $execute0_lowered;
	[smem:$0x3FD2] =	sst s25  }
0xac: {  	s6 =	sshll.u32 s26, $0x1;
	_ =	strace $0x80000049;
	[dreg:$0x1] =	wrdreg $0xFFFFFFFF  }
0xad: {  	s28 =	simm.s32 $_size_execute0_lowered;
	s4 =	sadd.s32 s4, s6;
	[dreg:$0x0] =	wrdreg $0x0  }
0xae: {  	s6 =	sshll.u32 s28, $0x1;
	[dreg:$0x2] =	wrdreg s4  }
0xaf: {  	[dreg:$0x3] =	wrdreg s6  }
0xb0: {  	[dreg:$0x4] =	wrdreg $0xC0  }
0xb1: {  	_ =	task [dreg:s8], $0x5FFFF  }
0xb2: {  	[dreg:$0x1] =	wrdreg $0xFFFFFFFF  }
0xb3: {  	[dreg:$0x0] =	wrdreg $0x60  }
0xb4: {  	[dreg:$0x2] =	wrdreg s16  }
0xb5: {  	[dreg:$0x3] =	wrdreg s24  }
0xb6: {  	[dreg:$0x4] =	wrdreg s17  }
0xb7: {  	[dreg:$0x5] =	wrdreg $0x9  }
0xb8: {  	_ =	task.clear_ibuf [dreg:s8], $0x6FFFF;
	_ =	strace $0x90000049  }
0xb9: {  	s29 =	simm.s32 $0x9;
	_ =	strace $0x8000004B  }
0xba: {  	_ =	swait.ge [sflag:s29], $0x1  }
0xbb: {  	[sflag:s29] =	ssyncadd.s32 $0xFFFFFFFF  }
0xbc: {  	_ =	strace $0x9000004B  }
0xbd: {  	_ =	sfence  }
0xbe: {  	s30 =	sld [smem:$0x0];
	_ =	sdelay $0x2  }
0xbf: {  	s31 =	sshll.u32 s1, $0xD;
	s1 =	sshrl.u32 s1, $0x2  }
0xc0: {  	s3 =	sand.u32 $0x4000, s31;
	s1 =	sadd.s32 s1, s30  }
0xc1: {  	s0 =	sor.u32 s3, s0;
	s1 =	sshll.u32 s1, $0x11  }
0xc2: {  	s0 =	sor.u32 s1, s0  }
0xc3: {  	s0 =	sadd.s32 $0x8F2B, s0  }
0xc4: {  	[sflag:s0] =	ssyncadd.remote.s32 $0x1  }
0xc5: {  	_ =	sfence.sel $0xFFFF  }
0xc6: {  	[dreg:$0x0] =	wrdreg $0xFFFFFFFF;
	(pc) =	sbr.abs _section_cstart, $3  }
0xc7: {  	[dreg:$0x1] =	wrdreg $0xFFFFFFFF  }
0xc8: {  	_ =	task.clear_ibuf [dreg:s8], $0x2FFFF;
	_ =	strace $0x9FFFFFFF  }
0xc9: {  	(tm) =	ssettm $0x7FFFFFFF  }
tec
execute0_lowered:
.L_overlay_start_1:
0x0: {  	(tag) =	ssettag $0x1  }
0x1: {  	s0 =	srdreg.scid  }
0x2: {  	s15 =	stileid.u32;
	s0 =	sand.u32 $0x1, s0  }
0x3: {  	s1 =	rddreg [dreg:$0x0];
	s5 =	sshll.u32 s15, $0x9;
	s4 =	sshll.u32 s0, $0xD  }
0x4: {  	s2 =	rddreg [dreg:$0x2];
	s4 =	sor.u32 s5, s4  }
0x5: {  	s14 =	rddreg [dreg:$0x1];
	s3 =	simm.s32 $0x0;
	s4 =	sadd.s32 s2, s4  }
0x6: {  	[smem:$0x7FF] =	sst s3;
	s16 =	sadd.s32 $0x10, s4  }
0x7: {  	_ =	strace $0x8000004A;
	s17 =	sadd.s32 $0x20, s4;
	[dreg:$0x4] =	wrdreg s16  }
0x8: {  	s18 =	sadd.s32 $0x30, s4;
	[dreg:$0x5] =	wrdreg s17  }
0x9: {  	s19 =	sadd.s32 $0x40, s4;
	[dreg:$0x6] =	wrdreg s18  }
0xa: {  	s20 =	sadd.s32 $0x50, s4;
	[dreg:$0x7] =	wrdreg s19  }
0xb: {  	s21 =	sadd.s32 $0x60, s4;
	[dreg:$0x8] =	wrdreg s20  }
0xc: {  	s22 =	sadd.s32 $0x70, s4;
	[dreg:$0x9] =	wrdreg s21  }
0xd: {  	s23 =	sadd.s32 $0x80, s4;
	[dreg:$0xa] =	wrdreg s22  }
0xe: {  	s24 =	sadd.s32 $0x90, s4;
	[dreg:$0xb] =	wrdreg s23  }
0xf: {  	s25 =	sadd.s32 $0xA0, s4;
	[dreg:$0xc] =	wrdreg s24  }
0x10: {  	s26 =	sadd.s32 $0xB0, s4;
	[dreg:$0xd] =	wrdreg s25  }
0x11: {  	s6 =	sadd.s32 $0xC0, s4;
	[dreg:$0xe] =	wrdreg s26  }
0x12: {  	s7 =	sadd.s32 $0xD0, s4;
	[dreg:$0xf] =	wrdreg s6  }
0x13: {  	s8 =	sadd.s32 $0xE0, s4;
	[dreg:$0x10] =	wrdreg s7  }
0x14: {  	s9 =	sadd.s32 $0xF0, s4;
	[dreg:$0x11] =	wrdreg s8  }
0x15: {  	s10 =	sadd.s32 $0x100, s4;
	[dreg:$0x12] =	wrdreg s9  }
0x16: {  	v0 =	vimm.f32 $0.0e+00;
	s11 =	sadd.s32 $0x110, s4;
	[dreg:$0x13] =	wrdreg s10  }
0x17: {  	[tilespmem:$0x120] =	vst v0;
	s12 =	sadd.s32 $0x120, s4;
	[dreg:$0x14] =	wrdreg s11  }
0x18: {  	[tilespmem:$0x130] =	vst v0;
	s13 =	sadd.s32 $0x130, s4;
	[dreg:$0x15] =	wrdreg s12  }
0x19: {  	[tilespmem:$0x140] =	vst v0;
	[dreg:$0x16] =	wrdreg s13;
	s16 =	sadd.s32 $0x140, s4  }
0x1a: {  	[tilespmem:$0x100] =	vst v0;
	s17 =	sadd.s32 $0x150, s4;
	[dreg:$0x17] =	wrdreg s16  }
0x1b: {  	[tilespmem:$0x170] =	vst v0;
	s18 =	sadd.s32 $0x160, s4;
	[dreg:$0x18] =	wrdreg s17  }
0x1c: {  	[tilespmem:$0x160] =	vst v0;
	s19 =	sadd.s32 $0x170, s4;
	[dreg:$0x19] =	wrdreg s18  }
0x1d: {  	[tilespmem:$0x150] =	vst v0;
	s20 =	sadd.s32 $0x180, s4;
	[dreg:$0x1a] =	wrdreg s19  }
0x1e: {  	[tilespmem:$0x110] =	vst v0;
	s5 =	simm.s32 $0x1;
	s6 =	simm.s32 $0x100;
	[dreg:$0x1b] =	wrdreg s20  }
0x1f: {  	[hbm4b:s4+s3] =	stream.linear.scatter [tilespmem:s6], [sflag:$0x1], $0x80, $0x38;
	[tilespmem:$0x180] =	vst v63  }
0x20: {  	_ =	swait.ge [sflag:s5], $0x80  }
0x21: {  	[sflag:s5] =	ssyncset.done $0x0  }
0x22: {  	s7 =	rddreg [dreg:$0x4];
	[sflag:s5] =	ssyncadd.s32 $0xFFFFFF80  }
0x23: {  	[hbm4b:s7+s3] =	stream.linear.scatter [tilespmem:s6], [sflag:$0x1], $0x80, $0x38;
	[tilespmem:$0x180] =	vst v63  }
0x24: {  	_ =	swait.ge [sflag:s5], $0x80  }
0x25: {  	[sflag:s5] =	ssyncset.done $0x0  }
0x26: {  	s21 =	rddreg [dreg:$0x5];
	[sflag:s5] =	ssyncadd.s32 $0xFFFFFF80  }
0x27: {  	[hbm4b:s21+s3] =	stream.linear.scatter [tilespmem:s6], [sflag:$0x1], $0x80, $0x38;
	[tilespmem:$0x180] =	vst v63  }
0x28: {  	_ =	swait.ge [sflag:s5], $0x80  }
0x29: {  	[sflag:s5] =	ssyncset.done $0x0  }
0x2a: {  	s22 =	rddreg [dreg:$0x6];
	[sflag:s5] =	ssyncadd.s32 $0xFFFFFF80  }
0x2b: {  	[hbm4b:s22+s3] =	stream.linear.scatter [tilespmem:s6], [sflag:$0x1], $0x80, $0x38;
	[tilespmem:$0x180] =	vst v63  }
0x2c: {  	_ =	swait.ge [sflag:s5], $0x80  }
0x2d: {  	[sflag:s5] =	ssyncset.done $0x0  }
0x2e: {  	s23 =	rddreg [dreg:$0x7];
	[sflag:s5] =	ssyncadd.s32 $0xFFFFFF80  }
0x2f: {  	[hbm4b:s23+s3] =	stream.linear.scatter [tilespmem:s6], [sflag:$0x1], $0x80, $0x38;
	[tilespmem:$0x180] =	vst v63  }
0x30: {  	_ =	swait.ge [sflag:s5], $0x80  }
0x31: {  	[sflag:s5] =	ssyncset.done $0x0  }
0x32: {  	s24 =	rddreg [dreg:$0x8];
	[sflag:s5] =	ssyncadd.s32 $0xFFFFFF80  }
0x33: {  	[hbm4b:s24+s3] =	stream.linear.scatter [tilespmem:s6], [sflag:$0x1], $0x80, $0x38;
	[tilespmem:$0x180] =	vst v63  }
0x34: {  	_ =	swait.ge [sflag:s5], $0x80  }
0x35: {  	[sflag:s5] =	ssyncset.done $0x0  }
0x36: {  	s25 =	rddreg [dreg:$0x9];
	[sflag:s5] =	ssyncadd.s32 $0xFFFFFF80  }
0x37: {  	[hbm4b:s25+s3] =	stream.linear.scatter [tilespmem:s6], [sflag:$0x1], $0x80, $0x38;
	[tilespmem:$0x180] =	vst v63  }
0x38: {  	_ =	swait.ge [sflag:s5], $0x80  }
0x39: {  	[sflag:s5] =	ssyncset.done $0x0  }
0x3a: {  	s26 =	rddreg [dreg:$0xa];
	[sflag:s5] =	ssyncadd.s32 $0xFFFFFF80  }
0x3b: {  	[hbm4b:s26+s3] =	stream.linear.scatter [tilespmem:s6], [sflag:$0x1], $0x80, $0x38;
	[tilespmem:$0x180] =	vst v63  }
0x3c: {  	_ =	swait.ge [sflag:s5], $0x80  }
0x3d: {  	[sflag:s5] =	ssyncset.done $0x0  }
0x3e: {  	s8 =	rddreg [dreg:$0xb];
	[sflag:s5] =	ssyncadd.s32 $0xFFFFFF80  }
0x3f: {  	[hbm4b:s8+s3] =	stream.linear.scatter [tilespmem:s6], [sflag:$0x1], $0x80, $0x38;
	[tilespmem:$0x180] =	vst v63  }
0x40: {  	_ =	swait.ge [sflag:s5], $0x80  }
0x41: {  	[sflag:s5] =	ssyncset.done $0x0  }
0x42: {  	s9 =	rddreg [dreg:$0xc];
	[sflag:s5] =	ssyncadd.s32 $0xFFFFFF80  }
0x43: {  	[hbm4b:s9+s3] =	stream.linear.scatter [tilespmem:s6], [sflag:$0x1], $0x80, $0x38;
	[tilespmem:$0x180] =	vst v63  }
0x44: {  	_ =	swait.ge [sflag:s5], $0x80  }
0x45: {  	[sflag:s5] =	ssyncset.done $0x0  }
0x46: {  	s10 =	rddreg [dreg:$0xd];
	[sflag:s5] =	ssyncadd.s32 $0xFFFFFF80  }
0x47: {  	[hbm4b:s10+s3] =	stream.linear.scatter [tilespmem:s6], [sflag:$0x1], $0x80, $0x38;
	[tilespmem:$0x180] =	vst v63  }
0x48: {  	_ =	swait.ge [sflag:s5], $0x80  }
0x49: {  	[sflag:s5] =	ssyncset.done $0x0  }
0x4a: {  	s11 =	rddreg [dreg:$0xe];
	[sflag:s5] =	ssyncadd.s32 $0xFFFFFF80  }
0x4b: {  	[hbm4b:s11+s3] =	stream.linear.scatter [tilespmem:s6], [sflag:$0x1], $0x80, $0x38;
	[tilespmem:$0x180] =	vst v63  }
0x4c: {  	_ =	swait.ge [sflag:s5], $0x80  }
0x4d: {  	[sflag:s5] =	ssyncset.done $0x0  }
0x4e: {  	s12 =	rddreg [dreg:$0xf];
	[sflag:s5] =	ssyncadd.s32 $0xFFFFFF80  }
0x4f: {  	[hbm4b:s12+s3] =	stream.linear.scatter [tilespmem:s6], [sflag:$0x1], $0x80, $0x38;
	[tilespmem:$0x180] =	vst v63  }
0x50: {  	_ =	swait.ge [sflag:s5], $0x80  }
0x51: {  	[sflag:s5] =	ssyncset.done $0x0  }
0x52: {  	s13 =	rddreg [dreg:$0x10];
	[sflag:s5] =	ssyncadd.s32 $0xFFFFFF80  }
0x53: {  	[hbm4b:s13+s3] =	stream.linear.scatter [tilespmem:s6], [sflag:$0x1], $0x80, $0x38;
	[tilespmem:$0x180] =	vst v63  }
0x54: {  	_ =	swait.ge [sflag:s5], $0x80  }
0x55: {  	[sflag:s5] =	ssyncset.done $0x0  }
0x56: {  	s16 =	rddreg [dreg:$0x11];
	[sflag:s5] =	ssyncadd.s32 $0xFFFFFF80  }
0x57: {  	[hbm4b:s16+s3] =	stream.linear.scatter [tilespmem:s6], [sflag:$0x1], $0x80, $0x38;
	[tilespmem:$0x180] =	vst v63  }
0x58: {  	_ =	swait.ge [sflag:s5], $0x80  }
0x59: {  	[sflag:s5] =	ssyncset.done $0x0  }
0x5a: {  	s17 =	rddreg [dreg:$0x12];
	[sflag:s5] =	ssyncadd.s32 $0xFFFFFF80  }
0x5b: {  	[hbm4b:s17+s3] =	stream.linear.scatter [tilespmem:s6], [sflag:$0x1], $0x80, $0x38;
	[tilespmem:$0x180] =	vst v63  }
0x5c: {  	_ =	swait.ge [sflag:s5], $0x80  }
0x5d: {  	[sflag:s5] =	ssyncset.done $0x0  }
0x5e: {  	s18 =	rddreg [dreg:$0x13];
	[sflag:s5] =	ssyncadd.s32 $0xFFFFFF80  }
0x5f: {  	[hbm4b:s18+s3] =	stream.linear.scatter [tilespmem:s6], [sflag:$0x1], $0x80, $0x38;
	[tilespmem:$0x180] =	vst v63  }
0x60: {  	_ =	swait.ge [sflag:s5], $0x80  }
0x61: {  	[sflag:s5] =	ssyncset.done $0x0  }
0x62: {  	s19 =	rddreg [dreg:$0x14];
	[sflag:s5] =	ssyncadd.s32 $0xFFFFFF80  }
0x63: {  	[hbm4b:s19+s3] =	stream.linear.scatter [tilespmem:s6], [sflag:$0x1], $0x80, $0x38;
	[tilespmem:$0x180] =	vst v63  }
0x64: {  	_ =	swait.ge [sflag:s5], $0x80  }
0x65: {  	[sflag:s5] =	ssyncset.done $0x0  }
0x66: {  	s20 =	rddreg [dreg:$0x15];
	[sflag:s5] =	ssyncadd.s32 $0xFFFFFF80  }
0x67: {  	[hbm4b:s20+s3] =	stream.linear.scatter [tilespmem:s6], [sflag:$0x1], $0x80, $0x38;
	[tilespmem:$0x180] =	vst v63  }
0x68: {  	_ =	swait.ge [sflag:s5], $0x80  }
0x69: {  	[sflag:s5] =	ssyncset.done $0x0  }
0x6a: {  	s21 =	rddreg [dreg:$0x16];
	[sflag:s5] =	ssyncadd.s32 $0xFFFFFF80  }
0x6b: {  	[hbm4b:s21+s3] =	stream.linear.scatter [tilespmem:s6], [sflag:$0x1], $0x80, $0x38;
	[tilespmem:$0x180] =	vst v63  }
0x6c: {  	_ =	swait.ge [sflag:s5], $0x80  }
0x6d: {  	[sflag:s5] =	ssyncset.done $0x0  }
0x6e: {  	s22 =	rddreg [dreg:$0x17];
	[sflag:s5] =	ssyncadd.s32 $0xFFFFFF80  }
0x6f: {  	[hbm4b:s22+s3] =	stream.linear.scatter [tilespmem:s6], [sflag:$0x1], $0x80, $0x38;
	[tilespmem:$0x180] =	vst v63  }
0x70: {  	_ =	swait.ge [sflag:s5], $0x80  }
0x71: {  	[sflag:s5] =	ssyncset.done $0x0  }
0x72: {  	s23 =	rddreg [dreg:$0x18];
	[sflag:s5] =	ssyncadd.s32 $0xFFFFFF80  }
0x73: {  	[hbm4b:s23+s3] =	stream.linear.scatter [tilespmem:s6], [sflag:$0x1], $0x80, $0x38;
	[tilespmem:$0x180] =	vst v63  }
0x74: {  	_ =	swait.ge [sflag:s5], $0x80  }
0x75: {  	[sflag:s5] =	ssyncset.done $0x0  }
0x76: {  	s24 =	rddreg [dreg:$0x19];
	[sflag:s5] =	ssyncadd.s32 $0xFFFFFF80  }
0x77: {  	[hbm4b:s24+s3] =	stream.linear.scatter [tilespmem:s6], [sflag:$0x1], $0x80, $0x38;
	[tilespmem:$0x180] =	vst v63  }
0x78: {  	_ =	swait.ge [sflag:s5], $0x80  }
0x79: {  	[sflag:s5] =	ssyncset.done $0x0  }
0x7a: {  	s25 =	rddreg [dreg:$0x1a];
	[sflag:s5] =	ssyncadd.s32 $0xFFFFFF80  }
0x7b: {  	[hbm4b:s25+s3] =	stream.linear.scatter [tilespmem:s6], [sflag:$0x1], $0x80, $0x38;
	[tilespmem:$0x180] =	vst v63  }
0x7c: {  	_ =	swait.ge [sflag:s5], $0x80  }
0x7d: {  	[sflag:s5] =	ssyncset.done $0x0  }
0x7e: {  	s26 =	rddreg [dreg:$0x1b];
	[sflag:s5] =	ssyncadd.s32 $0xFFFFFF80  }
0x7f: {  	[hbm4b:s26+s3] =	stream.linear.scatter [tilespmem:s6], [sflag:$0x1], $0x80, $0x38;
	[tilespmem:$0x180] =	vst v63  }
0x80: {  	_ =	swait.ge [sflag:s5], $0x80  }
0x81: {  	[sflag:s5] =	ssyncset.done $0x0  }
0x82: {  	s7 =	sadd.s32 $0x190, s4;
	[sflag:s5] =	ssyncadd.s32 $0xFFFFFF80  }
0x83: {  	[hbm4b:s7+s3] =	stream.linear.scatter [tilespmem:s6], [sflag:$0x1], $0x80, $0x38;
	[tilespmem:$0x180] =	vst v63  }
0x84: {  	_ =	swait.ge [sflag:s5], $0x80  }
0x85: {  	[sflag:s5] =	ssyncset.done $0x0  }
0x86: {  	s8 =	sadd.s32 $0x1A0, s4;
	[sflag:s5] =	ssyncadd.s32 $0xFFFFFF80  }
0x87: {  	[hbm4b:s8+s3] =	stream.linear.scatter [tilespmem:s6], [sflag:$0x1], $0x80, $0x38;
	[tilespmem:$0x180] =	vst v63  }
0x88: {  	_ =	swait.ge [sflag:s5], $0x80  }
0x89: {  	[sflag:s5] =	ssyncset.done $0x0  }
0x8a: {  	s9 =	sadd.s32 $0x1B0, s4;
	[sflag:s5] =	ssyncadd.s32 $0xFFFFFF80  }
0x8b: {  	[hbm4b:s9+s3] =	stream.linear.scatter [tilespmem:s6], [sflag:$0x1], $0x80, $0x38;
	[tilespmem:$0x180] =	vst v63  }
0x8c: {  	_ =	swait.ge [sflag:s5], $0x80  }
0x8d: {  	[sflag:s5] =	ssyncset.done $0x0  }
0x8e: {  	s10 =	sadd.s32 $0x1C0, s4;
	[sflag:s5] =	ssyncadd.s32 $0xFFFFFF80  }
0x8f: {  	[hbm4b:s10+s3] =	stream.linear.scatter [tilespmem:s6], [sflag:$0x1], $0x80, $0x38;
	[tilespmem:$0x180] =	vst v63  }
0x90: {  	_ =	swait.ge [sflag:s5], $0x80  }
0x91: {  	[sflag:s5] =	ssyncset.done $0x0  }
0x92: {  	s11 =	sadd.s32 $0x1D0, s4;
	[sflag:s5] =	ssyncadd.s32 $0xFFFFFF80  }
0x93: {  	[hbm4b:s11+s3] =	stream.linear.scatter [tilespmem:s6], [sflag:$0x1], $0x80, $0x38;
	[tilespmem:$0x180] =	vst v63  }
0x94: {  	_ =	swait.ge [sflag:s5], $0x80  }
0x95: {  	[sflag:s5] =	ssyncset.done $0x0  }
0x96: {  	s12 =	sadd.s32 $0x1E0, s4;
	[sflag:s5] =	ssyncadd.s32 $0xFFFFFF80  }
0x97: {  	[hbm4b:s12+s3] =	stream.linear.scatter [tilespmem:s6], [sflag:$0x1], $0x80, $0x38;
	[tilespmem:$0x180] =	vst v63  }
0x98: {  	_ =	swait.ge [sflag:s5], $0x80  }
0x99: {  	[sflag:s5] =	ssyncset.done $0x0  }
0x9a: {  	s13 =	sadd.s32 $0x1F0, s4;
	[sflag:s5] =	ssyncadd.s32 $0xFFFFFF80  }
0x9b: {  	[hbm4b:s13+s3] =	stream.linear.scatter [tilespmem:s6], [sflag:$0x1], $0x80, $0x38;
	[tilespmem:$0x180] =	vst v63  }
0x9c: {  	_ =	swait.ge [sflag:s5], $0x80  }
0x9d: {  	s15 =	sshll.u32 s15, $0x8;
	s16 =	sshll.u32 s0, $0x7;
	[sflag:s5] =	ssyncset.done $0x0  }
0x9e: {  	s30 =	sadd.s32 $0x407000, s14;
	s31 =	sor.u32 s16, s15;
	[sflag:s5] =	ssyncadd.s32 $0xFFFFFF80  }
0x9f: {  	s14 =	sadd.s32 s30, s31;
	[bflag:$0x0] =	sbarrier.arrive $0xFFFF  }
0xa0: {  	[tilespmem:s3], [sflag:$0x1] =	stream.linear.gather [hbm4b:s14+s3], $0x80, $0x38;
	[tilespmem:$0x180] =	vst v63  }
0xa1: {  	_ =	swait.ge [sflag:s5], $0x80  }
0xa2: {  	[sflag:s5] =	ssyncset.done $0x0  }
0xa3: {  	s16 =	simm.s32 $0x80;
	s15 =	sadd.s32 s1, s31;
	[sflag:s5] =	ssyncadd.s32 $0xFFFFFF80  }
0xa4: {  	[tilespmem:s16], [sflag:$0x1] =	stream.linear.gather [hbm4b:s15+s3], $0x80, $0x38;
	[tilespmem:$0x180] =	vst v63  }
0xa5: {  	_ =	swait.ge [sflag:s5], $0x80  }
0xa6: {  	[sflag:s5] =	ssyncset.done $0x0  }
0xa7: {  	[sflag:s5] =	ssyncadd.s32 $0xFFFFFF80  }
0xa8: {  	[hbm4b:s2+s16] =	stream.indirect.scatter [tilespmem:s16], [sflag:$0x1], $0x1, s3, s16, $0xb8;
	[tilespmem:$0x180] =	vst v63  }
0xa9: {  	_ =	swait.ge [sflag:s5], $0x80  }
0xaa: {  	s18 =	sor.u32 $0x10, s31;
	[sflag:s5] =	ssyncset.done $0x0  }
0xab: {  	s17 =	sadd.s32 s30, s18;
	[sflag:s5] =	ssyncadd.s32 $0xFFFFFF80  }
0xac: {  	[tilespmem:s3], [sflag:$0x1] =	stream.linear.gather [hbm4b:s17+s3], $0x80, $0x38;
	[tilespmem:$0x180] =	vst v63  }
0xad: {  	_ =	swait.ge [sflag:s5], $0x80  }
0xae: {  	[sflag:s5] =	ssyncset.done $0x0  }
0xaf: {  	s18 =	sadd.s32 s1, s18;
	[sflag:s5] =	ssyncadd.s32 $0xFFFFFF80  }
0xb0: {  	[tilespmem:s16], [sflag:$0x1] =	stream.linear.gather [hbm4b:s18+s3], $0x80, $0x38;
	[tilespmem:$0x180] =	vst v63  }
0xb1: {  	_ =	swait.ge [sflag:s5], $0x80  }
0xb2: {  	[sflag:s5] =	ssyncset.done $0x0  }
0xb3: {  	[sflag:s5] =	ssyncadd.s32 $0xFFFFFF80  }
0xb4: {  	[hbm4b:s2+s16] =	stream.indirect.scatter [tilespmem:s16], [sflag:$0x1], $0x1, s3, s16, $0xb8;
	[tilespmem:$0x180] =	vst v63  }
0xb5: {  	_ =	swait.ge [sflag:s5], $0x80  }
0xb6: {  	s20 =	sor.u32 $0x20, s31;
	[sflag:s5] =	ssyncset.done $0x0  }
0xb7: {  	s19 =	sadd.s32 s30, s20;
	[sflag:s5] =	ssyncadd.s32 $0xFFFFFF80  }
0xb8: {  	[tilespmem:s3], [sflag:$0x1] =	stream.linear.gather [hbm4b:s19+s3], $0x80, $0x38;
	[tilespmem:$0x180] =	vst v63  }
0xb9: {  	_ =	swait.ge [sflag:s5], $0x80  }
0xba: {  	[sflag:s5] =	ssyncset.done $0x0  }
0xbb: {  	s20 =	sadd.s32 s1, s20;
	[sflag:s5] =	ssyncadd.s32 $0xFFFFFF80  }
0xbc: {  	[tilespmem:s16], [sflag:$0x1] =	stream.linear.gather [hbm4b:s20+s3], $0x80, $0x38;
	[tilespmem:$0x180] =	vst v63  }
0xbd: {  	_ =	swait.ge [sflag:s5], $0x80  }
0xbe: {  	[sflag:s5] =	ssyncset.done $0x0  }
0xbf: {  	[sflag:s5] =	ssyncadd.s32 $0xFFFFFF80  }
0xc0: {  	[hbm4b:s2+s16] =	stream.indirect.scatter [tilespmem:s16], [sflag:$0x1], $0x1, s3, s16, $0xb8;
	[tilespmem:$0x180] =	vst v63  }
0xc1: {  	_ =	swait.ge [sflag:s5], $0x80  }
0xc2: {  	s22 =	sor.u32 $0x30, s31;
	[sflag:s5] =	ssyncset.done $0x0  }
0xc3: {  	s21 =	sadd.s32 s30, s22;
	[sflag:s5] =	ssyncadd.s32 $0xFFFFFF80  }
0xc4: {  	[tilespmem:s3], [sflag:$0x1] =	stream.linear.gather [hbm4b:s21+s3], $0x80, $0x38;
	[tilespmem:$0x180] =	vst v63  }
0xc5: {  	_ =	swait.ge [sflag:s5], $0x80  }
0xc6: {  	[sflag:s5] =	ssyncset.done $0x0  }
0xc7: {  	s22 =	sadd.s32 s1, s22;
	[sflag:s5] =	ssyncadd.s32 $0xFFFFFF80  }
0xc8: {  	[tilespmem:s16], [sflag:$0x1] =	stream.linear.gather [hbm4b:s22+s3], $0x80, $0x38;
	[tilespmem:$0x180] =	vst v63  }
0xc9: {  	_ =	swait.ge [sflag:s5], $0x80  }
0xca: {  	[sflag:s5] =	ssyncset.done $0x0  }
0xcb: {  	[sflag:s5] =	ssyncadd.s32 $0xFFFFFF80  }
0xcc: {  	[hbm4b:s2+s16] =	stream.indirect.scatter [tilespmem:s16], [sflag:$0x1], $0x1, s3, s16, $0xb8;
	[tilespmem:$0x180] =	vst v63  }
0xcd: {  	_ =	swait.ge [sflag:s5], $0x80  }
0xce: {  	s24 =	sor.u32 $0x40, s31;
	[sflag:s5] =	ssyncset.done $0x0  }
0xcf: {  	s23 =	sadd.s32 s30, s24;
	[sflag:s5] =	ssyncadd.s32 $0xFFFFFF80  }
0xd0: {  	[tilespmem:s3], [sflag:$0x1] =	stream.linear.gather [hbm4b:s23+s3], $0x80, $0x38;
	[tilespmem:$0x180] =	vst v63  }
0xd1: {  	_ =	swait.ge [sflag:s5], $0x80  }
0xd2: {  	[sflag:s5] =	ssyncset.done $0x0  }
0xd3: {  	s24 =	sadd.s32 s1, s24;
	[sflag:s5] =	ssyncadd.s32 $0xFFFFFF80  }
0xd4: {  	[tilespmem:s16], [sflag:$0x1] =	stream.linear.gather [hbm4b:s24+s3], $0x80, $0x38;
	[tilespmem:$0x180] =	vst v63  }
0xd5: {  	_ =	swait.ge [sflag:s5], $0x80  }
0xd6: {  	[sflag:s5] =	ssyncset.done $0x0  }
0xd7: {  	[sflag:s5] =	ssyncadd.s32 $0xFFFFFF80  }
0xd8: {  	[hbm4b:s2+s16] =	stream.indirect.scatter [tilespmem:s16], [sflag:$0x1], $0x1, s3, s16, $0xb8;
	[tilespmem:$0x180] =	vst v63  }
0xd9: {  	_ =	swait.ge [sflag:s5], $0x80  }
0xda: {  	s26 =	sor.u32 $0x50, s31;
	[sflag:s5] =	ssyncset.done $0x0  }
0xdb: {  	s25 =	sadd.s32 s30, s26;
	[sflag:s5] =	ssyncadd.s32 $0xFFFFFF80  }
0xdc: {  	[tilespmem:s3], [sflag:$0x1] =	stream.linear.gather [hbm4b:s25+s3], $0x80, $0x38;
	[tilespmem:$0x180] =	vst v63  }
0xdd: {  	_ =	swait.ge [sflag:s5], $0x80  }
0xde: {  	[sflag:s5] =	ssyncset.done $0x0  }
0xdf: {  	s26 =	sadd.s32 s1, s26;
	[sflag:s5] =	ssyncadd.s32 $0xFFFFFF80  }
0xe0: {  	[tilespmem:s16], [sflag:$0x1] =	stream.linear.gather [hbm4b:s26+s3], $0x80, $0x38;
	[tilespmem:$0x180] =	vst v63  }
0xe1: {  	_ =	swait.ge [sflag:s5], $0x80  }
0xe2: {  	[sflag:s5] =	ssyncset.done $0x0  }
0xe3: {  	[sflag:s5] =	ssyncadd.s32 $0xFFFFFF80  }
0xe4: {  	[hbm4b:s2+s16] =	stream.indirect.scatter [tilespmem:s16], [sflag:$0x1], $0x1, s3, s16, $0xb8;
	[tilespmem:$0x180] =	vst v63  }
0xe5: {  	_ =	swait.ge [sflag:s5], $0x80  }
0xe6: {  	s29 =	sor.u32 $0x60, s31;
	[sflag:s5] =	ssyncset.done $0x0  }
0xe7: {  	s28 =	sadd.s32 s30, s29;
	[sflag:s5] =	ssyncadd.s32 $0xFFFFFF80  }
0xe8: {  	[tilespmem:s3], [sflag:$0x1] =	stream.linear.gather [hbm4b:s28+s3], $0x80, $0x38;
	[tilespmem:$0x180] =	vst v63  }
0xe9: {  	_ =	swait.ge [sflag:s5], $0x80  }
0xea: {  	[sflag:s5] =	ssyncset.done $0x0  }
0xeb: {  	s29 =	sadd.s32 s1, s29;
	[sflag:s5] =	ssyncadd.s32 $0xFFFFFF80  }
0xec: {  	[tilespmem:s16], [sflag:$0x1] =	stream.linear.gather [hbm4b:s29+s3], $0x80, $0x38;
	[tilespmem:$0x180] =	vst v63  }
0xed: {  	_ =	swait.ge [sflag:s5], $0x80  }
0xee: {  	[sflag:s5] =	ssyncset.done $0x0  }
0xef: {  	[sflag:s5] =	ssyncadd.s32 $0xFFFFFF80  }
0xf0: {  	[hbm4b:s2+s16] =	stream.indirect.scatter [tilespmem:s16], [sflag:$0x1], $0x1, s3, s16, $0xb8;
	[tilespmem:$0x180] =	vst v63  }
0xf1: {  	_ =	swait.ge [sflag:s5], $0x80  }
0xf2: {  	s31 =	sor.u32 $0x70, s31;
	[sflag:s5] =	ssyncset.done $0x0  }
0xf3: {  	s0 =	ssub.s32 $0x2, s0;
	s30 =	sadd.s32 s30, s31;
	[sflag:s5] =	ssyncadd.s32 $0xFFFFFF80  }
0xf4: {  	[tilespmem:s3], [sflag:$0x1] =	stream.linear.gather [hbm4b:s30+s3], $0x80, $0x38;
	[tilespmem:$0x180] =	vst v63  }
0xf5: {  	s31 =	sadd.s32 s1, s31;
	s1 =	sshrl.u32 s0, $0x1;
	_ =	swait.ge [sflag:s5], $0x80  }
0xf6: {  	s0 =	ssub.s32 s0, s1;
	[sflag:s5] =	ssyncset.done $0x0  }
0xf7: {  	s0 =	smax.u32 s0, $0x1;
	[sflag:s5] =	ssyncadd.s32 $0xFFFFFF80  }
0xf8: {  	[tilespmem:s16], [sflag:$0x1] =	stream.linear.gather [hbm4b:s31+s3], $0x80, $0x38;
	[tilespmem:$0x180] =	vst v63  }
0xf9: {  	p0 =	sne.s32 s0, $0x1;
	_ =	swait.ge [sflag:s5], $0x80  }
.Ltmp0:
0xfa: {  	[sflag:s5] =	ssyncset.done $0x0;
	(pc) =	sbr.rel @!p0 .LBB2_2-.Ltmp0, $4  }
0xfb: {  	[sflag:s5] =	ssyncadd.s32 $0xFFFFFF80  }
0xfc: {  	[hbm4b:s2+s16] =	stream.indirect.scatter [tilespmem:s16], [sflag:$0x1], $0x1, s3, s16, $0xb8;
	[tilespmem:$0x180] =	vst v63  }
0xfd: {  	_ =	swait.ge [sflag:s5], $0x80  }
0xfe: {  	s1 =	sadd.s32 $0xFFFFFFFF, s0;
	[sflag:s5] =	ssyncset.done $0x0  }
.LBB2_1:
0xff: {  	[sflag:s5] =	ssyncadd.s32 $0xFFFFFF80  }
0x100: {  	[tilespmem:$0x120] =	vst v0  }
0x101: {  	[tilespmem:$0x130] =	vst v0  }
0x102: {  	[tilespmem:$0x140] =	vst v0  }
0x103: {  	[tilespmem:$0x100] =	vst v0  }
0x104: {  	[tilespmem:$0x170] =	vst v0  }
0x105: {  	[tilespmem:$0x160] =	vst v0  }
0x106: {  	[tilespmem:$0x150] =	vst v0  }
0x107: {  	[tilespmem:$0x110] =	vst v0  }
0x108: {  	[hbm4b:s4+s3] =	stream.linear.scatter [tilespmem:s6], [sflag:$0x1], $0x80, $0x38;
	[tilespmem:$0x180] =	vst v63  }
0x109: {  	_ =	swait.ge [sflag:s5], $0x80  }
0x10a: {  	[sflag:s5] =	ssyncset.done $0x0  }
0x10b: {  	s0 =	rddreg [dreg:$0x4];
	[sflag:s5] =	ssyncadd.s32 $0xFFFFFF80  }
0x10c: {  	[hbm4b:s0+s3] =	stream.linear.scatter [tilespmem:s6], [sflag:$0x1], $0x80, $0x38;
	[tilespmem:$0x180] =	vst v63  }
0x10d: {  	_ =	swait.ge [sflag:s5], $0x80  }
0x10e: {  	[sflag:s5] =	ssyncset.done $0x0  }
0x10f: {  	s0 =	rddreg [dreg:$0x5];
	[sflag:s5] =	ssyncadd.s32 $0xFFFFFF80  }
0x110: {  	[hbm4b:s0+s3] =	stream.linear.scatter [tilespmem:s6], [sflag:$0x1], $0x80, $0x38;
	[tilespmem:$0x180] =	vst v63  }
0x111: {  	_ =	swait.ge [sflag:s5], $0x80  }
0x112: {  	[sflag:s5] =	ssyncset.done $0x0  }
0x113: {  	s0 =	rddreg [dreg:$0x6];
	[sflag:s5] =	ssyncadd.s32 $0xFFFFFF80  }
0x114: {  	[hbm4b:s0+s3] =	stream.linear.scatter [tilespmem:s6], [sflag:$0x1], $0x80, $0x38;
	[tilespmem:$0x180] =	vst v63  }
0x115: {  	_ =	swait.ge [sflag:s5], $0x80  }
0x116: {  	[sflag:s5] =	ssyncset.done $0x0  }
0x117: {  	s0 =	rddreg [dreg:$0x7];
	[sflag:s5] =	ssyncadd.s32 $0xFFFFFF80  }
0x118: {  	[hbm4b:s0+s3] =	stream.linear.scatter [tilespmem:s6], [sflag:$0x1], $0x80, $0x38;
	[tilespmem:$0x180] =	vst v63  }
0x119: {  	_ =	swait.ge [sflag:s5], $0x80  }
0x11a: {  	[sflag:s5] =	ssyncset.done $0x0  }
0x11b: {  	s0 =	rddreg [dreg:$0x8];
	[sflag:s5] =	ssyncadd.s32 $0xFFFFFF80  }
0x11c: {  	[hbm4b:s0+s3] =	stream.linear.scatter [tilespmem:s6], [sflag:$0x1], $0x80, $0x38;
	[tilespmem:$0x180] =	vst v63  }
0x11d: {  	_ =	swait.ge [sflag:s5], $0x80  }
0x11e: {  	[sflag:s5] =	ssyncset.done $0x0  }
0x11f: {  	s0 =	rddreg [dreg:$0x9];
	[sflag:s5] =	ssyncadd.s32 $0xFFFFFF80  }
0x120: {  	[hbm4b:s0+s3] =	stream.linear.scatter [tilespmem:s6], [sflag:$0x1], $0x80, $0x38;
	[tilespmem:$0x180] =	vst v63  }
0x121: {  	_ =	swait.ge [sflag:s5], $0x80  }
0x122: {  	[sflag:s5] =	ssyncset.done $0x0  }
0x123: {  	s0 =	rddreg [dreg:$0xa];
	[sflag:s5] =	ssyncadd.s32 $0xFFFFFF80  }
0x124: {  	[hbm4b:s0+s3] =	stream.linear.scatter [tilespmem:s6], [sflag:$0x1], $0x80, $0x38;
	[tilespmem:$0x180] =	vst v63  }
0x125: {  	_ =	swait.ge [sflag:s5], $0x80  }
0x126: {  	[sflag:s5] =	ssyncset.done $0x0  }
0x127: {  	s0 =	rddreg [dreg:$0xb];
	[sflag:s5] =	ssyncadd.s32 $0xFFFFFF80  }
0x128: {  	[hbm4b:s0+s3] =	stream.linear.scatter [tilespmem:s6], [sflag:$0x1], $0x80, $0x38;
	[tilespmem:$0x180] =	vst v63  }
0x129: {  	_ =	swait.ge [sflag:s5], $0x80  }
0x12a: {  	[sflag:s5] =	ssyncset.done $0x0  }
0x12b: {  	s0 =	rddreg [dreg:$0xc];
	[sflag:s5] =	ssyncadd.s32 $0xFFFFFF80  }
0x12c: {  	[hbm4b:s0+s3] =	stream.linear.scatter [tilespmem:s6], [sflag:$0x1], $0x80, $0x38;
	[tilespmem:$0x180] =	vst v63  }
0x12d: {  	_ =	swait.ge [sflag:s5], $0x80  }
0x12e: {  	[sflag:s5] =	ssyncset.done $0x0  }
0x12f: {  	s0 =	rddreg [dreg:$0xd];
	[sflag:s5] =	ssyncadd.s32 $0xFFFFFF80  }
0x130: {  	[hbm4b:s0+s3] =	stream.linear.scatter [tilespmem:s6], [sflag:$0x1], $0x80, $0x38;
	[tilespmem:$0x180] =	vst v63  }
0x131: {  	_ =	swait.ge [sflag:s5], $0x80  }
0x132: {  	[sflag:s5] =	ssyncset.done $0x0  }
0x133: {  	s0 =	rddreg [dreg:$0xe];
	[sflag:s5] =	ssyncadd.s32 $0xFFFFFF80  }
0x134: {  	[hbm4b:s0+s3] =	stream.linear.scatter [tilespmem:s6], [sflag:$0x1], $0x80, $0x38;
	[tilespmem:$0x180] =	vst v63  }
0x135: {  	_ =	swait.ge [sflag:s5], $0x80  }
0x136: {  	[sflag:s5] =	ssyncset.done $0x0  }
0x137: {  	s0 =	rddreg [dreg:$0xf];
	[sflag:s5] =	ssyncadd.s32 $0xFFFFFF80  }
0x138: {  	[hbm4b:s0+s3] =	stream.linear.scatter [tilespmem:s6], [sflag:$0x1], $0x80, $0x38;
	[tilespmem:$0x180] =	vst v63  }
0x139: {  	_ =	swait.ge [sflag:s5], $0x80  }
0x13a: {  	[sflag:s5] =	ssyncset.done $0x0  }
0x13b: {  	s0 =	rddreg [dreg:$0x10];
	[sflag:s5] =	ssyncadd.s32 $0xFFFFFF80  }
0x13c: {  	[hbm4b:s0+s3] =	stream.linear.scatter [tilespmem:s6], [sflag:$0x1], $0x80, $0x38;
	[tilespmem:$0x180] =	vst v63  }
0x13d: {  	_ =	swait.ge [sflag:s5], $0x80  }
0x13e: {  	[sflag:s5] =	ssyncset.done $0x0  }
0x13f: {  	s0 =	rddreg [dreg:$0x11];
	[sflag:s5] =	ssyncadd.s32 $0xFFFFFF80  }
0x140: {  	[hbm4b:s0+s3] =	stream.linear.scatter [tilespmem:s6], [sflag:$0x1], $0x80, $0x38;
	[tilespmem:$0x180] =	vst v63  }
0x141: {  	_ =	swait.ge [sflag:s5], $0x80  }
0x142: {  	[sflag:s5] =	ssyncset.done $0x0  }
0x143: {  	s0 =	rddreg [dreg:$0x12];
	[sflag:s5] =	ssyncadd.s32 $0xFFFFFF80  }
0x144: {  	[hbm4b:s0+s3] =	stream.linear.scatter [tilespmem:s6], [sflag:$0x1], $0x80, $0x38;
	[tilespmem:$0x180] =	vst v63  }
0x145: {  	_ =	swait.ge [sflag:s5], $0x80  }
0x146: {  	[sflag:s5] =	ssyncset.done $0x0  }
0x147: {  	s0 =	rddreg [dreg:$0x13];
	[sflag:s5] =	ssyncadd.s32 $0xFFFFFF80  }
0x148: {  	[hbm4b:s0+s3] =	stream.linear.scatter [tilespmem:s6], [sflag:$0x1], $0x80, $0x38;
	[tilespmem:$0x180] =	vst v63  }
0x149: {  	_ =	swait.ge [sflag:s5], $0x80  }
0x14a: {  	[sflag:s5] =	ssyncset.done $0x0  }
0x14b: {  	s0 =	rddreg [dreg:$0x14];
	[sflag:s5] =	ssyncadd.s32 $0xFFFFFF80  }
0x14c: {  	[hbm4b:s0+s3] =	stream.linear.scatter [tilespmem:s6], [sflag:$0x1], $0x80, $0x38;
	[tilespmem:$0x180] =	vst v63  }
0x14d: {  	_ =	swait.ge [sflag:s5], $0x80  }
0x14e: {  	[sflag:s5] =	ssyncset.done $0x0  }
0x14f: {  	s0 =	rddreg [dreg:$0x15];
	[sflag:s5] =	ssyncadd.s32 $0xFFFFFF80  }
0x150: {  	[hbm4b:s0+s3] =	stream.linear.scatter [tilespmem:s6], [sflag:$0x1], $0x80, $0x38;
	[tilespmem:$0x180] =	vst v63  }
0x151: {  	_ =	swait.ge [sflag:s5], $0x80  }
0x152: {  	[sflag:s5] =	ssyncset.done $0x0  }
0x153: {  	s0 =	rddreg [dreg:$0x16];
	[sflag:s5] =	ssyncadd.s32 $0xFFFFFF80  }
0x154: {  	[hbm4b:s0+s3] =	stream.linear.scatter [tilespmem:s6], [sflag:$0x1], $0x80, $0x38;
	[tilespmem:$0x180] =	vst v63  }
0x155: {  	_ =	swait.ge [sflag:s5], $0x80  }
0x156: {  	[sflag:s5] =	ssyncset.done $0x0  }
0x157: {  	s0 =	rddreg [dreg:$0x17];
	[sflag:s5] =	ssyncadd.s32 $0xFFFFFF80  }
0x158: {  	[hbm4b:s0+s3] =	stream.linear.scatter [tilespmem:s6], [sflag:$0x1], $0x80, $0x38;
	[tilespmem:$0x180] =	vst v63  }
0x159: {  	_ =	swait.ge [sflag:s5], $0x80  }
0x15a: {  	[sflag:s5] =	ssyncset.done $0x0  }
0x15b: {  	s0 =	rddreg [dreg:$0x18];
	[sflag:s5] =	ssyncadd.s32 $0xFFFFFF80  }
0x15c: {  	[hbm4b:s0+s3] =	stream.linear.scatter [tilespmem:s6], [sflag:$0x1], $0x80, $0x38;
	[tilespmem:$0x180] =	vst v63  }
0x15d: {  	_ =	swait.ge [sflag:s5], $0x80  }
0x15e: {  	[sflag:s5] =	ssyncset.done $0x0  }
0x15f: {  	s0 =	rddreg [dreg:$0x19];
	[sflag:s5] =	ssyncadd.s32 $0xFFFFFF80  }
0x160: {  	[hbm4b:s0+s3] =	stream.linear.scatter [tilespmem:s6], [sflag:$0x1], $0x80, $0x38;
	[tilespmem:$0x180] =	vst v63  }
0x161: {  	_ =	swait.ge [sflag:s5], $0x80  }
0x162: {  	[sflag:s5] =	ssyncset.done $0x0  }
0x163: {  	s0 =	rddreg [dreg:$0x1a];
	[sflag:s5] =	ssyncadd.s32 $0xFFFFFF80  }
0x164: {  	[hbm4b:s0+s3] =	stream.linear.scatter [tilespmem:s6], [sflag:$0x1], $0x80, $0x38;
	[tilespmem:$0x180] =	vst v63  }
0x165: {  	_ =	swait.ge [sflag:s5], $0x80  }
0x166: {  	[sflag:s5] =	ssyncset.done $0x0  }
0x167: {  	s0 =	rddreg [dreg:$0x1b];
	[sflag:s5] =	ssyncadd.s32 $0xFFFFFF80  }
0x168: {  	[hbm4b:s0+s3] =	stream.linear.scatter [tilespmem:s6], [sflag:$0x1], $0x80, $0x38;
	[tilespmem:$0x180] =	vst v63  }
0x169: {  	_ =	swait.ge [sflag:s5], $0x80  }
0x16a: {  	[sflag:s5] =	ssyncset.done $0x0  }
0x16b: {  	[sflag:s5] =	ssyncadd.s32 $0xFFFFFF80  }
0x16c: {  	[hbm4b:s7+s3] =	stream.linear.scatter [tilespmem:s6], [sflag:$0x1], $0x80, $0x38;
	[tilespmem:$0x180] =	vst v63  }
0x16d: {  	_ =	swait.ge [sflag:s5], $0x80  }
0x16e: {  	[sflag:s5] =	ssyncset.done $0x0  }
0x16f: {  	[sflag:s5] =	ssyncadd.s32 $0xFFFFFF80  }
0x170: {  	[hbm4b:s8+s3] =	stream.linear.scatter [tilespmem:s6], [sflag:$0x1], $0x80, $0x38;
	[tilespmem:$0x180] =	vst v63  }
0x171: {  	_ =	swait.ge [sflag:s5], $0x80  }
0x172: {  	[sflag:s5] =	ssyncset.done $0x0  }
0x173: {  	[sflag:s5] =	ssyncadd.s32 $0xFFFFFF80  }
0x174: {  	[hbm4b:s9+s3] =	stream.linear.scatter [tilespmem:s6], [sflag:$0x1], $0x80, $0x38;
	[tilespmem:$0x180] =	vst v63  }
0x175: {  	_ =	swait.ge [sflag:s5], $0x80  }
0x176: {  	[sflag:s5] =	ssyncset.done $0x0  }
0x177: {  	[sflag:s5] =	ssyncadd.s32 $0xFFFFFF80  }
0x178: {  	[hbm4b:s10+s3] =	stream.linear.scatter [tilespmem:s6], [sflag:$0x1], $0x80, $0x38;
	[tilespmem:$0x180] =	vst v63  }
0x179: {  	_ =	swait.ge [sflag:s5], $0x80  }
0x17a: {  	[sflag:s5] =	ssyncset.done $0x0  }
0x17b: {  	[sflag:s5] =	ssyncadd.s32 $0xFFFFFF80  }
0x17c: {  	[hbm4b:s11+s3] =	stream.linear.scatter [tilespmem:s6], [sflag:$0x1], $0x80, $0x38;
	[tilespmem:$0x180] =	vst v63  }
0x17d: {  	_ =	swait.ge [sflag:s5], $0x80  }
0x17e: {  	[sflag:s5] =	ssyncset.done $0x0  }
0x17f: {  	[sflag:s5] =	ssyncadd.s32 $0xFFFFFF80  }
0x180: {  	[hbm4b:s12+s3] =	stream.linear.scatter [tilespmem:s6], [sflag:$0x1], $0x80, $0x38;
	[tilespmem:$0x180] =	vst v63  }
0x181: {  	_ =	swait.ge [sflag:s5], $0x80  }
0x182: {  	[sflag:s5] =	ssyncset.done $0x0  }
0x183: {  	[sflag:s5] =	ssyncadd.s32 $0xFFFFFF80  }
0x184: {  	[hbm4b:s13+s3] =	stream.linear.scatter [tilespmem:s6], [sflag:$0x1], $0x80, $0x38;
	[tilespmem:$0x180] =	vst v63  }
0x185: {  	_ =	swait.ge [sflag:s5], $0x80  }
0x186: {  	[sflag:s5] =	ssyncset.done $0x0  }
0x187: {  	[sflag:s5] =	ssyncadd.s32 $0xFFFFFF80  }
0x188: {  	[bflag:$0x0] =	sbarrier.arrive $0xFFFF  }
0x189: {  	[tilespmem:s3], [sflag:$0x1] =	stream.linear.gather [hbm4b:s14+s3], $0x80, $0x38;
	[tilespmem:$0x180] =	vst v63  }
0x18a: {  	_ =	swait.ge [sflag:s5], $0x80  }
0x18b: {  	[sflag:s5] =	ssyncset.done $0x0  }
0x18c: {  	[sflag:s5] =	ssyncadd.s32 $0xFFFFFF80  }
0x18d: {  	[tilespmem:s16], [sflag:$0x1] =	stream.linear.gather [hbm4b:s15+s3], $0x80, $0x38;
	[tilespmem:$0x180] =	vst v63  }
0x18e: {  	_ =	swait.ge [sflag:s5], $0x80  }
0x18f: {  	[sflag:s5] =	ssyncset.done $0x0  }
0x190: {  	[sflag:s5] =	ssyncadd.s32 $0xFFFFFF80  }
0x191: {  	[hbm4b:s2+s16] =	stream.indirect.scatter [tilespmem:s16], [sflag:$0x1], $0x1, s3, s16, $0xb8;
	[tilespmem:$0x180] =	vst v63  }
0x192: {  	_ =	swait.ge [sflag:s5], $0x80  }
0x193: {  	[sflag:s5] =	ssyncset.done $0x0  }
0x194: {  	[sflag:s5] =	ssyncadd.s32 $0xFFFFFF80  }
0x195: {  	[tilespmem:s3], [sflag:$0x1] =	stream.linear.gather [hbm4b:s17+s3], $0x80, $0x38;
	[tilespmem:$0x180] =	vst v63  }
0x196: {  	_ =	swait.ge [sflag:s5], $0x80  }
0x197: {  	[sflag:s5] =	ssyncset.done $0x0  }
0x198: {  	[sflag:s5] =	ssyncadd.s32 $0xFFFFFF80  }
0x199: {  	[tilespmem:s16], [sflag:$0x1] =	stream.linear.gather [hbm4b:s18+s3], $0x80, $0x38;
	[tilespmem:$0x180] =	vst v63  }
0x19a: {  	_ =	swait.ge [sflag:s5], $0x80  }
0x19b: {  	[sflag:s5] =	ssyncset.done $0x0  }
0x19c: {  	[sflag:s5] =	ssyncadd.s32 $0xFFFFFF80  }
0x19d: {  	[hbm4b:s2+s16] =	stream.indirect.scatter [tilespmem:s16], [sflag:$0x1], $0x1, s3, s16, $0xb8;
	[tilespmem:$0x180] =	vst v63  }
0x19e: {  	_ =	swait.ge [sflag:s5], $0x80  }
0x19f: {  	[sflag:s5] =	ssyncset.done $0x0  }
0x1a0: {  	[sflag:s5] =	ssyncadd.s32 $0xFFFFFF80  }
0x1a1: {  	[tilespmem:s3], [sflag:$0x1] =	stream.linear.gather [hbm4b:s19+s3], $0x80, $0x38;
	[tilespmem:$0x180] =	vst v63  }
0x1a2: {  	_ =	swait.ge [sflag:s5], $0x80  }
0x1a3: {  	[sflag:s5] =	ssyncset.done $0x0  }
0x1a4: {  	[sflag:s5] =	ssyncadd.s32 $0xFFFFFF80  }
0x1a5: {  	[tilespmem:s16], [sflag:$0x1] =	stream.linear.gather [hbm4b:s20+s3], $0x80, $0x38;
	[tilespmem:$0x180] =	vst v63  }
0x1a6: {  	_ =	swait.ge [sflag:s5], $0x80  }
0x1a7: {  	[sflag:s5] =	ssyncset.done $0x0  }
0x1a8: {  	[sflag:s5] =	ssyncadd.s32 $0xFFFFFF80  }
0x1a9: {  	[hbm4b:s2+s16] =	stream.indirect.scatter [tilespmem:s16], [sflag:$0x1], $0x1, s3, s16, $0xb8;
	[tilespmem:$0x180] =	vst v63  }
0x1aa: {  	_ =	swait.ge [sflag:s5], $0x80  }
0x1ab: {  	[sflag:s5] =	ssyncset.done $0x0  }
0x1ac: {  	[sflag:s5] =	ssyncadd.s32 $0xFFFFFF80  }
0x1ad: {  	[tilespmem:s3], [sflag:$0x1] =	stream.linear.gather [hbm4b:s21+s3], $0x80, $0x38;
	[tilespmem:$0x180] =	vst v63  }
0x1ae: {  	_ =	swait.ge [sflag:s5], $0x80  }
0x1af: {  	[sflag:s5] =	ssyncset.done $0x0  }
0x1b0: {  	[sflag:s5] =	ssyncadd.s32 $0xFFFFFF80  }
0x1b1: {  	[tilespmem:s16], [sflag:$0x1] =	stream.linear.gather [hbm4b:s22+s3], $0x80, $0x38;
	[tilespmem:$0x180] =	vst v63  }
0x1b2: {  	_ =	swait.ge [sflag:s5], $0x80  }
0x1b3: {  	[sflag:s5] =	ssyncset.done $0x0  }
0x1b4: {  	[sflag:s5] =	ssyncadd.s32 $0xFFFFFF80  }
0x1b5: {  	[hbm4b:s2+s16] =	stream.indirect.scatter [tilespmem:s16], [sflag:$0x1], $0x1, s3, s16, $0xb8;
	[tilespmem:$0x180] =	vst v63  }
0x1b6: {  	_ =	swait.ge [sflag:s5], $0x80  }
0x1b7: {  	[sflag:s5] =	ssyncset.done $0x0  }
0x1b8: {  	[sflag:s5] =	ssyncadd.s32 $0xFFFFFF80  }
0x1b9: {  	[tilespmem:s3], [sflag:$0x1] =	stream.linear.gather [hbm4b:s23+s3], $0x80, $0x38;
	[tilespmem:$0x180] =	vst v63  }
0x1ba: {  	_ =	swait.ge [sflag:s5], $0x80  }
0x1bb: {  	[sflag:s5] =	ssyncset.done $0x0  }
0x1bc: {  	[sflag:s5] =	ssyncadd.s32 $0xFFFFFF80  }
0x1bd: {  	[tilespmem:s16], [sflag:$0x1] =	stream.linear.gather [hbm4b:s24+s3], $0x80, $0x38;
	[tilespmem:$0x180] =	vst v63  }
0x1be: {  	_ =	swait.ge [sflag:s5], $0x80  }
0x1bf: {  	[sflag:s5] =	ssyncset.done $0x0  }
0x1c0: {  	[sflag:s5] =	ssyncadd.s32 $0xFFFFFF80  }
0x1c1: {  	[hbm4b:s2+s16] =	stream.indirect.scatter [tilespmem:s16], [sflag:$0x1], $0x1, s3, s16, $0xb8;
	[tilespmem:$0x180] =	vst v63  }
0x1c2: {  	_ =	swait.ge [sflag:s5], $0x80  }
0x1c3: {  	[sflag:s5] =	ssyncset.done $0x0  }
0x1c4: {  	[sflag:s5] =	ssyncadd.s32 $0xFFFFFF80  }
0x1c5: {  	[tilespmem:s3], [sflag:$0x1] =	stream.linear.gather [hbm4b:s25+s3], $0x80, $0x38;
	[tilespmem:$0x180] =	vst v63  }
0x1c6: {  	_ =	swait.ge [sflag:s5], $0x80  }
0x1c7: {  	[sflag:s5] =	ssyncset.done $0x0  }
0x1c8: {  	[sflag:s5] =	ssyncadd.s32 $0xFFFFFF80  }
0x1c9: {  	[tilespmem:s16], [sflag:$0x1] =	stream.linear.gather [hbm4b:s26+s3], $0x80, $0x38;
	[tilespmem:$0x180] =	vst v63  }
0x1ca: {  	_ =	swait.ge [sflag:s5], $0x80  }
0x1cb: {  	[sflag:s5] =	ssyncset.done $0x0  }
0x1cc: {  	[sflag:s5] =	ssyncadd.s32 $0xFFFFFF80  }
0x1cd: {  	[hbm4b:s2+s16] =	stream.indirect.scatter [tilespmem:s16], [sflag:$0x1], $0x1, s3, s16, $0xb8;
	[tilespmem:$0x180] =	vst v63  }
0x1ce: {  	_ =	swait.ge [sflag:s5], $0x80  }
0x1cf: {  	[sflag:s5] =	ssyncset.done $0x0  }
0x1d0: {  	[sflag:s5] =	ssyncadd.s32 $0xFFFFFF80  }
0x1d1: {  	[tilespmem:s3], [sflag:$0x1] =	stream.linear.gather [hbm4b:s28+s3], $0x80, $0x38;
	[tilespmem:$0x180] =	vst v63  }
0x1d2: {  	_ =	swait.ge [sflag:s5], $0x80  }
0x1d3: {  	[sflag:s5] =	ssyncset.done $0x0  }
0x1d4: {  	[sflag:s5] =	ssyncadd.s32 $0xFFFFFF80  }
0x1d5: {  	[tilespmem:s16], [sflag:$0x1] =	stream.linear.gather [hbm4b:s29+s3], $0x80, $0x38;
	[tilespmem:$0x180] =	vst v63  }
0x1d6: {  	_ =	swait.ge [sflag:s5], $0x80  }
0x1d7: {  	[sflag:s5] =	ssyncset.done $0x0  }
0x1d8: {  	[sflag:s5] =	ssyncadd.s32 $0xFFFFFF80  }
0x1d9: {  	[hbm4b:s2+s16] =	stream.indirect.scatter [tilespmem:s16], [sflag:$0x1], $0x1, s3, s16, $0xb8;
	[tilespmem:$0x180] =	vst v63  }
0x1da: {  	_ =	swait.ge [sflag:s5], $0x80  }
0x1db: {  	[sflag:s5] =	ssyncset.done $0x0  }
0x1dc: {  	[sflag:s5] =	ssyncadd.s32 $0xFFFFFF80  }
0x1dd: {  	[tilespmem:s3], [sflag:$0x1] =	stream.linear.gather [hbm4b:s30+s3], $0x80, $0x38;
	[tilespmem:$0x180] =	vst v63  }
0x1de: {  	_ =	swait.ge [sflag:s5], $0x80  }
0x1df: {  	[sflag:s5] =	ssyncset.done $0x0  }
0x1e0: {  	[sflag:s5] =	ssyncadd.s32 $0xFFFFFF80  }
0x1e1: {  	[tilespmem:s16], [sflag:$0x1] =	stream.linear.gather [hbm4b:s31+s3], $0x80, $0x38;
	[tilespmem:$0x180] =	vst v63  }
0x1e2: {  	p0 =	sne.s32 s1, $0x1;
	_ =	swait.ge [sflag:s5], $0x80  }
.Ltmp1:
0x1e3: {  	[sflag:s5] =	ssyncset.done $0x0;
	(pc) =	sbr.rel @p0 .LBB2_1-.Ltmp1, $4  }
0x1e4: {  	[sflag:s5] =	ssyncadd.s32 $0xFFFFFF80  }
0x1e5: {  	[hbm4b:s2+s16] =	stream.indirect.scatter [tilespmem:s16], [sflag:$0x1], $0x1, s3, s16, $0xb8;
	[tilespmem:$0x180] =	vst v63  }
0x1e6: {  	_ =	swait.ge [sflag:s5], $0x80  }
0x1e7: {  	s1 =	sadd.s32 $0xFFFFFFFF, s1;
	[sflag:s5] =	ssyncset.done $0x0  }
.LBB2_2:
0x1e8: {  	[sflag:s5] =	ssyncadd.s32 $0xFFFFFF80  }
0x1e9: {  	_ =	sfence.sel $0x180000  }
0x1ea: {  	[bflag:$0x0] =	sbarrier.arrive $0xFFFF  }
0x1eb: {  	_ =	strace $0x9000004A  }
0x1ec: {  	s0 =	stileid.u32;
	[bflag:$0x2] =	sbarrier.arrive $0xFFFF  }
0x1ed: {  	p0 =	sne.s32 s0, $0x0;
	s0 =	rddreg [dreg:$0x3]  }
0x1ee: {  	s0 =	sadd.s32 @!p0 $0x100000, s0  }
0x1ef: {  	[sflag:s0] =	ssyncadd.tile.s32 @!p0 $0x1;
	_ =	shalt  }
.Lfunc_end2:
_tile_overlayer_lowered:
.L_overlay_start_2:
0x1f0: {  	(tag) =	ssettag $0x2  }
0x1f1: {  	s0 =	rddreg [dreg:$0x0];
	s2 =	stileid.u32  }
0x1f2: {  	s1 =	rddreg [dreg:$0x1];
	p0 =	sne.s32 s2, $0x0  }
0x1f3: {  	s3 =	rddreg [dreg:$0x2];
	[bflag:$0x3] =	sbarrier.arrive $0xFFFF;
	s2 =	simm.s32 @!p0 $0x1C01  }
0x1f4: {  	[timem:s3], [sflag:s2] =	dma.local @!p0 [hbm:s0], s1  }
0x1f5: {  	s0 =	simm.s32 @!p0 $0x1  }
0x1f6: {  	_ =	swait.ge @!p0 [sflag:s0], s1  }
0x1f7: {  	s1 =	ssub.s32 @!p0 $0x0, s1;
	[sflag:s0] =	ssyncset.done @!p0 $0x0  }
0x1f8: {  	[sflag:s0] =	ssyncadd.s32 @!p0 s1  }
0x1f9: {  	[bflag:$0x3] =	sbarrier.arrive $0xFFFF  }
0x1fa: {  	_ =	shalt  }

// kernel: kernel.16.cloned.1.call-start
scs
__scs_entry_jumppad:
0x0: {  	(pc) =	sbr.rel $0x88, $3  }
0x1: {  	(tag) =	ssettag $0x0;
	lr =	simm.s32 $0x1  }
0x2: {  	[smem:$0x3F7E] =	sst lr;
	_ =	strace $0xD0000000  }
0x3: {  	_ = 	snop  }
0x4: {  	_ = 	snop  }
0x5: {  	_ = 	snop  }
0x6: {  	_ = 	snop  }
0x7: {  	_ = 	snop  }
__scs_overlays_trampoline_lowered:
0x8: {  	[smem:$0x3F8D] =	sst s0  }
0x9: {  	[smem:$0x3F8E] =	sst s1  }
0xa: {  	[smem:$0x3F8F] =	sst s2  }
0xb: {  	[smem:$0x3F90] =	sst s3  }
0xc: {  	[smem:$0x3F91] =	sst s4  }
0xd: {  	[smem:$0x3F92] =	sst s5  }
0xe: {  	[smem:$0x3F93] =	sst s6  }
0xf: {  	[smem:$0x3F94] =	sst s7  }
0x10: {  	[smem:$0x3F95] =	sst s8  }
0x11: {  	[smem:$0x3F96] =	sst s9;
	s0 =	simm.s32 @!p0 $0x0  }
0x12: {  	s1 =	sld [smem:$0x3F7C];
	s0 =	simm.s32 @p0 $0x1  }
0x13: {  	[smem:$0x3F97] =	sst s0;
	s0 =	simm.s32 @!p1 $0x0  }
0x14: {  	s2 =	sld [smem:$0x3F7B];
	s0 =	simm.s32 @p1 $0x1  }
0x15: {  	[smem:$0x3F98] =	sst s0;
	s0 =	simm.s32 @!p2 $0x0  }
0x16: {  	s3 =	sld [smem:$0x3FDB];
	s0 =	simm.s32 @p2 $0x1  }
0x17: {  	s4 =	simm.s32 $0x1BF5;
	[smem:$0x3F9A] =	sst s0  }
0x18: {  	s0 =	sld [smem:$0x3F7D];
	_ =	swait.ge [sflag:s4], $0x0  }
0x19: {  	s7 =	sld [smem:$0x3F7E]  }
0x1a: {  	s8 =	sadd.s32 $0xFFFFE003, lr  }
0x1b: {  	s9 =	sadd.s32 $0xFFFFFEF7, lr;
	s5 =	simm.s32 $0xFFFFFFFF;
	p2 =	slt.u32 s8, $0xFFFFF086  }
0x1c: {  	p1 =	slt.u32 s9, $0xF7A;
	s5 =	simm.s32 @!p2 $0x0  }
0x1d: {  	s5 =	simm.s32 @p1 $0x1;
	p0 =	seq.s32 s7, s2  }
0x1e: {  	s7 =	smul.u32 @!p0 $0xF7A, s2;
	p2 =	seq.s32 @!p0 s5, $0x0  }
0x1f: {  	s9 =	smul.u32 $0xF7A, s1;
	s8 =	simm.s32 @!p0 $0x1BF5;
	p2 =	por !p2, p0  }
0x20: {  	[sflag:s8] =	ssyncset.s32 @!p0 $0xFFFFF086;
	s6 =	sadd.s32 @!p0 s3, s7;
	s7 =	simm.s32 @!p0 $0x108  }
0x21: {  	s3 =	sadd.s32 s3, s9;
	s6 =	sadd.s32 @!p0 $0x88, s6;
	s7 =	simm.s32 @p2 $0x1082  }
0x22: {  	[simem:s7], [sflag:s8] =	dma.local @!p0 [hbm:s6], $0xF7A  }
0x23: {  	s9 =	sor.u32 $0xD0000000, s2;
	s6 =	simm.s32 $0x108;
	_ =	swait.ge @!p0 [sflag:s8], $0x0  }
0x24: {  	s3 =	sadd.s32 $0x88, s3;
	s6 =	simm.s32 @!p1 $0x1082;
	[sflag:s4] =	ssyncset.s32 $0xFFFFF086  }
0x25: {  	[simem:s6], [sflag:s4] =	dma.local [hbm:s3], $0xF7A  }
0x26: {  	[smem:$0x3F7E] =	sst s1;
	(tag) =	ssettag s2;
	_ =	strace s9  }
0x27: {  	s1 =	sld [smem:$0x3F8E]  }
0x28: {  	s2 =	sld [smem:$0x3F8F]  }
0x29: {  	s4 =	sld [smem:$0x3F91]  }
0x2a: {  	p0 =	seq.s32 s5, $0x0;
	s5 =	sld [smem:$0x3F92]  }
0x2b: {  	s6 =	sld [smem:$0x3F93]  }
0x2c: {  	s7 =	sld [smem:$0x3F94]  }
0x2d: {  	s3 =	simm.s32 $0x108;
	s8 =	sld [smem:$0x3F95]  }
0x2e: {  	s3 =	simm.s32 @!p0 $0x1082;
	s9 =	sld [smem:$0x3F96]  }
0x2f: {  	lr =	sadd.s32 s0, s3;
	s0 =	sld [smem:$0x3F8D]  }
0x30: {  	s3 =	sld [smem:$0x3F90]  }
0x31: {  	[smem:$0x3F99] =	sst s10  }
0x32: {  	s10 =	sld [smem:$0x3F97];
	_ =	sdelay $0x3  }
0x33: {  	p0 =	seq.s32 s10, $0x1;
	s10 =	sld [smem:$0x3F99];
	_ =	sdelay $0x3  }
0x34: {  	[smem:$0x3F99] =	sst s10  }
0x35: {  	s10 =	sld [smem:$0x3F98];
	_ =	sdelay $0x3  }
0x36: {  	p1 =	seq.s32 s10, $0x1;
	s10 =	sld [smem:$0x3F99];
	_ =	sdelay $0x3  }
0x37: {  	[smem:$0x3F99] =	sst s10  }
0x38: {  	s10 =	sld [smem:$0x3F9A]  }
0x39: {  	_ = 	snop;
	(pc) =	sbr.ind lr, $3  }
0x3a: {  	_ = 	snop  }
0x3b: {  	_ = 	snop  }
0x3c: {  	p2 =	seq.s32 s10, $0x1;
	s10 =	sld [smem:$0x3F99]  }
0x3d: {  	_ =	shalt  }
0x3e: {  	_ =	shalt  }
0x3f: {  	_ =	shalt  }
0x40: {  	_ =	shalt  }
0x41: {  	_ =	shalt  }
0x42: {  	_ =	shalt  }
0x43: {  	_ =	shalt  }
0x44: {  	_ =	shalt  }
0x45: {  	_ =	shalt  }
0x46: {  	_ =	shalt  }
0x47: {  	_ =	shalt  }
0x48: {  	_ =	shalt  }
0x49: {  	_ =	shalt  }
0x4a: {  	_ =	shalt  }
0x4b: {  	_ =	shalt  }
0x4c: {  	_ =	shalt  }
0x4d: {  	_ =	shalt  }
0x4e: {  	_ =	shalt  }
0x4f: {  	_ =	shalt  }
0x50: {  	_ =	shalt  }
0x51: {  	_ =	shalt  }
0x52: {  	_ =	shalt  }
0x53: {  	_ =	shalt  }
0x54: {  	_ =	shalt  }
0x55: {  	_ =	shalt  }
0x56: {  	_ =	shalt  }
0x57: {  	_ =	shalt  }
0x58: {  	_ =	shalt  }
0x59: {  	_ =	shalt  }
0x5a: {  	_ =	shalt  }
0x5b: {  	_ =	shalt  }
0x5c: {  	_ =	shalt  }
0x5d: {  	_ =	shalt  }
0x5e: {  	_ =	shalt  }
0x5f: {  	_ =	shalt  }
0x60: {  	_ =	shalt  }
0x61: {  	_ =	shalt  }
0x62: {  	_ =	shalt  }
0x63: {  	_ =	shalt  }
0x64: {  	_ =	shalt  }
0x65: {  	_ =	shalt  }
0x66: {  	_ =	shalt  }
0x67: {  	_ =	shalt  }
0x68: {  	_ =	shalt  }
0x69: {  	_ =	shalt  }
0x6a: {  	_ =	shalt  }
0x6b: {  	_ =	shalt  }
0x6c: {  	_ =	shalt  }
0x6d: {  	_ =	shalt  }
0x6e: {  	_ =	shalt  }
0x6f: {  	_ =	shalt  }
0x70: {  	_ =	shalt  }
0x71: {  	_ =	shalt  }
0x72: {  	_ =	shalt  }
0x73: {  	_ =	shalt  }
0x74: {  	_ =	shalt  }
0x75: {  	_ =	shalt  }
0x76: {  	_ =	shalt  }
0x77: {  	_ =	shalt  }
0x78: {  	_ =	shalt  }
0x79: {  	_ =	shalt  }
0x7a: {  	_ =	shalt  }
0x7b: {  	_ =	shalt  }
0x7c: {  	_ =	shalt  }
0x7d: {  	_ =	shalt  }
0x7e: {  	_ =	shalt  }
0x7f: {  	_ =	shalt  }
0x80: {  	_ =	shalt  }
0x81: {  	_ =	shalt  }
0x82: {  	_ =	shalt  }
0x83: {  	_ =	shalt  }
0x84: {  	_ =	shalt  }
0x85: {  	_ =	shalt  }
0x86: {  	_ =	shalt  }
0x87: {  	_ =	shalt  }
.Lfunc_end0:
.L_simem_size_0:
called_computation.2_lowered:
.L_overlay_start_0:
0x88: {  	s2 =	sld [smem:$0x3FD9]  }
0x89: {  	s3 =	sld [smem:$0x3FFE];
	_ =	sdelay $0x1  }
0x8a: {  	s1 =	srdreg.scid  }
0x8b: {  	s0 =	sand.u32 $0x1, s1  }
0x8c: {  	s14 =	sshll.u32 s0, $0xA;
	s2 =	sadd.s32 s3, s2  }
0x8d: {  	s2 =	sadd.s32 s2, s14  }
0x8e: {  	[smem:$0x3FA5] =	sst s2  }
0x8f: {  	_ = 	snop  }
0x90: {  	s2 =	sld [smem:$0x3FD0];
	_ =	sdelay $0x2  }
0x91: {  	s15 =	simm.s32 $0xA;
	s4 =	simm.s32 $0x10  }
0x92: {  	[smem:s4], [sflag:s15] =	dma.local [hbm:s2], $0x1  }
0x93: {  	_ =	swait.eq [sflag:s15], $0x1  }
0x94: {  	[sflag:s15] =	ssyncset.done $0x0  }
0x95: {  	s16 =	sld [smem:$0x13];
	[sflag:s15] =	ssyncadd.s32 $0xFFFFFFFF  }
0x96: {  	s17 =	sld [smem:$0x14];
	(tm) =	ssettm $0x1  }
0x97: {  	s18 =	sld [smem:$0x3FFB];
	_ =	sdelay $0x3  }
0x98: {  	_ =	strace s18  }
0x99: {  	s4 =	sld [smem:$0x3FFC];
	_ =	sdelay $0x3  }
0x9a: {  	_ =	strace s4  }
0x9b: {  	s4 =	sld [smem:$0x3FFD];
	_ =	sdelay $0x3  }
0x9c: {  	_ =	strace s4  }
0x9d: {  	_ =	strace $0x8FFFFFFF  }
0x9e: {  	s19 =	sld [smem:$0x3FDB];
	_ =	sdelay $0x1  }
0x9f: {  	s5 =	simm.s32 $_scs_section_size  }
0xa0: {  	s6 =	simm.s32 $_size__tile_overlayer_lowered;
	s7 =	simm.s32 $_tile_overlayer_lowered  }
0xa1: {  	s22 =	simm.s32 $0x1BFF;
	s21 =	sshll.u32 s7, $0x1;
	s4 =	sadd.s32 s5, s19  }
0xa2: {  	s8 =	simm.s32 $0x0;
	s20 =	sshll.u32 s6, $0x1;
	s6 =	sadd.s32 s21, s4  }
0xa3: {  	[timem:s8], [sflag:s22] =	dma.local [hbm:s6], s20  }
0xa4: {  	_ =	swait.ge [sflag:s22], s20  }
0xa5: {  	s5 =	ssub.s32 $0x0, s20;
	[sflag:s22] =	ssyncset.done $0x0  }
0xa6: {  	[sflag:s22] =	ssyncadd.s32 s5;
	_ =	sdelay $0x1  }
0xa7: {  	s23 =	simm.s32 $0x1B8B  }
0xa8: {  	_ =	swait.ge [sflag:s23], $0x1  }
0xa9: {  	[sflag:s23] =	ssyncset.done $0x0  }
0xaa: {  	s25 =	simm.s32 $0x1B8E;
	s24 =	sld [smem:$0x3FFE];
	[sflag:s23] =	ssyncadd.s32 $0xFFFFFFFF  }
0xab: {  	s26 =	simm.s32 $execute0_lowered;
	[smem:$0x3FD2] =	sst s25  }
0xac: {  	s6 =	sshll.u32 s26, $0x1;
	_ =	strace $0x8000004C;
	[dreg:$0x1] =	wrdreg $0xFFFFFFFF  }
0xad: {  	s28 =	simm.s32 $_size_execute0_lowered;
	s4 =	sadd.s32 s4, s6;
	[dreg:$0x0] =	wrdreg $0x0  }
0xae: {  	s6 =	sshll.u32 s28, $0x1;
	[dreg:$0x2] =	wrdreg s4  }
0xaf: {  	[dreg:$0x3] =	wrdreg s6  }
0xb0: {  	[dreg:$0x4] =	wrdreg $0xC0  }
0xb1: {  	_ =	task [dreg:s8], $0x5FFFF  }
0xb2: {  	[dreg:$0x1] =	wrdreg $0xFFFFFFFF  }
0xb3: {  	[dreg:$0x0] =	wrdreg $0x60  }
0xb4: {  	[dreg:$0x2] =	wrdreg s17  }
0xb5: {  	[dreg:$0x3] =	wrdreg s24  }
0xb6: {  	[dreg:$0x4] =	wrdreg s16  }
0xb7: {  	[dreg:$0x5] =	wrdreg $0x9  }
0xb8: {  	_ =	task.clear_ibuf [dreg:s8], $0x6FFFF;
	_ =	strace $0x9000004C  }
0xb9: {  	s29 =	simm.s32 $0x9;
	_ =	strace $0x8000004E  }
0xba: {  	_ =	swait.ge [sflag:s29], $0x1  }
0xbb: {  	[sflag:s29] =	ssyncadd.s32 $0xFFFFFFFF  }
0xbc: {  	_ =	strace $0x9000004E  }
0xbd: {  	_ =	sfence  }
0xbe: {  	s30 =	sld [smem:$0x0];
	_ =	sdelay $0x2  }
0xbf: {  	s31 =	sshll.u32 s1, $0xD;
	s1 =	sshrl.u32 s1, $0x2  }
0xc0: {  	s3 =	sand.u32 $0x4000, s31;
	s1 =	sadd.s32 s1, s30  }
0xc1: {  	s0 =	sor.u32 s3, s0;
	s1 =	sshll.u32 s1, $0x11  }
0xc2: {  	s0 =	sor.u32 s1, s0  }
0xc3: {  	s0 =	sadd.s32 $0x8F2B, s0  }
0xc4: {  	[sflag:s0] =	ssyncadd.remote.s32 $0x1  }
0xc5: {  	_ =	sfence.sel $0xFFFF  }
0xc6: {  	[dreg:$0x0] =	wrdreg $0xFFFFFFFF;
	(pc) =	sbr.abs _section_cstart, $3  }
0xc7: {  	[dreg:$0x1] =	wrdreg $0xFFFFFFFF  }
0xc8: {  	_ =	task.clear_ibuf [dreg:s8], $0x2FFFF;
	_ =	strace $0x9FFFFFFF  }
0xc9: {  	(tm) =	ssettm $0x7FFFFFFF  }
tec
execute0_lowered:
.L_overlay_start_1:
0x0: {  	(tag) =	ssettag $0x1  }
0x1: {  	s2 =	rddreg [dreg:$0x0]  }
0x2: {  	s4 =	rddreg [dreg:$0x1]  }
0x3: {  	s22 =	rddreg [dreg:$0x2];
	s3 =	srdreg.scid  }
0x4: {  	s0 =	rddreg [dreg:$0x3];
	s1 =	stileid.u32;
	s23 =	sand.u32 $0x1, s3  }
0x5: {  	s3 =	simm.s32 $0x0;
	s5 =	sshll.u32 s1, $0x8;
	s6 =	sshll.u32 s23, $0x7  }
0x6: {  	s21 =	sadd.s32 $0x408000, s4;
	[smem:$0x7FF] =	sst s3;
	s24 =	sor.u32 s6, s5  }
0x7: {  	s4 =	simm.s32 $0x2;
	_ =	strace $0x8000004D;
	s5 =	sadd.s32 s21, s24  }
0x8: {  	[tilespmem:s3], [sflag:$0x2] =	stream.linear.gather [hbm4b:s5+s3], $0x80, $0x38;
	[tilespmem:$0x100] =	vst v63  }
0x9: {  	_ =	swait.ge [sflag:s4], $0x80  }
0xa: {  	[sflag:s4] =	ssyncset.done $0x0  }
0xb: {  	s7 =	simm.s32 $0x1;
	s6 =	simm.s32 $0x80;
	[sflag:s4] =	ssyncadd.s32 $0xFFFFFF80  }
0xc: {  	[tilespmem:s6], [sflag:$0x1] =	stream.indirect.gather [hbm4b:s2+s6], $0x1, s3, s6, $0xb8;
	[tilespmem:$0x100] =	vst v63  }
0xd: {  	_ =	swait.ge [sflag:s7], $0x80  }
0xe: {  	[sflag:s7] =	ssyncset.done $0x0  }
0xf: {  	s8 =	sadd.s32 s22, s24;
	[sflag:s7] =	ssyncadd.s32 $0xFFFFFF80  }
0x10: {  	[hbm4b:s8+s3] =	stream.linear.scatter [tilespmem:s6], [sflag:$0x2], $0x80, $0x38;
	[tilespmem:$0x100] =	vst v63  }
0x11: {  	_ =	swait.ge [sflag:s4], $0x80  }
0x12: {  	s10 =	sor.u32 $0x10, s24;
	[sflag:s4] =	ssyncset.done $0x0  }
0x13: {  	s9 =	sadd.s32 s21, s10;
	[sflag:s4] =	ssyncadd.s32 $0xFFFFFF80  }
0x14: {  	[tilespmem:s3], [sflag:$0x2] =	stream.linear.gather [hbm4b:s9+s3], $0x80, $0x38;
	[tilespmem:$0x100] =	vst v63  }
0x15: {  	_ =	swait.ge [sflag:s4], $0x80  }
0x16: {  	[sflag:s4] =	ssyncset.done $0x0  }
0x17: {  	[sflag:s4] =	ssyncadd.s32 $0xFFFFFF80  }
0x18: {  	[tilespmem:s6], [sflag:$0x1] =	stream.indirect.gather [hbm4b:s2+s6], $0x1, s3, s6, $0xb8;
	[tilespmem:$0x100] =	vst v63  }
0x19: {  	_ =	swait.ge [sflag:s7], $0x80  }
0x1a: {  	[sflag:s7] =	ssyncset.done $0x0  }
0x1b: {  	s10 =	sadd.s32 s22, s10;
	[sflag:s7] =	ssyncadd.s32 $0xFFFFFF80  }
0x1c: {  	[hbm4b:s10+s3] =	stream.linear.scatter [tilespmem:s6], [sflag:$0x2], $0x80, $0x38;
	[tilespmem:$0x100] =	vst v63  }
0x1d: {  	_ =	swait.ge [sflag:s4], $0x80  }
0x1e: {  	s12 =	sor.u32 $0x20, s24;
	[sflag:s4] =	ssyncset.done $0x0  }
0x1f: {  	s11 =	sadd.s32 s21, s12;
	[sflag:s4] =	ssyncadd.s32 $0xFFFFFF80  }
0x20: {  	[tilespmem:s3], [sflag:$0x2] =	stream.linear.gather [hbm4b:s11+s3], $0x80, $0x38;
	[tilespmem:$0x100] =	vst v63  }
0x21: {  	_ =	swait.ge [sflag:s4], $0x80  }
0x22: {  	[sflag:s4] =	ssyncset.done $0x0  }
0x23: {  	[sflag:s4] =	ssyncadd.s32 $0xFFFFFF80  }
0x24: {  	[tilespmem:s6], [sflag:$0x1] =	stream.indirect.gather [hbm4b:s2+s6], $0x1, s3, s6, $0xb8;
	[tilespmem:$0x100] =	vst v63  }
0x25: {  	_ =	swait.ge [sflag:s7], $0x80  }
0x26: {  	[sflag:s7] =	ssyncset.done $0x0  }
0x27: {  	s12 =	sadd.s32 s22, s12;
	[sflag:s7] =	ssyncadd.s32 $0xFFFFFF80  }
0x28: {  	[hbm4b:s12+s3] =	stream.linear.scatter [tilespmem:s6], [sflag:$0x2], $0x80, $0x38;
	[tilespmem:$0x100] =	vst v63  }
0x29: {  	_ =	swait.ge [sflag:s4], $0x80  }
0x2a: {  	s14 =	sor.u32 $0x30, s24;
	[sflag:s4] =	ssyncset.done $0x0  }
0x2b: {  	s13 =	sadd.s32 s21, s14;
	[sflag:s4] =	ssyncadd.s32 $0xFFFFFF80  }
0x2c: {  	[tilespmem:s3], [sflag:$0x2] =	stream.linear.gather [hbm4b:s13+s3], $0x80, $0x38;
	[tilespmem:$0x100] =	vst v63  }
0x2d: {  	_ =	swait.ge [sflag:s4], $0x80  }
0x2e: {  	[sflag:s4] =	ssyncset.done $0x0  }
0x2f: {  	[sflag:s4] =	ssyncadd.s32 $0xFFFFFF80  }
0x30: {  	[tilespmem:s6], [sflag:$0x1] =	stream.indirect.gather [hbm4b:s2+s6], $0x1, s3, s6, $0xb8;
	[tilespmem:$0x100] =	vst v63  }
0x31: {  	_ =	swait.ge [sflag:s7], $0x80  }
0x32: {  	[sflag:s7] =	ssyncset.done $0x0  }
0x33: {  	s14 =	sadd.s32 s22, s14;
	[sflag:s7] =	ssyncadd.s32 $0xFFFFFF80  }
0x34: {  	[hbm4b:s14+s3] =	stream.linear.scatter [tilespmem:s6], [sflag:$0x2], $0x80, $0x38;
	[tilespmem:$0x100] =	vst v63  }
0x35: {  	_ =	swait.ge [sflag:s4], $0x80  }
0x36: {  	s16 =	sor.u32 $0x40, s24;
	[sflag:s4] =	ssyncset.done $0x0  }
0x37: {  	s15 =	sadd.s32 s21, s16;
	[sflag:s4] =	ssyncadd.s32 $0xFFFFFF80  }
0x38: {  	[tilespmem:s3], [sflag:$0x2] =	stream.linear.gather [hbm4b:s15+s3], $0x80, $0x38;
	[tilespmem:$0x100] =	vst v63  }
0x39: {  	_ =	swait.ge [sflag:s4], $0x80  }
0x3a: {  	[sflag:s4] =	ssyncset.done $0x0  }
0x3b: {  	[sflag:s4] =	ssyncadd.s32 $0xFFFFFF80  }
0x3c: {  	[tilespmem:s6], [sflag:$0x1] =	stream.indirect.gather [hbm4b:s2+s6], $0x1, s3, s6, $0xb8;
	[tilespmem:$0x100] =	vst v63  }
0x3d: {  	_ =	swait.ge [sflag:s7], $0x80  }
0x3e: {  	[sflag:s7] =	ssyncset.done $0x0  }
0x3f: {  	s16 =	sadd.s32 s22, s16;
	[sflag:s7] =	ssyncadd.s32 $0xFFFFFF80  }
0x40: {  	[hbm4b:s16+s3] =	stream.linear.scatter [tilespmem:s6], [sflag:$0x2], $0x80, $0x38;
	[tilespmem:$0x100] =	vst v63  }
0x41: {  	_ =	swait.ge [sflag:s4], $0x80  }
0x42: {  	s18 =	sor.u32 $0x50, s24;
	[sflag:s4] =	ssyncset.done $0x0  }
0x43: {  	s17 =	sadd.s32 s21, s18;
	[sflag:s4] =	ssyncadd.s32 $0xFFFFFF80  }
0x44: {  	[tilespmem:s3], [sflag:$0x2] =	stream.linear.gather [hbm4b:s17+s3], $0x80, $0x38;
	[tilespmem:$0x100] =	vst v63  }
0x45: {  	_ =	swait.ge [sflag:s4], $0x80  }
0x46: {  	[sflag:s4] =	ssyncset.done $0x0  }
0x47: {  	[sflag:s4] =	ssyncadd.s32 $0xFFFFFF80  }
0x48: {  	[tilespmem:s6], [sflag:$0x1] =	stream.indirect.gather [hbm4b:s2+s6], $0x1, s3, s6, $0xb8;
	[tilespmem:$0x100] =	vst v63  }
0x49: {  	_ =	swait.ge [sflag:s7], $0x80  }
0x4a: {  	[sflag:s7] =	ssyncset.done $0x0  }
0x4b: {  	s18 =	sadd.s32 s22, s18;
	[sflag:s7] =	ssyncadd.s32 $0xFFFFFF80  }
0x4c: {  	[hbm4b:s18+s3] =	stream.linear.scatter [tilespmem:s6], [sflag:$0x2], $0x80, $0x38;
	[tilespmem:$0x100] =	vst v63  }
0x4d: {  	_ =	swait.ge [sflag:s4], $0x80  }
0x4e: {  	s20 =	sor.u32 $0x60, s24;
	[sflag:s4] =	ssyncset.done $0x0  }
0x4f: {  	s19 =	sadd.s32 s21, s20;
	[sflag:s4] =	ssyncadd.s32 $0xFFFFFF80  }
0x50: {  	[tilespmem:s3], [sflag:$0x2] =	stream.linear.gather [hbm4b:s19+s3], $0x80, $0x38;
	[tilespmem:$0x100] =	vst v63  }
0x51: {  	_ =	swait.ge [sflag:s4], $0x80  }
0x52: {  	[sflag:s4] =	ssyncset.done $0x0  }
0x53: {  	[sflag:s4] =	ssyncadd.s32 $0xFFFFFF80  }
0x54: {  	[tilespmem:s6], [sflag:$0x1] =	stream.indirect.gather [hbm4b:s2+s6], $0x1, s3, s6, $0xb8;
	[tilespmem:$0x100] =	vst v63  }
0x55: {  	_ =	swait.ge [sflag:s7], $0x80  }
0x56: {  	[sflag:s7] =	ssyncset.done $0x0  }
0x57: {  	s20 =	sadd.s32 s22, s20;
	[sflag:s7] =	ssyncadd.s32 $0xFFFFFF80  }
0x58: {  	[hbm4b:s20+s3] =	stream.linear.scatter [tilespmem:s6], [sflag:$0x2], $0x80, $0x38;
	[tilespmem:$0x100] =	vst v63  }
0x59: {  	_ =	swait.ge [sflag:s4], $0x80  }
0x5a: {  	s24 =	sor.u32 $0x70, s24;
	[sflag:s4] =	ssyncset.done $0x0  }
0x5b: {  	s23 =	ssub.s32 $0x2, s23;
	s21 =	sadd.s32 s21, s24;
	[sflag:s4] =	ssyncadd.s32 $0xFFFFFF80  }
0x5c: {  	[tilespmem:s3], [sflag:$0x2] =	stream.linear.gather [hbm4b:s21+s3], $0x80, $0x38;
	[tilespmem:$0x100] =	vst v63  }
0x5d: {  	s25 =	sshrl.u32 s23, $0x1;
	_ =	swait.ge [sflag:s4], $0x80  }
0x5e: {  	s23 =	ssub.s32 s23, s25;
	[sflag:s4] =	ssyncset.done $0x0  }
0x5f: {  	s23 =	smax.u32 s23, $0x1;
	[sflag:s4] =	ssyncadd.s32 $0xFFFFFF80  }
0x60: {  	[tilespmem:s6], [sflag:$0x1] =	stream.indirect.gather [hbm4b:s2+s6], $0x1, s3, s6, $0xb8;
	[tilespmem:$0x100] =	vst v63  }
0x61: {  	p0 =	sne.s32 s23, $0x1;
	_ =	swait.ge [sflag:s7], $0x80  }
.Ltmp0:
0x62: {  	[sflag:s7] =	ssyncset.done $0x0;
	(pc) =	sbr.rel @!p0 .LBB2_2-.Ltmp0, $4  }
0x63: {  	s22 =	sadd.s32 s22, s24;
	[sflag:s7] =	ssyncadd.s32 $0xFFFFFF80  }
0x64: {  	[hbm4b:s22+s3] =	stream.linear.scatter [tilespmem:s6], [sflag:$0x2], $0x80, $0x38;
	[tilespmem:$0x100] =	vst v63  }
0x65: {  	_ =	swait.ge [sflag:s4], $0x80  }
0x66: {  	s23 =	sadd.s32 $0xFFFFFFFF, s23;
	[sflag:s4] =	ssyncset.done $0x0  }
.LBB2_1:
0x67: {  	p0 =	sne.s32 s23, $0x1;
	s23 =	sadd.s32 $0xFFFFFFFF, s23;
	[sflag:s4] =	ssyncadd.s32 $0xFFFFFF80  }
0x68: {  	[tilespmem:s3], [sflag:$0x2] =	stream.linear.gather [hbm4b:s5+s3], $0x80, $0x38;
	[tilespmem:$0x100] =	vst v63  }
0x69: {  	_ =	swait.ge [sflag:s4], $0x80  }
0x6a: {  	[sflag:s4] =	ssyncset.done $0x0  }
0x6b: {  	[sflag:s4] =	ssyncadd.s32 $0xFFFFFF80  }
0x6c: {  	[tilespmem:s6], [sflag:$0x1] =	stream.indirect.gather [hbm4b:s2+s6], $0x1, s3, s6, $0xb8;
	[tilespmem:$0x100] =	vst v63  }
0x6d: {  	_ =	swait.ge [sflag:s7], $0x80  }
0x6e: {  	[sflag:s7] =	ssyncset.done $0x0  }
0x6f: {  	[sflag:s7] =	ssyncadd.s32 $0xFFFFFF80  }
0x70: {  	[hbm4b:s8+s3] =	stream.linear.scatter [tilespmem:s6], [sflag:$0x2], $0x80, $0x38;
	[tilespmem:$0x100] =	vst v63  }
0x71: {  	_ =	swait.ge [sflag:s4], $0x80  }
0x72: {  	[sflag:s4] =	ssyncset.done $0x0  }
0x73: {  	[sflag:s4] =	ssyncadd.s32 $0xFFFFFF80  }
0x74: {  	[tilespmem:s3], [sflag:$0x2] =	stream.linear.gather [hbm4b:s9+s3], $0x80, $0x38;
	[tilespmem:$0x100] =	vst v63  }
0x75: {  	_ =	swait.ge [sflag:s4], $0x80  }
0x76: {  	[sflag:s4] =	ssyncset.done $0x0  }
0x77: {  	[sflag:s4] =	ssyncadd.s32 $0xFFFFFF80  }
0x78: {  	[tilespmem:s6], [sflag:$0x1] =	stream.indirect.gather [hbm4b:s2+s6], $0x1, s3, s6, $0xb8;
	[tilespmem:$0x100] =	vst v63  }
0x79: {  	_ =	swait.ge [sflag:s7], $0x80  }
0x7a: {  	[sflag:s7] =	ssyncset.done $0x0  }
0x7b: {  	[sflag:s7] =	ssyncadd.s32 $0xFFFFFF80  }
0x7c: {  	[hbm4b:s10+s3] =	stream.linear.scatter [tilespmem:s6], [sflag:$0x2], $0x80, $0x38;
	[tilespmem:$0x100] =	vst v63  }
0x7d: {  	_ =	swait.ge [sflag:s4], $0x80  }
0x7e: {  	[sflag:s4] =	ssyncset.done $0x0  }
0x7f: {  	[sflag:s4] =	ssyncadd.s32 $0xFFFFFF80  }
0x80: {  	[tilespmem:s3], [sflag:$0x2] =	stream.linear.gather [hbm4b:s11+s3], $0x80, $0x38;
	[tilespmem:$0x100] =	vst v63  }
0x81: {  	_ =	swait.ge [sflag:s4], $0x80  }
0x82: {  	[sflag:s4] =	ssyncset.done $0x0  }
0x83: {  	[sflag:s4] =	ssyncadd.s32 $0xFFFFFF80  }
0x84: {  	[tilespmem:s6], [sflag:$0x1] =	stream.indirect.gather [hbm4b:s2+s6], $0x1, s3, s6, $0xb8;
	[tilespmem:$0x100] =	vst v63  }
0x85: {  	_ =	swait.ge [sflag:s7], $0x80  }
0x86: {  	[sflag:s7] =	ssyncset.done $0x0  }
0x87: {  	[sflag:s7] =	ssyncadd.s32 $0xFFFFFF80  }
0x88: {  	[hbm4b:s12+s3] =	stream.linear.scatter [tilespmem:s6], [sflag:$0x2], $0x80, $0x38;
	[tilespmem:$0x100] =	vst v63  }
0x89: {  	_ =	swait.ge [sflag:s4], $0x80  }
0x8a: {  	[sflag:s4] =	ssyncset.done $0x0  }
0x8b: {  	[sflag:s4] =	ssyncadd.s32 $0xFFFFFF80  }
0x8c: {  	[tilespmem:s3], [sflag:$0x2] =	stream.linear.gather [hbm4b:s13+s3], $0x80, $0x38;
	[tilespmem:$0x100] =	vst v63  }
0x8d: {  	_ =	swait.ge [sflag:s4], $0x80  }
0x8e: {  	[sflag:s4] =	ssyncset.done $0x0  }
0x8f: {  	[sflag:s4] =	ssyncadd.s32 $0xFFFFFF80  }
0x90: {  	[tilespmem:s6], [sflag:$0x1] =	stream.indirect.gather [hbm4b:s2+s6], $0x1, s3, s6, $0xb8;
	[tilespmem:$0x100] =	vst v63  }
0x91: {  	_ =	swait.ge [sflag:s7], $0x80  }
0x92: {  	[sflag:s7] =	ssyncset.done $0x0  }
0x93: {  	[sflag:s7] =	ssyncadd.s32 $0xFFFFFF80  }
0x94: {  	[hbm4b:s14+s3] =	stream.linear.scatter [tilespmem:s6], [sflag:$0x2], $0x80, $0x38;
	[tilespmem:$0x100] =	vst v63  }
0x95: {  	_ =	swait.ge [sflag:s4], $0x80  }
0x96: {  	[sflag:s4] =	ssyncset.done $0x0  }
0x97: {  	[sflag:s4] =	ssyncadd.s32 $0xFFFFFF80  }
0x98: {  	[tilespmem:s3], [sflag:$0x2] =	stream.linear.gather [hbm4b:s15+s3], $0x80, $0x38;
	[tilespmem:$0x100] =	vst v63  }
0x99: {  	_ =	swait.ge [sflag:s4], $0x80  }
0x9a: {  	[sflag:s4] =	ssyncset.done $0x0  }
0x9b: {  	[sflag:s4] =	ssyncadd.s32 $0xFFFFFF80  }
0x9c: {  	[tilespmem:s6], [sflag:$0x1] =	stream.indirect.gather [hbm4b:s2+s6], $0x1, s3, s6, $0xb8;
	[tilespmem:$0x100] =	vst v63  }
0x9d: {  	_ =	swait.ge [sflag:s7], $0x80  }
0x9e: {  	[sflag:s7] =	ssyncset.done $0x0  }
0x9f: {  	[sflag:s7] =	ssyncadd.s32 $0xFFFFFF80  }
0xa0: {  	[hbm4b:s16+s3] =	stream.linear.scatter [tilespmem:s6], [sflag:$0x2], $0x80, $0x38;
	[tilespmem:$0x100] =	vst v63  }
0xa1: {  	_ =	swait.ge [sflag:s4], $0x80  }
0xa2: {  	[sflag:s4] =	ssyncset.done $0x0  }
0xa3: {  	[sflag:s4] =	ssyncadd.s32 $0xFFFFFF80  }
0xa4: {  	[tilespmem:s3], [sflag:$0x2] =	stream.linear.gather [hbm4b:s17+s3], $0x80, $0x38;
	[tilespmem:$0x100] =	vst v63  }
0xa5: {  	_ =	swait.ge [sflag:s4], $0x80  }
0xa6: {  	[sflag:s4] =	ssyncset.done $0x0  }
0xa7: {  	[sflag:s4] =	ssyncadd.s32 $0xFFFFFF80  }
0xa8: {  	[tilespmem:s6], [sflag:$0x1] =	stream.indirect.gather [hbm4b:s2+s6], $0x1, s3, s6, $0xb8;
	[tilespmem:$0x100] =	vst v63  }
0xa9: {  	_ =	swait.ge [sflag:s7], $0x80  }
0xaa: {  	[sflag:s7] =	ssyncset.done $0x0  }
0xab: {  	[sflag:s7] =	ssyncadd.s32 $0xFFFFFF80  }
0xac: {  	[hbm4b:s18+s3] =	stream.linear.scatter [tilespmem:s6], [sflag:$0x2], $0x80, $0x38;
	[tilespmem:$0x100] =	vst v63  }
0xad: {  	_ =	swait.ge [sflag:s4], $0x80  }
0xae: {  	[sflag:s4] =	ssyncset.done $0x0  }
0xaf: {  	[sflag:s4] =	ssyncadd.s32 $0xFFFFFF80  }
0xb0: {  	[tilespmem:s3], [sflag:$0x2] =	stream.linear.gather [hbm4b:s19+s3], $0x80, $0x38;
	[tilespmem:$0x100] =	vst v63  }
0xb1: {  	_ =	swait.ge [sflag:s4], $0x80  }
0xb2: {  	[sflag:s4] =	ssyncset.done $0x0  }
0xb3: {  	[sflag:s4] =	ssyncadd.s32 $0xFFFFFF80  }
0xb4: {  	[tilespmem:s6], [sflag:$0x1] =	stream.indirect.gather [hbm4b:s2+s6], $0x1, s3, s6, $0xb8;
	[tilespmem:$0x100] =	vst v63  }
0xb5: {  	_ =	swait.ge [sflag:s7], $0x80  }
0xb6: {  	[sflag:s7] =	ssyncset.done $0x0  }
0xb7: {  	[sflag:s7] =	ssyncadd.s32 $0xFFFFFF80  }
0xb8: {  	[hbm4b:s20+s3] =	stream.linear.scatter [tilespmem:s6], [sflag:$0x2], $0x80, $0x38;
	[tilespmem:$0x100] =	vst v63  }
0xb9: {  	_ =	swait.ge [sflag:s4], $0x80  }
0xba: {  	[sflag:s4] =	ssyncset.done $0x0  }
0xbb: {  	[sflag:s4] =	ssyncadd.s32 $0xFFFFFF80  }
0xbc: {  	[tilespmem:s3], [sflag:$0x2] =	stream.linear.gather [hbm4b:s21+s3], $0x80, $0x38;
	[tilespmem:$0x100] =	vst v63  }
0xbd: {  	_ =	swait.ge [sflag:s4], $0x80  }
0xbe: {  	[sflag:s4] =	ssyncset.done $0x0  }
0xbf: {  	[sflag:s4] =	ssyncadd.s32 $0xFFFFFF80  }
0xc0: {  	[tilespmem:s6], [sflag:$0x1] =	stream.indirect.gather [hbm4b:s2+s6], $0x1, s3, s6, $0xb8;
	[tilespmem:$0x100] =	vst v63  }
0xc1: {  	_ =	swait.ge [sflag:s7], $0x80  }
.Ltmp1:
0xc2: {  	[sflag:s7] =	ssyncset.done $0x0;
	(pc) =	sbr.rel @p0 .LBB2_1-.Ltmp1, $4  }
0xc3: {  	[sflag:s7] =	ssyncadd.s32 $0xFFFFFF80  }
0xc4: {  	[hbm4b:s22+s3] =	stream.linear.scatter [tilespmem:s6], [sflag:$0x2], $0x80, $0x38;
	[tilespmem:$0x100] =	vst v63  }
0xc5: {  	_ =	swait.ge [sflag:s4], $0x80  }
0xc6: {  	[sflag:s4] =	ssyncset.done $0x0  }
.LBB2_2:
0xc7: {  	[sflag:s4] =	ssyncadd.s32 $0xFFFFFF80  }
0xc8: {  	_ =	sfence.sel $0x180000  }
0xc9: {  	[bflag:$0x0] =	sbarrier.arrive $0xFFFF  }
0xca: {  	p0 =	sne.s32 s1, $0x0;
	_ =	strace $0x9000004D  }
0xcb: {  	s0 =	sadd.s32 @!p0 $0x100000, s0;
	[bflag:$0x2] =	sbarrier.arrive $0xFFFF  }
0xcc: {  	[sflag:s0] =	ssyncadd.tile.s32 @!p0 $0x1;
	_ =	shalt  }
.Lfunc_end2:
_tile_overlayer_lowered:
.L_overlay_start_2:
0xcd: {  	(tag) =	ssettag $0x2  }
0xce: {  	s0 =	rddreg [dreg:$0x0];
	s2 =	stileid.u32  }
0xcf: {  	s1 =	rddreg [dreg:$0x1];
	p0 =	sne.s32 s2, $0x0  }
0xd0: {  	s3 =	rddreg [dreg:$0x2];
	[bflag:$0x3] =	sbarrier.arrive $0xFFFF;
	s2 =	simm.s32 @!p0 $0x1C02  }
0xd1: {  	[timem:s3], [sflag:s2] =	dma.local @!p0 [hbm:s0], s1  }
0xd2: {  	s0 =	simm.s32 @!p0 $0x2  }
0xd3: {  	_ =	swait.ge @!p0 [sflag:s0], s1  }
0xd4: {  	s1 =	ssub.s32 @!p0 $0x0, s1;
	[sflag:s0] =	ssyncset.done @!p0 $0x0  }
0xd5: {  	[sflag:s0] =	ssyncadd.s32 @!p0 s1  }
0xd6: {  	[bflag:$0x3] =	sbarrier.arrive $0xFFFF  }
0xd7: {  	_ =	shalt  }

</sc_bundles>
